<compile_context>
chip_gen: v7x
topology: tpu7x:2x2x1
jax: 0.10.2.dev20260603
libtpu: 0.0.44.dev20260713+nightly
codegen_flags: <defaults>
</compile_context>

<pallas_src>
import functools

import jax
import jax.numpy as jnp
from jax import lax
from jax.experimental import pallas as pl
from jax.experimental.pallas import tpu as pltpu
from jax.experimental.pallas import tpu_sc as plsc

B, S = 1024, 50
N = B * S
HIDDEN = 1024
EPS = 1e-05

NC, NS = 2, 16
NW = NC * NS
TOK_PER_W = N // NW
CHUNK = 80
NCHUNK = TOK_PER_W // CHUNK
BIG_WIDTHS = (256, 128)

TOK_TILE = 1024
GRID = N // TOK_TILE


def _sc_gather(sp_ids_a, mv_ids_a, sp_t, mv_t):
    mesh = plsc.VectorSubcoreMesh(core_axis_name="c", subcore_axis_name="s")

    @functools.partial(
        pl.kernel,
        mesh=mesh,
        out_type=[jax.ShapeDtypeStruct((N, 128), jnp.int32),
                  jax.ShapeDtypeStruct((N, 128), jnp.float32)],
        scratch_types=[
            pltpu.VMEM((TOK_PER_W,), jnp.int32),
            pltpu.VMEM((TOK_PER_W,), jnp.int32),
            pltpu.VMEM((CHUNK, 128), jnp.int32),
            pltpu.VMEM((CHUNK, 128), jnp.int32),
            pltpu.VMEM((CHUNK, 128), jnp.int32),
            pltpu.VMEM((CHUNK, 128), jnp.float32),
            pltpu.VMEM((CHUNK, 128), jnp.float32),
            pltpu.VMEM((CHUNK, 128), jnp.float32),
            pltpu.SemaphoreType.DMA,
            pltpu.SemaphoreType.DMA,
        ],
    )
    def k(sp_ids, mv_ids, sp_hbm, mv_hbm, o_sp, o_mv,
          i_sp, i_mv, b_sp0, b_sp1, b_sp2, b_mv0, b_mv1, b_mv2, gsem, ssem):
        wid = lax.axis_index("s") * NC + lax.axis_index("c")
        base_w = pl.multiple_of(wid * TOK_PER_W, TOK_PER_W)
        pltpu.sync_copy(sp_ids.at[wid], i_sp)
        pltpu.sync_copy(mv_ids.at[wid], i_mv)
        idxs = (i_sp, i_mv)
        tables = (sp_hbm, mv_hbm)
        bufs = ((b_sp0, b_sp1, b_sp2), (b_mv0, b_mv1, b_mv2))
        outs = (o_sp, o_mv)
        DEPTH = 3

        def gather(kk, slot):
            off = pl.multiple_of(kk * CHUNK, CHUNK)
            return [pltpu.async_copy(
                tables[t].at[idxs[t].at[pl.ds(off, CHUNK)]],
                bufs[t][slot], gsem) for t in range(2)]

        def store(kk, slot):
            off = pl.multiple_of(kk * CHUNK, CHUNK)
            return [pltpu.async_copy(
                bufs[t][slot], outs[t].at[pl.ds(base_w + off, CHUNK)], ssem)
                for t in range(2)]

        gaths = [None] * NCHUNK
        stores = [[] for _ in range(DEPTH)]
        for j in range(min(DEPTH - 1, NCHUNK)):
            gaths[j] = gather(j, j % DEPTH)
        for kk in range(NCHUNK):
            slot = kk % DEPTH
            nxt = kk + DEPTH - 1
            if nxt < NCHUNK:
                for x in stores[nxt % DEPTH]:
                    x.wait()
                stores[nxt % DEPTH] = []
                gaths[nxt] = gather(nxt, nxt % DEPTH)
            for x in gaths[kk]:
                x.wait()
            stores[slot] = store(kk, slot)
        for sl in range(DEPTH):
            for x in stores[sl]:
                x.wait()

    return k(sp_ids_a, mv_ids_a, sp_t, mv_t)


def _tc_body(ids6_ref,
             sp_ref, mv_ref, hbo_ref,
             st_t_ref, we_t_ref, te_t_ref, po_t_ref, it_t_ref, ab_t_ref,
             hb_W_ref, hb_b_ref,
             wproj_ref, proj_b_ref, gamma_ref, beta_ref, out_ref):
    f32 = jnp.float32
    bf16 = jnp.bfloat16

    def onehot_emb(row, tbl_ref, vocab):
        ids = ids6_ref[0, row, :]
        oh = (ids[:, None] == lax.broadcasted_iota(
            jnp.int32, (TOK_TILE, vocab), 1)).astype(bf16)
        return jnp.dot(oh, tbl_ref[...].astype(bf16),
                       preferred_element_type=f32)

    st_emb = onehot_emb(0, st_t_ref, 8)
    we_emb = onehot_emb(1, we_t_ref, 10)
    te_emb = onehot_emb(2, te_t_ref, 5)
    po_emb = onehot_emb(3, po_t_ref, 12)
    it_emb = onehot_emb(4, it_t_ref, 400)
    ab_emb = onehot_emb(5, ab_t_ref, 300)
    hb_emb = lax.dot_general(
        hbo_ref[...], hb_W_ref[...],
        dimension_numbers=(((0,), (0,)), ((), ())),
        preferred_element_type=f32) + hb_b_ref[...][None, :]

    spw = sp_ref[...]
    sp_lo = lax.bitcast_convert_type(spw << 16, f32)
    sp_hi = lax.bitcast_convert_type(spw & jnp.int32(-65536), f32)
    combined = jnp.concatenate([
        sp_lo, sp_hi,
        mv_ref[...], it_emb, ab_emb,
        hb_emb, st_emb, we_emb, te_emb, po_emb], axis=1).astype(bf16)

    acc = jnp.dot(combined, wproj_ref[...], preferred_element_type=f32)
    acc = acc + proj_b_ref[...][None, :]
    mean = jnp.mean(acc, axis=1, keepdims=True)
    cen = acc - mean
    var = jnp.mean(cen * cen, axis=1, keepdims=True)
    y = cen * lax.rsqrt(var + EPS)
    out_ref[...] = y * gamma_ref[...][None, :] + beta_ref[...][None, :]


def _full(shape):
    nd = len(shape)
    return pl.BlockSpec(shape, lambda i: (0,) * nd)


def kernel(species_ids, move_ids, item_ids, ability_ids, hp_values, stat_boosts,
           status_ids, weather_ids, terrain_ids, position_ids,
           species_table, move_table, item_table, ability_table,
           hp_W, hp_b, boost_W, boost_b,
           status_table, weather_table, terrain_table, position_table,
           proj_W, proj_b, ln_gamma, ln_beta):
    i32 = jnp.int32
    sp_idw = species_ids.T.reshape(NW, TOK_PER_W).astype(i32)
    mv_idw = move_ids.T.reshape(NW, TOK_PER_W).astype(i32)

    lo16 = lax.bitcast_convert_type(
        species_table[:, :128].astype(jnp.bfloat16), jnp.uint16).astype(jnp.uint32)
    hi16 = lax.bitcast_convert_type(
        species_table[:, 128:].astype(jnp.bfloat16), jnp.uint16).astype(jnp.uint32)
    sp_packed = lax.bitcast_convert_type(lo16 | (hi16 << 16), jnp.int32)
    sp_e, mv_e = _sc_gather(sp_idw, mv_idw, sp_packed, move_table)

    ids6 = jnp.stack([status_ids, weather_ids, terrain_ids, position_ids,
                      item_ids, ability_ids]).astype(i32).transpose(2, 0, 1)
    hbo = jnp.concatenate([hp_values.T.reshape(1, N),
                           stat_boosts.transpose(2, 1, 0).reshape(7, N)],
                          axis=0)
    hb_W = jnp.zeros((8, 64), jnp.float32)
    hb_W = hb_W.at[0, :32].set(hp_W[0]).at[1:, 32:].set(boost_W)
    hb_b = jnp.concatenate([hp_b, boost_b])
    wproj_bf = proj_W.astype(jnp.bfloat16)

    ids_spec = pl.BlockSpec((1, 6, TOK_TILE), lambda i: (i, 0, 0))

    out = pl.pallas_call(
        _tc_body,
        grid=(GRID,),
        in_specs=[
            ids_spec,
            pl.BlockSpec((TOK_TILE, 128), lambda i: (i, 0)),
            pl.BlockSpec((TOK_TILE, 128), lambda i: (i, 0)),
            pl.BlockSpec((8, TOK_TILE), lambda i: (0, i)),
            _full((8, 32)), _full((10, 32)), _full((5, 32)), _full((12, 64)),
            _full((400, 64)), _full((300, 64)),
            _full((8, 64)), _full((64,)),
            _full((736, HIDDEN)), _full((HIDDEN,)),
            _full((HIDDEN,)), _full((HIDDEN,)),
        ],
        out_specs=pl.BlockSpec((TOK_TILE, HIDDEN), lambda i: (i, 0)),
        out_shape=jax.ShapeDtypeStruct((N, HIDDEN), jnp.float32),
        compiler_params=pltpu.CompilerParams(
            dimension_semantics=("arbitrary",)),
    )(ids6, sp_e, mv_e, hbo,
      status_table, weather_table, terrain_table, position_table,
      item_table, ability_table,
      hb_W, hb_b,
      wproj_bf, proj_b, ln_gamma, ln_beta)

    return out.reshape(S, B, HIDDEN).transpose(1, 0, 2)

# --- scband reference (transcript-rebuilt; emitter-appended) ---
"""Pipeline reference for scband-pokemon-embedding-51384988729753 (READ-ONLY COPY).

The authoritative reference and input builder live on the scoring server;
editing this copy changes nothing except your own understanding.
"""

import jax, jax.numpy as jnp
import numpy as np

B, S = 1024, 50
HIDDEN = 1024
EPS = 1e-05

def setup_inputs(seed: int = 0) -> dict:
    key = jax.random.key(seed)
    ks = jax.random.split(key, 32)
    inp = {}
    inp['species_ids'] = jax.random.randint(ks[0], (B, S), 0, 1025, dtype=jnp.int64 if jax.config.jax_enable_x64 else jnp.int32)
    inp['move_ids'] = jax.random.randint(ks[1], (B, S), 0, 850)
    inp['item_ids'] = jax.random.randint(ks[2], (B, S), 0, 400)
    inp['ability_ids'] = jax.random.randint(ks[3], (B, S), 0, 300)
    inp['hp_values'] = jax.random.uniform(ks[4], (B, S), dtype=jnp.float32)
    inp['stat_boosts'] = jax.random.normal(ks[5], (B, S, 7), dtype=jnp.float32)
    inp['status_ids'] = jax.random.randint(ks[6], (B, S), 0, 8)
    inp['weather_ids'] = jax.random.randint(ks[7], (B, S), 0, 10)
    inp['terrain_ids'] = jax.random.randint(ks[8], (B, S), 0, 5)
    inp['position_ids'] = jax.random.randint(ks[9], (B, S), 0, 12)
    # learned parameters
    inp['species_table'] = jax.random.normal(ks[10], (1025, 256), dtype=jnp.float32) * 0.02
    inp['move_table'] = jax.random.normal(ks[11], (850, 128), dtype=jnp.float32) * 0.02
    inp['item_table'] = jax.random.normal(ks[12], (400, 64), dtype=jnp.float32) * 0.02
    inp['ability_table'] = jax.random.normal(ks[13], (300, 64), dtype=jnp.float32) * 0.02
    inp['hp_W'] = jax.random.normal(ks[14], (1, 32), dtype=jnp.float32) * 0.02
    inp['hp_b'] = jnp.zeros((32,), dtype=jnp.float32)
    inp['boost_W'] = jax.random.normal(ks[15], (7, 32), dtype=jnp.float32) * 0.02
    inp['boost_b'] = jnp.zeros((32,), dtype=jnp.float32)
    inp['status_table'] = jax.random.normal(ks[16], (8, 32), dtype=jnp.float32) * 0.02
    inp['weather_table'] = jax.random.normal(ks[17], (10, 32), dtype=jnp.float32) * 0.02
    inp['terrain_table'] = jax.random.normal(ks[18], (5, 32), dtype=jnp.float32) * 0.02
    inp['position_table'] = jax.random.normal(ks[19], (12, 64), dtype=jnp.float32) * 0.02
    inp['proj_W'] = jax.random.normal(ks[20], (736, HIDDEN), dtype=jnp.float32) * 0.02
    inp['proj_b'] = jnp.zeros((HIDDEN,), dtype=jnp.float32)
    inp['ln_gamma'] = jnp.ones((HIDDEN,), dtype=jnp.float32)
    inp['ln_beta'] = jnp.zeros((HIDDEN,), dtype=jnp.float32)
    return inp

def reference(species_ids, move_ids, item_ids, ability_ids, hp_values, stat_boosts,
              status_ids, weather_ids, terrain_ids, position_ids,
              species_table, move_table, item_table, ability_table,
              hp_W, hp_b, boost_W, boost_b,
              status_table, weather_table, terrain_table, position_table,
              proj_W, proj_b, ln_gamma, ln_beta):
    species_emb = jnp.take(species_table, species_ids, axis=0)
    move_emb = jnp.take(move_table, move_ids, axis=0)
    item_emb = jnp.take(item_table, item_ids, axis=0)
    ability_emb = jnp.take(ability_table, ability_ids, axis=0)
    hp_emb = hp_values[..., None] @ hp_W + hp_b
    boost_emb = stat_boosts @ boost_W + boost_b
    status_emb = jnp.take(status_table, status_ids, axis=0)
    weather_emb = jnp.take(weather_table, weather_ids, axis=0)
    terrain_emb = jnp.take(terrain_table, terrain_ids, axis=0)
    position_emb = jnp.take(position_table, position_ids, axis=0)
    combined = jnp.concatenate([species_emb, move_emb, item_emb, ability_emb,
                                hp_emb, boost_emb, status_emb, weather_emb,
                                terrain_emb, position_emb], axis=-1)
    emb = combined @ proj_W + proj_b
    mean = jnp.mean(emb, axis=-1, keepdims=True)
    var = jnp.var(emb, axis=-1, keepdims=True)
    emb = (emb - mean) / jnp.sqrt(var + EPS) * ln_gamma + ln_beta
    # dropout is identity in eval mode
    return emb

if __name__ == "__main__":
    import jax
    _d = setup_inputs()
    print(jax.jit(kernel)(*tuple(_d.values())))

</pallas_src>

<mosaic_0001>
#map = affine_map<(d0, d1) -> (0, 0)>
module attributes {stable_mosaic.version = 14 : i64} {
  func.func @k(%arg0: i32, %arg1: i32, %arg2: memref<32x1600xi32, #tpu.memory_space<hbm>>, %arg3: memref<32x1600xi32, #tpu.memory_space<hbm>>, %arg4: memref<1025x128xi32, #tpu.memory_space<hbm>>, %arg5: memref<850x128xf32, #tpu.memory_space<hbm>>, %arg6: memref<51200x128xi32, #tpu.memory_space<hbm>>, %arg7: memref<51200x128xf32, #tpu.memory_space<hbm>>, %arg8: memref<1600xi32, #tpu.memory_space<vmem>>, %arg9: memref<1600xi32, #tpu.memory_space<vmem>>, %arg10: memref<80x128xi32, #tpu.memory_space<vmem>>, %arg11: memref<80x128xi32, #tpu.memory_space<vmem>>, %arg12: memref<80x128xi32, #tpu.memory_space<vmem>>, %arg13: memref<80x128xf32, #tpu.memory_space<vmem>>, %arg14: memref<80x128xf32, #tpu.memory_space<vmem>>, %arg15: memref<80x128xf32, #tpu.memory_space<vmem>>, %arg16: memref<!tpu.dma_semaphore, #tpu.memory_space<semaphore_mem>>, %arg17: memref<!tpu.dma_semaphore, #tpu.memory_space<semaphore_mem>>) attributes {dimension_semantics = [#tpu.dimension_semantics<core_parallel>, #tpu.dimension_semantics<subcore_parallel>], iteration_bounds = array<i64: 2, 16>, scalar_prefetch = 0 : i64, scratch_operands = 10 : i64, tpu.core_type = #tpu.core_type<sc_vector_subcore>, window_params = [{transform_indices = #map}, {transform_indices = #map}, {transform_indices = #map}, {transform_indices = #map}, {transform_indices = #map}, {transform_indices = #map}]} {
    %mul3A = arith.constant 2 : i32
    %mul3A_0 = arith.muli %arg1, %mul3A : i32
    %add3A = arith.addi %mul3A_0, %arg0 : i32
    %mul3A_1 = arith.constant 1600 : i32
    %mul3A_2 = arith.muli %add3A, %mul3A_1 : i32
    %multiple_of3A = tpu.assume_multiple %mul3A_2, 1600 : i32
    "tpu.region"() ({
      %run_scoped3A = tpu.sem_alloc : memref<!tpu.dma_semaphore, #tpu.memory_space<semaphore_mem>>
      %dma_start3A_761 = arith.constant 0 : i32
      %dma_start3A_762 = tpu.memref_slice %arg2[%add3A, %dma_start3A_761] : memref<32x1600xi32, #tpu.memory_space<hbm>> -> memref<1x1600xi32, #tpu.memory_space<hbm>>
      %dma_start3A_763 = tpu.memref_squeeze %dma_start3A_762 : memref<1x1600xi32, #tpu.memory_space<hbm>> -> memref<1600xi32, #tpu.memory_space<hbm>>
      %dma_start3A_764 = arith.constant 0 : i32
      %dma_start3A_765 = tpu.memref_slice %arg2[%add3A, %dma_start3A_764] : memref<32x1600xi32, #tpu.memory_space<hbm>> -> memref<1x1600xi32, #tpu.memory_space<hbm>>
      %dma_start3A_766 = tpu.memref_squeeze %dma_start3A_765 : memref<1x1600xi32, #tpu.memory_space<hbm>> -> memref<1600xi32, #tpu.memory_space<hbm>>
      tpu.enqueue_dma source(%dma_start3A_766 : memref<1600xi32, #tpu.memory_space<hbm>>) target(%arg8 : memref<1600xi32, #tpu.memory_space<vmem>>) target_semaphore(%run_scoped3A : memref<!tpu.dma_semaphore, #tpu.memory_space<semaphore_mem>>)
      %dma_wait3A_767 = arith.constant 0 : i32
      %dma_wait3A_768 = tpu.memref_slice %arg2[%add3A, %dma_wait3A_767] : memref<32x1600xi32, #tpu.memory_space<hbm>> -> memref<1x1600xi32, #tpu.memory_space<hbm>>
      %dma_wait3A_769 = tpu.memref_squeeze %dma_wait3A_768 : memref<1x1600xi32, #tpu.memory_space<hbm>> -> memref<1600xi32, #tpu.memory_space<hbm>>
      %dma_wait3A_770 = arith.constant 0 : i32
      %dma_wait3A_771 = tpu.memref_slice %arg2[%add3A, %dma_wait3A_770] : memref<32x1600xi32, #tpu.memory_space<hbm>> -> memref<1x1600xi32, #tpu.memory_space<hbm>>
      %dma_wait3A_772 = tpu.memref_squeeze %dma_wait3A_771 : memref<1x1600xi32, #tpu.memory_space<hbm>> -> memref<1600xi32, #tpu.memory_space<hbm>>
      tpu.wait_dma2 semaphore(%run_scoped3A : memref<!tpu.dma_semaphore, #tpu.memory_space<semaphore_mem>>) src(%dma_wait3A_772 : memref<1600xi32, #tpu.memory_space<hbm>>) dst(%arg8 : memref<1600xi32, #tpu.memory_space<vmem>>)
      tpu.yield
    }) : () -> ()
    "tpu.region"() ({
      %run_scoped3A = tpu.sem_alloc : memref<!tpu.dma_semaphore, #tpu.memory_space<semaphore_mem>>
      %dma_start3A_761 = arith.constant 0 : i32
      %dma_start3A_762 = tpu.memref_slice %arg3[%add3A, %dma_start3A_761] : memref<32x1600xi32, #tpu.memory_space<hbm>> -> memref<1x1600xi32, #tpu.memory_space<hbm>>
      %dma_start3A_763 = tpu.memref_squeeze %dma_start3A_762 : memref<1x1600xi32, #tpu.memory_space<hbm>> -> memref<1600xi32, #tpu.memory_space<hbm>>
      %dma_start3A_764 = arith.constant 0 : i32
      %dma_start3A_765 = tpu.memref_slice %arg3[%add3A, %dma_start3A_764] : memref<32x1600xi32, #tpu.memory_space<hbm>> -> memref<1x1600xi32, #tpu.memory_space<hbm>>
      %dma_start3A_766 = tpu.memref_squeeze %dma_start3A_765 : memref<1x1600xi32, #tpu.memory_space<hbm>> -> memref<1600xi32, #tpu.memory_space<hbm>>
      tpu.enqueue_dma source(%dma_start3A_766 : memref<1600xi32, #tpu.memory_space<hbm>>) target(%arg9 : memref<1600xi32, #tpu.memory_space<vmem>>) target_semaphore(%run_scoped3A : memref<!tpu.dma_semaphore, #tpu.memory_space<semaphore_mem>>)
      %dma_wait3A_767 = arith.constant 0 : i32
      %dma_wait3A_768 = tpu.memref_slice %arg3[%add3A, %dma_wait3A_767] : memref<32x1600xi32, #tpu.memory_space<hbm>> -> memref<1x1600xi32, #tpu.memory_space<hbm>>
      %dma_wait3A_769 = tpu.memref_squeeze %dma_wait3A_768 : memref<1x1600xi32, #tpu.memory_space<hbm>> -> memref<1600xi32, #tpu.memory_space<hbm>>
      %dma_wait3A_770 = arith.constant 0 : i32
      %dma_wait3A_771 = tpu.memref_slice %arg3[%add3A, %dma_wait3A_770] : memref<32x1600xi32, #tpu.memory_space<hbm>> -> memref<1x1600xi32, #tpu.memory_space<hbm>>
      %dma_wait3A_772 = tpu.memref_squeeze %dma_wait3A_771 : memref<1x1600xi32, #tpu.memory_space<hbm>> -> memref<1600xi32, #tpu.memory_space<hbm>>
      tpu.wait_dma2 semaphore(%run_scoped3A : memref<!tpu.dma_semaphore, #tpu.memory_space<semaphore_mem>>) src(%dma_wait3A_772 : memref<1600xi32, #tpu.memory_space<hbm>>) dst(%arg9 : memref<1600xi32, #tpu.memory_space<vmem>>)
      tpu.yield
    }) : () -> ()
    %multiple_of3A_3 = arith.constant 0 : i32
    %multiple_of3A_4 = tpu.assume_multiple %multiple_of3A_3, 80 : i32
    %dma_start3A = tpu.memref_slice %arg8[%multiple_of3A_4] : memref<1600xi32, #tpu.memory_space<vmem>> -> memref<80xi32, #tpu.memory_space<vmem>>
    %dma_start3A_5 = arith.constant 0 : i32
    %dma_start3A_6 = arith.constant 0 : i32
    %dma_start3A_7 = tpu.memref_slice %arg4[%dma_start3A_5, %dma_start3A_6] : memref<1025x128xi32, #tpu.memory_space<hbm>> -> memref<1025x128xi32, #tpu.memory_space<hbm>>
    tpu.enqueue_indirect_dma source(%dma_start3A_7 : memref<1025x128xi32, #tpu.memory_space<hbm>>) target(%arg10 : memref<80x128xi32, #tpu.memory_space<vmem>>) offsets(%dma_start3A : memref<80xi32, #tpu.memory_space<vmem>>) semaphore(%arg16 : memref<!tpu.dma_semaphore, #tpu.memory_space<semaphore_mem>>)
    %dma_start3A_8 = tpu.memref_slice %arg9[%multiple_of3A_4] : memref<1600xi32, #tpu.memory_space<vmem>> -> memref<80xi32, #tpu.memory_space<vmem>>
    %dma_start3A_9 = arith.constant 0 : i32
    %dma_start3A_10 = arith.constant 0 : i32
    %dma_start3A_11 = tpu.memref_slice %arg5[%dma_start3A_9, %dma_start3A_10] : memref<850x128xf32, #tpu.memory_space<hbm>> -> memref<850x128xf32, #tpu.memory_space<hbm>>
    tpu.enqueue_indirect_dma source(%dma_start3A_11 : memref<850x128xf32, #tpu.memory_space<hbm>>) target(%arg13 : memref<80x128xf32, #tpu.memory_space<vmem>>) offsets(%dma_start3A_8 : memref<80xi32, #tpu.memory_space<vmem>>) semaphore(%arg16 : memref<!tpu.dma_semaphore, #tpu.memory_space<semaphore_mem>>)
    %multiple_of3A_12 = arith.constant 80 : i32
    %multiple_of3A_13 = tpu.assume_multiple %multiple_of3A_12, 80 : i32
    %dma_start3A_14 = tpu.memref_slice %arg8[%multiple_of3A_13] : memref<1600xi32, #tpu.memory_space<vmem>> -> memref<80xi32, #tpu.memory_space<vmem>>
    %dma_start3A_15 = arith.constant 0 : i32
    %dma_start3A_16 = arith.constant 0 : i32
    %dma_start3A_17 = tpu.memref_slice %arg4[%dma_start3A_15, %dma_start3A_16] : memref<1025x128xi32, #tpu.memory_space<hbm>> -> memref<1025x128xi32, #tpu.memory_space<hbm>>
    tpu.enqueue_indirect_dma source(%dma_start3A_17 : memref<1025x128xi32, #tpu.memory_space<hbm>>) target(%arg11 : memref<80x128xi32, #tpu.memory_space<vmem>>) offsets(%dma_start3A_14 : memref<80xi32, #tpu.memory_space<vmem>>) semaphore(%arg16 : memref<!tpu.dma_semaphore, #tpu.memory_space<semaphore_mem>>)
    %dma_start3A_18 = tpu.memref_slice %arg9[%multiple_of3A_13] : memref<1600xi32, #tpu.memory_space<vmem>> -> memref<80xi32, #tpu.memory_space<vmem>>
    %dma_start3A_19 = arith.constant 0 : i32
    %dma_start3A_20 = arith.constant 0 : i32
    %dma_start3A_21 = tpu.memref_slice %arg5[%dma_start3A_19, %dma_start3A_20] : memref<850x128xf32, #tpu.memory_space<hbm>> -> memref<850x128xf32, #tpu.memory_space<hbm>>
    tpu.enqueue_indirect_dma source(%dma_start3A_21 : memref<850x128xf32, #tpu.memory_space<hbm>>) target(%arg14 : memref<80x128xf32, #tpu.memory_space<vmem>>) offsets(%dma_start3A_18 : memref<80xi32, #tpu.memory_space<vmem>>) semaphore(%arg16 : memref<!tpu.dma_semaphore, #tpu.memory_space<semaphore_mem>>)
    %multiple_of3A_22 = arith.constant 160 : i32
    %multiple_of3A_23 = tpu.assume_multiple %multiple_of3A_22, 80 : i32
    %dma_start3A_24 = tpu.memref_slice %arg8[%multiple_of3A_23] : memref<1600xi32, #tpu.memory_space<vmem>> -> memref<80xi32, #tpu.memory_space<vmem>>
    %dma_start3A_25 = arith.constant 0 : i32
    %dma_start3A_26 = arith.constant 0 : i32
    %dma_start3A_27 = tpu.memref_slice %arg4[%dma_start3A_25, %dma_start3A_26] : memref<1025x128xi32, #tpu.memory_space<hbm>> -> memref<1025x128xi32, #tpu.memory_space<hbm>>
    tpu.enqueue_indirect_dma source(%dma_start3A_27 : memref<1025x128xi32, #tpu.memory_space<hbm>>) target(%arg12 : memref<80x128xi32, #tpu.memory_space<vmem>>) offsets(%dma_start3A_24 : memref<80xi32, #tpu.memory_space<vmem>>) semaphore(%arg16 : memref<!tpu.dma_semaphore, #tpu.memory_space<semaphore_mem>>)
    %dma_start3A_28 = tpu.memref_slice %arg9[%multiple_of3A_23] : memref<1600xi32, #tpu.memory_space<vmem>> -> memref<80xi32, #tpu.memory_space<vmem>>
    %dma_start3A_29 = arith.constant 0 : i32
    %dma_start3A_30 = arith.constant 0 : i32
    %dma_start3A_31 = tpu.memref_slice %arg5[%dma_start3A_29, %dma_start3A_30] : memref<850x128xf32, #tpu.memory_space<hbm>> -> memref<850x128xf32, #tpu.memory_space<hbm>>
    tpu.enqueue_indirect_dma source(%dma_start3A_31 : memref<850x128xf32, #tpu.memory_space<hbm>>) target(%arg15 : memref<80x128xf32, #tpu.memory_space<vmem>>) offsets(%dma_start3A_28 : memref<80xi32, #tpu.memory_space<vmem>>) semaphore(%arg16 : memref<!tpu.dma_semaphore, #tpu.memory_space<semaphore_mem>>)
    %dma_wait3A = tpu.memref_slice %arg8[%multiple_of3A_4] : memref<1600xi32, #tpu.memory_space<vmem>> -> memref<80xi32, #tpu.memory_space<vmem>>
    %dma_wait3A_32 = arith.constant 0 : i32
    %dma_wait3A_33 = arith.constant 0 : i32
    %dma_wait3A_34 = tpu.memref_slice %arg4[%dma_wait3A_32, %dma_wait3A_33] : memref<1025x128xi32, #tpu.memory_space<hbm>> -> memref<1025x128xi32, #tpu.memory_space<hbm>>
    tpu.wait_indirect_dma semaphore(%arg16 : memref<!tpu.dma_semaphore, #tpu.memory_space<semaphore_mem>>) src(%dma_wait3A_34 : memref<1025x128xi32, #tpu.memory_space<hbm>>) dst(%arg10 : memref<80x128xi32, #tpu.memory_space<vmem>>)
    %dma_wait3A_35 = tpu.memref_slice %arg9[%multiple_of3A_4] : memref<1600xi32, #tpu.memory_space<vmem>> -> memref<80xi32, #tpu.memory_space<vmem>>
    %dma_wait3A_36 = arith.constant 0 : i32
    %dma_wait3A_37 = arith.constant 0 : i32
    %dma_wait3A_38 = tpu.memref_slice %arg5[%dma_wait3A_36, %dma_wait3A_37] : memref<850x128xf32, #tpu.memory_space<hbm>> -> memref<850x128xf32, #tpu.memory_space<hbm>>
    tpu.wait_indirect_dma semaphore(%arg16 : memref<!tpu.dma_semaphore, #tpu.memory_space<semaphore_mem>>) src(%dma_wait3A_38 : memref<850x128xf32, #tpu.memory_space<hbm>>) dst(%arg13 : memref<80x128xf32, #tpu.memory_space<vmem>>)
    %multiple_of3A_39 = arith.constant 0 : i32
    %multiple_of3A_40 = tpu.assume_multiple %multiple_of3A_39, 80 : i32
    %add3A_41 = arith.addi %multiple_of3A, %multiple_of3A_40 : i32
    %dma_start3A_42 = arith.constant 0 : i32
    %dma_start3A_43 = tpu.memref_slice %arg6[%add3A_41, %dma_start3A_42] : memref<51200x128xi32, #tpu.memory_space<hbm>> -> memref<80x128xi32, #tpu.memory_space<hbm>>
    %dma_start3A_44 = arith.constant 0 : i32
    %dma_start3A_45 = tpu.memref_slice %arg6[%add3A_41, %dma_start3A_44] : memref<51200x128xi32, #tpu.memory_space<hbm>> -> memref<80x128xi32, #tpu.memory_space<hbm>>
    tpu.enqueue_dma source(%arg10 : memref<80x128xi32, #tpu.memory_space<vmem>>) target(%dma_start3A_45 : memref<80x128xi32, #tpu.memory_space<hbm>>) target_semaphore(%arg17 : memref<!tpu.dma_semaphore, #tpu.memory_space<semaphore_mem>>)
    %add3A_46 = arith.addi %multiple_of3A, %multiple_of3A_40 : i32
    %dma_start3A_47 = arith.constant 0 : i32
    %dma_start3A_48 = tpu.memref_slice %arg7[%add3A_46, %dma_start3A_47] : memref<51200x128xf32, #tpu.memory_space<hbm>> -> memref<80x128xf32, #tpu.memory_space<hbm>>
    %dma_start3A_49 = arith.constant 0 : i32
    %dma_start3A_50 = tpu.memref_slice %arg7[%add3A_46, %dma_start3A_49] : memref<51200x128xf32, #tpu.memory_space<hbm>> -> memref<80x128xf32, #tpu.memory_space<hbm>>
    tpu.enqueue_dma source(%arg13 : memref<80x128xf32, #tpu.memory_space<vmem>>) target(%dma_start3A_50 : memref<80x128xf32, #tpu.memory_space<hbm>>) target_semaphore(%arg17 : memref<!tpu.dma_semaphore, #tpu.memory_space<semaphore_mem>>)
    %dma_wait3A_51 = arith.constant 0 : i32
    %dma_wait3A_52 = tpu.memref_slice %arg6[%add3A_41, %dma_wait3A_51] : memref<51200x128xi32, #tpu.memory_space<hbm>> -> memref<80x128xi32, #tpu.memory_space<hbm>>
    %dma_wait3A_53 = arith.constant 0 : i32
    %dma_wait3A_54 = tpu.memref_slice %arg6[%add3A_41, %dma_wait3A_53] : memref<51200x128xi32, #tpu.memory_space<hbm>> -> memref<80x128xi32, #tpu.memory_space<hbm>>
    tpu.wait_dma2 semaphore(%arg17 : memref<!tpu.dma_semaphore, #tpu.memory_space<semaphore_mem>>) src(%arg10 : memref<80x128xi32, #tpu.memory_space<vmem>>) dst(%dma_wait3A_54 : memref<80x128xi32, #tpu.memory_space<hbm>>)
    %dma_wait3A_55 = arith.constant 0 : i32
    %dma_wait3A_56 = tpu.memref_slice %arg7[%add3A_46, %dma_wait3A_55] : memref<51200x128xf32, #tpu.memory_space<hbm>> -> memref<80x128xf32, #tpu.memory_space<hbm>>
    %dma_wait3A_57 = arith.constant 0 : i32
    %dma_wait3A_58 = tpu.memref_slice %arg7[%add3A_46, %dma_wait3A_57] : memref<51200x128xf32, #tpu.memory_space<hbm>> -> memref<80x128xf32, #tpu.memory_space<hbm>>
    tpu.wait_dma2 semaphore(%arg17 : memref<!tpu.dma_semaphore, #tpu.memory_space<semaphore_mem>>) src(%arg13 : memref<80x128xf32, #tpu.memory_space<vmem>>) dst(%dma_wait3A_58 : memref<80x128xf32, #tpu.memory_space<hbm>>)
    %multiple_of3A_59 = arith.constant 240 : i32
    %multiple_of3A_60 = tpu.assume_multiple %multiple_of3A_59, 80 : i32
    %dma_start3A_61 = tpu.memref_slice %arg8[%multiple_of3A_60] : memref<1600xi32, #tpu.memory_space<vmem>> -> memref<80xi32, #tpu.memory_space<vmem>>
    %dma_start3A_62 = arith.constant 0 : i32
    %dma_start3A_63 = arith.constant 0 : i32
    %dma_start3A_64 = tpu.memref_slice %arg4[%dma_start3A_62, %dma_start3A_63] : memref<1025x128xi32, #tpu.memory_space<hbm>> -> memref<1025x128xi32, #tpu.memory_space<hbm>>
    tpu.enqueue_indirect_dma source(%dma_start3A_64 : memref<1025x128xi32, #tpu.memory_space<hbm>>) target(%arg10 : memref<80x128xi32, #tpu.memory_space<vmem>>) offsets(%dma_start3A_61 : memref<80xi32, #tpu.memory_space<vmem>>) semaphore(%arg16 : memref<!tpu.dma_semaphore, #tpu.memory_space<semaphore_mem>>)
    %dma_start3A_65 = tpu.memref_slice %arg9[%multiple_of3A_60] : memref<1600xi32, #tpu.memory_space<vmem>> -> memref<80xi32, #tpu.memory_space<vmem>>
    %dma_start3A_66 = arith.constant 0 : i32
    %dma_start3A_67 = arith.constant 0 : i32
    %dma_start3A_68 = tpu.memref_slice %arg5[%dma_start3A_66, %dma_start3A_67] : memref<850x128xf32, #tpu.memory_space<hbm>> -> memref<850x128xf32, #tpu.memory_space<hbm>>
    tpu.enqueue_indirect_dma source(%dma_start3A_68 : memref<850x128xf32, #tpu.memory_space<hbm>>) target(%arg13 : memref<80x128xf32, #tpu.memory_space<vmem>>) offsets(%dma_start3A_65 : memref<80xi32, #tpu.memory_space<vmem>>) semaphore(%arg16 : memref<!tpu.dma_semaphore, #tpu.memory_space<semaphore_mem>>)
    %dma_wait3A_69 = tpu.memref_slice %arg8[%multiple_of3A_13] : memref<1600xi32, #tpu.memory_space<vmem>> -> memref<80xi32, #tpu.memory_space<vmem>>
    %dma_wait3A_70 = arith.constant 0 : i32
    %dma_wait3A_71 = arith.constant 0 : i32
    %dma_wait3A_72 = tpu.memref_slice %arg4[%dma_wait3A_70, %dma_wait3A_71] : memref<1025x128xi32, #tpu.memory_space<hbm>> -> memref<1025x128xi32, #tpu.memory_space<hbm>>
    tpu.wait_indirect_dma semaphore(%arg16 : memref<!tpu.dma_semaphore, #tpu.memory_space<semaphore_mem>>) src(%dma_wait3A_72 : memref<1025x128xi32, #tpu.memory_space<hbm>>) dst(%arg11 : memref<80x128xi32, #tpu.memory_space<vmem>>)
    %dma_wait3A_73 = tpu.memref_slice %arg9[%multiple_of3A_13] : memref<1600xi32, #tpu.memory_space<vmem>> -> memref<80xi32, #tpu.memory_space<vmem>>
    %dma_wait3A_74 = arith.constant 0 : i32
    %dma_wait3A_75 = arith.constant 0 : i32
    %dma_wait3A_76 = tpu.memref_slice %arg5[%dma_wait3A_74, %dma_wait3A_75] : memref<850x128xf32, #tpu.memory_space<hbm>> -> memref<850x128xf32, #tpu.memory_space<hbm>>
    tpu.wait_indirect_dma semaphore(%arg16 : memref<!tpu.dma_semaphore, #tpu.memory_space<semaphore_mem>>) src(%dma_wait3A_76 : memref<850x128xf32, #tpu.memory_space<hbm>>) dst(%arg14 : memref<80x128xf32, #tpu.memory_space<vmem>>)
    %multiple_of3A_77 = arith.constant 80 : i32
    %multiple_of3A_78 = tpu.assume_multiple %multiple_of3A_77, 80 : i32
    %add3A_79 = arith.addi %multiple_of3A, %multiple_of3A_78 : i32
    %dma_start3A_80 = arith.constant 0 : i32
    %dma_start3A_81 = tpu.memref_slice %arg6[%add3A_79, %dma_start3A_80] : memref<51200x128xi32, #tpu.memory_space<hbm>> -> memref<80x128xi32, #tpu.memory_space<hbm>>
    %dma_start3A_82 = arith.constant 0 : i32
    %dma_start3A_83 = tpu.memref_slice %arg6[%add3A_79, %dma_start3A_82] : memref<51200x128xi32, #tpu.memory_space<hbm>> -> memref<80x128xi32, #tpu.memory_space<hbm>>
    tpu.enqueue_dma source(%arg11 : memref<80x128xi32, #tpu.memory_space<vmem>>) target(%dma_start3A_83 : memref<80x128xi32, #tpu.memory_space<hbm>>) target_semaphore(%arg17 : memref<!tpu.dma_semaphore, #tpu.memory_space<semaphore_mem>>)
    %add3A_84 = arith.addi %multiple_of3A, %multiple_of3A_78 : i32
    %dma_start3A_85 = arith.constant 0 : i32
    %dma_start3A_86 = tpu.memref_slice %arg7[%add3A_84, %dma_start3A_85] : memref<51200x128xf32, #tpu.memory_space<hbm>> -> memref<80x128xf32, #tpu.memory_space<hbm>>
    %dma_start3A_87 = arith.constant 0 : i32
    %dma_start3A_88 = tpu.memref_slice %arg7[%add3A_84, %dma_start3A_87] : memref<51200x128xf32, #tpu.memory_space<hbm>> -> memref<80x128xf32, #tpu.memory_space<hbm>>
    tpu.enqueue_dma source(%arg14 : memref<80x128xf32, #tpu.memory_space<vmem>>) target(%dma_start3A_88 : memref<80x128xf32, #tpu.memory_space<hbm>>) target_semaphore(%arg17 : memref<!tpu.dma_semaphore, #tpu.memory_space<semaphore_mem>>)
    %dma_wait3A_89 = arith.constant 0 : i32
    %dma_wait3A_90 = tpu.memref_slice %arg6[%add3A_79, %dma_wait3A_89] : memref<51200x128xi32, #tpu.memory_space<hbm>> -> memref<80x128xi32, #tpu.memory_space<hbm>>
    %dma_wait3A_91 = arith.constant 0 : i32
    %dma_wait3A_92 = tpu.memref_slice %arg6[%add3A_79, %dma_wait3A_91] : memref<51200x128xi32, #tpu.memory_space<hbm>> -> memref<80x128xi32, #tpu.memory_space<hbm>>
    tpu.wait_dma2 semaphore(%arg17 : memref<!tpu.dma_semaphore, #tpu.memory_space<semaphore_mem>>) src(%arg11 : memref<80x128xi32, #tpu.memory_space<vmem>>) dst(%dma_wait3A_92 : memref<80x128xi32, #tpu.memory_space<hbm>>)
    %dma_wait3A_93 = arith.constant 0 : i32
    %dma_wait3A_94 = tpu.memref_slice %arg7[%add3A_84, %dma_wait3A_93] : memref<51200x128xf32, #tpu.memory_space<hbm>> -> memref<80x128xf32, #tpu.memory_space<hbm>>
    %dma_wait3A_95 = arith.constant 0 : i32
    %dma_wait3A_96 = tpu.memref_slice %arg7[%add3A_84, %dma_wait3A_95] : memref<51200x128xf32, #tpu.memory_space<hbm>> -> memref<80x128xf32, #tpu.memory_space<hbm>>
    tpu.wait_dma2 semaphore(%arg17 : memref<!tpu.dma_semaphore, #tpu.memory_space<semaphore_mem>>) src(%arg14 : memref<80x128xf32, #tpu.memory_space<vmem>>) dst(%dma_wait3A_96 : memref<80x128xf32, #tpu.memory_space<hbm>>)
    %multiple_of3A_97 = arith.constant 320 : i32
    %multiple_of3A_98 = tpu.assume_multiple %multiple_of3A_97, 80 : i32
    %dma_start3A_99 = tpu.memref_slice %arg8[%multiple_of3A_98] : memref<1600xi32, #tpu.memory_space<vmem>> -> memref<80xi32, #tpu.memory_space<vmem>>
    %dma_start3A_100 = arith.constant 0 : i32
    %dma_start3A_101 = arith.constant 0 : i32
    %dma_start3A_102 = tpu.memref_slice %arg4[%dma_start3A_100, %dma_start3A_101] : memref<1025x128xi32, #tpu.memory_space<hbm>> -> memref<1025x128xi32, #tpu.memory_space<hbm>>
    tpu.enqueue_indirect_dma source(%dma_start3A_102 : memref<1025x128xi32, #tpu.memory_space<hbm>>) target(%arg11 : memref<80x128xi32, #tpu.memory_space<vmem>>) offsets(%dma_start3A_99 : memref<80xi32, #tpu.memory_space<vmem>>) semaphore(%arg16 : memref<!tpu.dma_semaphore, #tpu.memory_space<semaphore_mem>>)
    %dma_start3A_103 = tpu.memref_slice %arg9[%multiple_of3A_98] : memref<1600xi32, #tpu.memory_space<vmem>> -> memref<80xi32, #tpu.memory_space<vmem>>
    %dma_start3A_104 = arith.constant 0 : i32
    %dma_start3A_105 = arith.constant 0 : i32
    %dma_start3A_106 = tpu.memref_slice %arg5[%dma_start3A_104, %dma_start3A_105] : memref<850x128xf32, #tpu.memory_space<hbm>> -> memref<850x128xf32, #tpu.memory_space<hbm>>
    tpu.enqueue_indirect_dma source(%dma_start3A_106 : memref<850x128xf32, #tpu.memory_space<hbm>>) target(%arg14 : memref<80x128xf32, #tpu.memory_space<vmem>>) offsets(%dma_start3A_103 : memref<80xi32, #tpu.memory_space<vmem>>) semaphore(%arg16 : memref<!tpu.dma_semaphore, #tpu.memory_space<semaphore_mem>>)
    %dma_wait3A_107 = tpu.memref_slice %arg8[%multiple_of3A_23] : memref<1600xi32, #tpu.memory_space<vmem>> -> memref<80xi32, #tpu.memory_space<vmem>>
    %dma_wait3A_108 = arith.constant 0 : i32
    %dma_wait3A_109 = arith.constant 0 : i32
    %dma_wait3A_110 = tpu.memref_slice %arg4[%dma_wait3A_108, %dma_wait3A_109] : memref<1025x128xi32, #tpu.memory_space<hbm>> -> memref<1025x128xi32, #tpu.memory_space<hbm>>
    tpu.wait_indirect_dma semaphore(%arg16 : memref<!tpu.dma_semaphore, #tpu.memory_space<semaphore_mem>>) src(%dma_wait3A_110 : memref<1025x128xi32, #tpu.memory_space<hbm>>) dst(%arg12 : memref<80x128xi32, #tpu.memory_space<vmem>>)
    %dma_wait3A_111 = tpu.memref_slice %arg9[%multiple_of3A_23] : memref<1600xi32, #tpu.memory_space<vmem>> -> memref<80xi32, #tpu.memory_space<vmem>>
    %dma_wait3A_112 = arith.constant 0 : i32
    %dma_wait3A_113 = arith.constant 0 : i32
    %dma_wait3A_114 = tpu.memref_slice %arg5[%dma_wait3A_112, %dma_wait3A_113] : memref<850x128xf32, #tpu.memory_space<hbm>> -> memref<850x128xf32, #tpu.memory_space<hbm>>
    tpu.wait_indirect_dma semaphore(%arg16 : memref<!tpu.dma_semaphore, #tpu.memory_space<semaphore_mem>>) src(%dma_wait3A_114 : memref<850x128xf32, #tpu.memory_space<hbm>>) dst(%arg15 : memref<80x128xf32, #tpu.memory_space<vmem>>)
    %multiple_of3A_115 = arith.constant 160 : i32
    %multiple_of3A_116 = tpu.assume_multiple %multiple_of3A_115, 80 : i32
    %add3A_117 = arith.addi %multiple_of3A, %multiple_of3A_116 : i32
    %dma_start3A_118 = arith.constant 0 : i32
    %dma_start3A_119 = tpu.memref_slice %arg6[%add3A_117, %dma_start3A_118] : memref<51200x128xi32, #tpu.memory_space<hbm>> -> memref<80x128xi32, #tpu.memory_space<hbm>>
    %dma_start3A_120 = arith.constant 0 : i32
    %dma_start3A_121 = tpu.memref_slice %arg6[%add3A_117, %dma_start3A_120] : memref<51200x128xi32, #tpu.memory_space<hbm>> -> memref<80x128xi32, #tpu.memory_space<hbm>>
    tpu.enqueue_dma source(%arg12 : memref<80x128xi32, #tpu.memory_space<vmem>>) target(%dma_start3A_121 : memref<80x128xi32, #tpu.memory_space<hbm>>) target_semaphore(%arg17 : memref<!tpu.dma_semaphore, #tpu.memory_space<semaphore_mem>>)
    %add3A_122 = arith.addi %multiple_of3A, %multiple_of3A_116 : i32
    %dma_start3A_123 = arith.constant 0 : i32
    %dma_start3A_124 = tpu.memref_slice %arg7[%add3A_122, %dma_start3A_123] : memref<51200x128xf32, #tpu.memory_space<hbm>> -> memref<80x128xf32, #tpu.memory_space<hbm>>
    %dma_start3A_125 = arith.constant 0 : i32
    %dma_start3A_126 = tpu.memref_slice %arg7[%add3A_122, %dma_start3A_125] : memref<51200x128xf32, #tpu.memory_space<hbm>> -> memref<80x128xf32, #tpu.memory_space<hbm>>
    tpu.enqueue_dma source(%arg15 : memref<80x128xf32, #tpu.memory_space<vmem>>) target(%dma_start3A_126 : memref<80x128xf32, #tpu.memory_space<hbm>>) target_semaphore(%arg17 : memref<!tpu.dma_semaphore, #tpu.memory_space<semaphore_mem>>)
    %dma_wait3A_127 = arith.constant 0 : i32
    %dma_wait3A_128 = tpu.memref_slice %arg6[%add3A_117, %dma_wait3A_127] : memref<51200x128xi32, #tpu.memory_space<hbm>> -> memref<80x128xi32, #tpu.memory_space<hbm>>
    %dma_wait3A_129 = arith.constant 0 : i32
    %dma_wait3A_130 = tpu.memref_slice %arg6[%add3A_117, %dma_wait3A_129] : memref<51200x128xi32, #tpu.memory_space<hbm>> -> memref<80x128xi32, #tpu.memory_space<hbm>>
    tpu.wait_dma2 semaphore(%arg17 : memref<!tpu.dma_semaphore, #tpu.memory_space<semaphore_mem>>) src(%arg12 : memref<80x128xi32, #tpu.memory_space<vmem>>) dst(%dma_wait3A_130 : memref<80x128xi32, #tpu.memory_space<hbm>>)
    %dma_wait3A_131 = arith.constant 0 : i32
    %dma_wait3A_132 = tpu.memref_slice %arg7[%add3A_122, %dma_wait3A_131] : memref<51200x128xf32, #tpu.memory_space<hbm>> -> memref<80x128xf32, #tpu.memory_space<hbm>>
    %dma_wait3A_133 = arith.constant 0 : i32
    %dma_wait3A_134 = tpu.memref_slice %arg7[%add3A_122, %dma_wait3A_133] : memref<51200x128xf32, #tpu.memory_space<hbm>> -> memref<80x128xf32, #tpu.memory_space<hbm>>
    tpu.wait_dma2 semaphore(%arg17 : memref<!tpu.dma_semaphore, #tpu.memory_space<semaphore_mem>>) src(%arg15 : memref<80x128xf32, #tpu.memory_space<vmem>>) dst(%dma_wait3A_134 : memref<80x128xf32, #tpu.memory_space<hbm>>)
    %multiple_of3A_135 = arith.constant 400 : i32
    %multiple_of3A_136 = tpu.assume_multiple %multiple_of3A_135, 80 : i32
    %dma_start3A_137 = tpu.memref_slice %arg8[%multiple_of3A_136] : memref<1600xi32, #tpu.memory_space<vmem>> -> memref<80xi32, #tpu.memory_space<vmem>>
    %dma_start3A_138 = arith.constant 0 : i32
    %dma_start3A_139 = arith.constant 0 : i32
    %dma_start3A_140 = tpu.memref_slice %arg4[%dma_start3A_138, %dma_start3A_139] : memref<1025x128xi32, #tpu.memory_space<hbm>> -> memref<1025x128xi32, #tpu.memory_space<hbm>>
    tpu.enqueue_indirect_dma source(%dma_start3A_140 : memref<1025x128xi32, #tpu.memory_space<hbm>>) target(%arg12 : memref<80x128xi32, #tpu.memory_space<vmem>>) offsets(%dma_start3A_137 : memref<80xi32, #tpu.memory_space<vmem>>) semaphore(%arg16 : memref<!tpu.dma_semaphore, #tpu.memory_space<semaphore_mem>>)
    %dma_start3A_141 = tpu.memref_slice %arg9[%multiple_of3A_136] : memref<1600xi32, #tpu.memory_space<vmem>> -> memref<80xi32, #tpu.memory_space<vmem>>
    %dma_start3A_142 = arith.constant 0 : i32
    %dma_start3A_143 = arith.constant 0 : i32
    %dma_start3A_144 = tpu.memref_slice %arg5[%dma_start3A_142, %dma_start3A_143] : memref<850x128xf32, #tpu.memory_space<hbm>> -> memref<850x128xf32, #tpu.memory_space<hbm>>
    tpu.enqueue_indirect_dma source(%dma_start3A_144 : memref<850x128xf32, #tpu.memory_space<hbm>>) target(%arg15 : memref<80x128xf32, #tpu.memory_space<vmem>>) offsets(%dma_start3A_141 : memref<80xi32, #tpu.memory_space<vmem>>) semaphore(%arg16 : memref<!tpu.dma_semaphore, #tpu.memory_space<semaphore_mem>>)
    %dma_wait3A_145 = tpu.memref_slice %arg8[%multiple_of3A_60] : memref<1600xi32, #tpu.memory_space<vmem>> -> memref<80xi32, #tpu.memory_space<vmem>>
    %dma_wait3A_146 = arith.constant 0 : i32
    %dma_wait3A_147 = arith.constant 0 : i32
    %dma_wait3A_148 = tpu.memref_slice %arg4[%dma_wait3A_146, %dma_wait3A_147] : memref<1025x128xi32, #tpu.memory_space<hbm>> -> memref<1025x128xi32, #tpu.memory_space<hbm>>
    tpu.wait_indirect_dma semaphore(%arg16 : memref<!tpu.dma_semaphore, #tpu.memory_space<semaphore_mem>>) src(%dma_wait3A_148 : memref<1025x128xi32, #tpu.memory_space<hbm>>) dst(%arg10 : memref<80x128xi32, #tpu.memory_space<vmem>>)
    %dma_wait3A_149 = tpu.memref_slice %arg9[%multiple_of3A_60] : memref<1600xi32, #tpu.memory_space<vmem>> -> memref<80xi32, #tpu.memory_space<vmem>>
    %dma_wait3A_150 = arith.constant 0 : i32
    %dma_wait3A_151 = arith.constant 0 : i32
    %dma_wait3A_152 = tpu.memref_slice %arg5[%dma_wait3A_150, %dma_wait3A_151] : memref<850x128xf32, #tpu.memory_space<hbm>> -> memref<850x128xf32, #tpu.memory_space<hbm>>
    tpu.wait_indirect_dma semaphore(%arg16 : memref<!tpu.dma_semaphore, #tpu.memory_space<semaphore_mem>>) src(%dma_wait3A_152 : memref<850x128xf32, #tpu.memory_space<hbm>>) dst(%arg13 : memref<80x128xf32, #tpu.memory_space<vmem>>)
    %multiple_of3A_153 = arith.constant 240 : i32
    %multiple_of3A_154 = tpu.assume_multiple %multiple_of3A_153, 80 : i32
    %add3A_155 = arith.addi %multiple_of3A, %multiple_of3A_154 : i32
    %dma_start3A_156 = arith.constant 0 : i32
    %dma_start3A_157 = tpu.memref_slice %arg6[%add3A_155, %dma_start3A_156] : memref<51200x128xi32, #tpu.memory_space<hbm>> -> memref<80x128xi32, #tpu.memory_space<hbm>>
    %dma_start3A_158 = arith.constant 0 : i32
    %dma_start3A_159 = tpu.memref_slice %arg6[%add3A_155, %dma_start3A_158] : memref<51200x128xi32, #tpu.memory_space<hbm>> -> memref<80x128xi32, #tpu.memory_space<hbm>>
    tpu.enqueue_dma source(%arg10 : memref<80x128xi32, #tpu.memory_space<vmem>>) target(%dma_start3A_159 : memref<80x128xi32, #tpu.memory_space<hbm>>) target_semaphore(%arg17 : memref<!tpu.dma_semaphore, #tpu.memory_space<semaphore_mem>>)
    %add3A_160 = arith.addi %multiple_of3A, %multiple_of3A_154 : i32
    %dma_start3A_161 = arith.constant 0 : i32
    %dma_start3A_162 = tpu.memref_slice %arg7[%add3A_160, %dma_start3A_161] : memref<51200x128xf32, #tpu.memory_space<hbm>> -> memref<80x128xf32, #tpu.memory_space<hbm>>
    %dma_start3A_163 = arith.constant 0 : i32
    %dma_start3A_164 = tpu.memref_slice %arg7[%add3A_160, %dma_start3A_163] : memref<51200x128xf32, #tpu.memory_space<hbm>> -> memref<80x128xf32, #tpu.memory_space<hbm>>
    tpu.enqueue_dma source(%arg13 : memref<80x128xf32, #tpu.memory_space<vmem>>) target(%dma_start3A_164 : memref<80x128xf32, #tpu.memory_space<hbm>>) target_semaphore(%arg17 : memref<!tpu.dma_semaphore, #tpu.memory_space<semaphore_mem>>)
    %dma_wait3A_165 = arith.constant 0 : i32
    %dma_wait3A_166 = tpu.memref_slice %arg6[%add3A_155, %dma_wait3A_165] : memref<51200x128xi32, #tpu.memory_space<hbm>> -> memref<80x128xi32, #tpu.memory_space<hbm>>
    %dma_wait3A_167 = arith.constant 0 : i32
    %dma_wait3A_168 = tpu.memref_slice %arg6[%add3A_155, %dma_wait3A_167] : memref<51200x128xi32, #tpu.memory_space<hbm>> -> memref<80x128xi32, #tpu.memory_space<hbm>>
    tpu.wait_dma2 semaphore(%arg17 : memref<!tpu.dma_semaphore, #tpu.memory_space<semaphore_mem>>) src(%arg10 : memref<80x128xi32, #tpu.memory_space<vmem>>) dst(%dma_wait3A_168 : memref<80x128xi32, #tpu.memory_space<hbm>>)
    %dma_wait3A_169 = arith.constant 0 : i32
    %dma_wait3A_170 = tpu.memref_slice %arg7[%add3A_160, %dma_wait3A_169] : memref<51200x128xf32, #tpu.memory_space<hbm>> -> memref<80x128xf32, #tpu.memory_space<hbm>>
    %dma_wait3A_171 = arith.constant 0 : i32
    %dma_wait3A_172 = tpu.memref_slice %arg7[%add3A_160, %dma_wait3A_171] : memref<51200x128xf32, #tpu.memory_space<hbm>> -> memref<80x128xf32, #tpu.memory_space<hbm>>
    tpu.wait_dma2 semaphore(%arg17 : memref<!tpu.dma_semaphore, #tpu.memory_space<semaphore_mem>>) src(%arg13 : memref<80x128xf32, #tpu.memory_space<vmem>>) dst(%dma_wait3A_172 : memref<80x128xf32, #tpu.memory_space<hbm>>)
    %multiple_of3A_173 = arith.constant 480 : i32
    %multiple_of3A_174 = tpu.assume_multiple %multiple_of3A_173, 80 : i32
    %dma_start3A_175 = tpu.memref_slice %arg8[%multiple_of3A_174] : memref<1600xi32, #tpu.memory_space<vmem>> -> memref<80xi32, #tpu.memory_space<vmem>>
    %dma_start3A_176 = arith.constant 0 : i32
    %dma_start3A_177 = arith.constant 0 : i32
    %dma_start3A_178 = tpu.memref_slice %arg4[%dma_start3A_176, %dma_start3A_177] : memref<1025x128xi32, #tpu.memory_space<hbm>> -> memref<1025x128xi32, #tpu.memory_space<hbm>>
    tpu.enqueue_indirect_dma source(%dma_start3A_178 : memref<1025x128xi32, #tpu.memory_space<hbm>>) target(%arg10 : memref<80x128xi32, #tpu.memory_space<vmem>>) offsets(%dma_start3A_175 : memref<80xi32, #tpu.memory_space<vmem>>) semaphore(%arg16 : memref<!tpu.dma_semaphore, #tpu.memory_space<semaphore_mem>>)
    %dma_start3A_179 = tpu.memref_slice %arg9[%multiple_of3A_174] : memref<1600xi32, #tpu.memory_space<vmem>> -> memref<80xi32, #tpu.memory_space<vmem>>
    %dma_start3A_180 = arith.constant 0 : i32
    %dma_start3A_181 = arith.constant 0 : i32
    %dma_start3A_182 = tpu.memref_slice %arg5[%dma_start3A_180, %dma_start3A_181] : memref<850x128xf32, #tpu.memory_space<hbm>> -> memref<850x128xf32, #tpu.memory_space<hbm>>
    tpu.enqueue_indirect_dma source(%dma_start3A_182 : memref<850x128xf32, #tpu.memory_space<hbm>>) target(%arg13 : memref<80x128xf32, #tpu.memory_space<vmem>>) offsets(%dma_start3A_179 : memref<80xi32, #tpu.memory_space<vmem>>) semaphore(%arg16 : memref<!tpu.dma_semaphore, #tpu.memory_space<semaphore_mem>>)
    %dma_wait3A_183 = tpu.memref_slice %arg8[%multiple_of3A_98] : memref<1600xi32, #tpu.memory_space<vmem>> -> memref<80xi32, #tpu.memory_space<vmem>>
    %dma_wait3A_184 = arith.constant 0 : i32
    %dma_wait3A_185 = arith.constant 0 : i32
    %dma_wait3A_186 = tpu.memref_slice %arg4[%dma_wait3A_184, %dma_wait3A_185] : memref<1025x128xi32, #tpu.memory_space<hbm>> -> memref<1025x128xi32, #tpu.memory_space<hbm>>
    tpu.wait_indirect_dma semaphore(%arg16 : memref<!tpu.dma_semaphore, #tpu.memory_space<semaphore_mem>>) src(%dma_wait3A_186 : memref<1025x128xi32, #tpu.memory_space<hbm>>) dst(%arg11 : memref<80x128xi32, #tpu.memory_space<vmem>>)
    %dma_wait3A_187 = tpu.memref_slice %arg9[%multiple_of3A_98] : memref<1600xi32, #tpu.memory_space<vmem>> -> memref<80xi32, #tpu.memory_space<vmem>>
    %dma_wait3A_188 = arith.constant 0 : i32
    %dma_wait3A_189 = arith.constant 0 : i32
    %dma_wait3A_190 = tpu.memref_slice %arg5[%dma_wait3A_188, %dma_wait3A_189] : memref<850x128xf32, #tpu.memory_space<hbm>> -> memref<850x128xf32, #tpu.memory_space<hbm>>
    tpu.wait_indirect_dma semaphore(%arg16 : memref<!tpu.dma_semaphore, #tpu.memory_space<semaphore_mem>>) src(%dma_wait3A_190 : memref<850x128xf32, #tpu.memory_space<hbm>>) dst(%arg14 : memref<80x128xf32, #tpu.memory_space<vmem>>)
    %multiple_of3A_191 = arith.constant 320 : i32
    %multiple_of3A_192 = tpu.assume_multiple %multiple_of3A_191, 80 : i32
    %add3A_193 = arith.addi %multiple_of3A, %multiple_of3A_192 : i32
    %dma_start3A_194 = arith.constant 0 : i32
    %dma_start3A_195 = tpu.memref_slice %arg6[%add3A_193, %dma_start3A_194] : memref<51200x128xi32, #tpu.memory_space<hbm>> -> memref<80x128xi32, #tpu.memory_space<hbm>>
    %dma_start3A_196 = arith.constant 0 : i32
    %dma_start3A_197 = tpu.memref_slice %arg6[%add3A_193, %dma_start3A_196] : memref<51200x128xi32, #tpu.memory_space<hbm>> -> memref<80x128xi32, #tpu.memory_space<hbm>>
    tpu.enqueue_dma source(%arg11 : memref<80x128xi32, #tpu.memory_space<vmem>>) target(%dma_start3A_197 : memref<80x128xi32, #tpu.memory_space<hbm>>) target_semaphore(%arg17 : memref<!tpu.dma_semaphore, #tpu.memory_space<semaphore_mem>>)
    %add3A_198 = arith.addi %multiple_of3A, %multiple_of3A_192 : i32
    %dma_start3A_199 = arith.constant 0 : i32
    %dma_start3A_200 = tpu.memref_slice %arg7[%add3A_198, %dma_start3A_199] : memref<51200x128xf32, #tpu.memory_space<hbm>> -> memref<80x128xf32, #tpu.memory_space<hbm>>
    %dma_start3A_201 = arith.constant 0 : i32
    %dma_start3A_202 = tpu.memref_slice %arg7[%add3A_198, %dma_start3A_201] : memref<51200x128xf32, #tpu.memory_space<hbm>> -> memref<80x128xf32, #tpu.memory_space<hbm>>
    tpu.enqueue_dma source(%arg14 : memref<80x128xf32, #tpu.memory_space<vmem>>) target(%dma_start3A_202 : memref<80x128xf32, #tpu.memory_space<hbm>>) target_semaphore(%arg17 : memref<!tpu.dma_semaphore, #tpu.memory_space<semaphore_mem>>)
    %dma_wait3A_203 = arith.constant 0 : i32
    %dma_wait3A_204 = tpu.memref_slice %arg6[%add3A_193, %dma_wait3A_203] : memref<51200x128xi32, #tpu.memory_space<hbm>> -> memref<80x128xi32, #tpu.memory_space<hbm>>
    %dma_wait3A_205 = arith.constant 0 : i32
    %dma_wait3A_206 = tpu.memref_slice %arg6[%add3A_193, %dma_wait3A_205] : memref<51200x128xi32, #tpu.memory_space<hbm>> -> memref<80x128xi32, #tpu.memory_space<hbm>>
    tpu.wait_dma2 semaphore(%arg17 : memref<!tpu.dma_semaphore, #tpu.memory_space<semaphore_mem>>) src(%arg11 : memref<80x128xi32, #tpu.memory_space<vmem>>) dst(%dma_wait3A_206 : memref<80x128xi32, #tpu.memory_space<hbm>>)
    %dma_wait3A_207 = arith.constant 0 : i32
    %dma_wait3A_208 = tpu.memref_slice %arg7[%add3A_198, %dma_wait3A_207] : memref<51200x128xf32, #tpu.memory_space<hbm>> -> memref<80x128xf32, #tpu.memory_space<hbm>>
    %dma_wait3A_209 = arith.constant 0 : i32
    %dma_wait3A_210 = tpu.memref_slice %arg7[%add3A_198, %dma_wait3A_209] : memref<51200x128xf32, #tpu.memory_space<hbm>> -> memref<80x128xf32, #tpu.memory_space<hbm>>
    tpu.wait_dma2 semaphore(%arg17 : memref<!tpu.dma_semaphore, #tpu.memory_space<semaphore_mem>>) src(%arg14 : memref<80x128xf32, #tpu.memory_space<vmem>>) dst(%dma_wait3A_210 : memref<80x128xf32, #tpu.memory_space<hbm>>)
    %multiple_of3A_211 = arith.constant 560 : i32
    %multiple_of3A_212 = tpu.assume_multiple %multiple_of3A_211, 80 : i32
    %dma_start3A_213 = tpu.memref_slice %arg8[%multiple_of3A_212] : memref<1600xi32, #tpu.memory_space<vmem>> -> memref<80xi32, #tpu.memory_space<vmem>>
    %dma_start3A_214 = arith.constant 0 : i32
    %dma_start3A_215 = arith.constant 0 : i32
    %dma_start3A_216 = tpu.memref_slice %arg4[%dma_start3A_214, %dma_start3A_215] : memref<1025x128xi32, #tpu.memory_space<hbm>> -> memref<1025x128xi32, #tpu.memory_space<hbm>>
    tpu.enqueue_indirect_dma source(%dma_start3A_216 : memref<1025x128xi32, #tpu.memory_space<hbm>>) target(%arg11 : memref<80x128xi32, #tpu.memory_space<vmem>>) offsets(%dma_start3A_213 : memref<80xi32, #tpu.memory_space<vmem>>) semaphore(%arg16 : memref<!tpu.dma_semaphore, #tpu.memory_space<semaphore_mem>>)
    %dma_start3A_217 = tpu.memref_slice %arg9[%multiple_of3A_212] : memref<1600xi32, #tpu.memory_space<vmem>> -> memref<80xi32, #tpu.memory_space<vmem>>
    %dma_start3A_218 = arith.constant 0 : i32
    %dma_start3A_219 = arith.constant 0 : i32
    %dma_start3A_220 = tpu.memref_slice %arg5[%dma_start3A_218, %dma_start3A_219] : memref<850x128xf32, #tpu.memory_space<hbm>> -> memref<850x128xf32, #tpu.memory_space<hbm>>
    tpu.enqueue_indirect_dma source(%dma_start3A_220 : memref<850x128xf32, #tpu.memory_space<hbm>>) target(%arg14 : memref<80x128xf32, #tpu.memory_space<vmem>>) offsets(%dma_start3A_217 : memref<80xi32, #tpu.memory_space<vmem>>) semaphore(%arg16 : memref<!tpu.dma_semaphore, #tpu.memory_space<semaphore_mem>>)
    %dma_wait3A_221 = tpu.memref_slice %arg8[%multiple_of3A_136] : memref<1600xi32, #tpu.memory_space<vmem>> -> memref<80xi32, #tpu.memory_space<vmem>>
    %dma_wait3A_222 = arith.constant 0 : i32
    %dma_wait3A_223 = arith.constant 0 : i32
    %dma_wait3A_224 = tpu.memref_slice %arg4[%dma_wait3A_222, %dma_wait3A_223] : memref<1025x128xi32, #tpu.memory_space<hbm>> -> memref<1025x128xi32, #tpu.memory_space<hbm>>
    tpu.wait_indirect_dma semaphore(%arg16 : memref<!tpu.dma_semaphore, #tpu.memory_space<semaphore_mem>>) src(%dma_wait3A_224 : memref<1025x128xi32, #tpu.memory_space<hbm>>) dst(%arg12 : memref<80x128xi32, #tpu.memory_space<vmem>>)
    %dma_wait3A_225 = tpu.memref_slice %arg9[%multiple_of3A_136] : memref<1600xi32, #tpu.memory_space<vmem>> -> memref<80xi32, #tpu.memory_space<vmem>>
    %dma_wait3A_226 = arith.constant 0 : i32
    %dma_wait3A_227 = arith.constant 0 : i32
    %dma_wait3A_228 = tpu.memref_slice %arg5[%dma_wait3A_226, %dma_wait3A_227] : memref<850x128xf32, #tpu.memory_space<hbm>> -> memref<850x128xf32, #tpu.memory_space<hbm>>
    tpu.wait_indirect_dma semaphore(%arg16 : memref<!tpu.dma_semaphore, #tpu.memory_space<semaphore_mem>>) src(%dma_wait3A_228 : memref<850x128xf32, #tpu.memory_space<hbm>>) dst(%arg15 : memref<80x128xf32, #tpu.memory_space<vmem>>)
    %multiple_of3A_229 = arith.constant 400 : i32
    %multiple_of3A_230 = tpu.assume_multiple %multiple_of3A_229, 80 : i32
    %add3A_231 = arith.addi %multiple_of3A, %multiple_of3A_230 : i32
    %dma_start3A_232 = arith.constant 0 : i32
    %dma_start3A_233 = tpu.memref_slice %arg6[%add3A_231, %dma_start3A_232] : memref<51200x128xi32, #tpu.memory_space<hbm>> -> memref<80x128xi32, #tpu.memory_space<hbm>>
    %dma_start3A_234 = arith.constant 0 : i32
    %dma_start3A_235 = tpu.memref_slice %arg6[%add3A_231, %dma_start3A_234] : memref<51200x128xi32, #tpu.memory_space<hbm>> -> memref<80x128xi32, #tpu.memory_space<hbm>>
    tpu.enqueue_dma source(%arg12 : memref<80x128xi32, #tpu.memory_space<vmem>>) target(%dma_start3A_235 : memref<80x128xi32, #tpu.memory_space<hbm>>) target_semaphore(%arg17 : memref<!tpu.dma_semaphore, #tpu.memory_space<semaphore_mem>>)
    %add3A_236 = arith.addi %multiple_of3A, %multiple_of3A_230 : i32
    %dma_start3A_237 = arith.constant 0 : i32
    %dma_start3A_238 = tpu.memref_slice %arg7[%add3A_236, %dma_start3A_237] : memref<51200x128xf32, #tpu.memory_space<hbm>> -> memref<80x128xf32, #tpu.memory_space<hbm>>
    %dma_start3A_239 = arith.constant 0 : i32
    %dma_start3A_240 = tpu.memref_slice %arg7[%add3A_236, %dma_start3A_239] : memref<51200x128xf32, #tpu.memory_space<hbm>> -> memref<80x128xf32, #tpu.memory_space<hbm>>
    tpu.enqueue_dma source(%arg15 : memref<80x128xf32, #tpu.memory_space<vmem>>) target(%dma_start3A_240 : memref<80x128xf32, #tpu.memory_space<hbm>>) target_semaphore(%arg17 : memref<!tpu.dma_semaphore, #tpu.memory_space<semaphore_mem>>)
    %dma_wait3A_241 = arith.constant 0 : i32
    %dma_wait3A_242 = tpu.memref_slice %arg6[%add3A_231, %dma_wait3A_241] : memref<51200x128xi32, #tpu.memory_space<hbm>> -> memref<80x128xi32, #tpu.memory_space<hbm>>
    %dma_wait3A_243 = arith.constant 0 : i32
    %dma_wait3A_244 = tpu.memref_slice %arg6[%add3A_231, %dma_wait3A_243] : memref<51200x128xi32, #tpu.memory_space<hbm>> -> memref<80x128xi32, #tpu.memory_space<hbm>>
    tpu.wait_dma2 semaphore(%arg17 : memref<!tpu.dma_semaphore, #tpu.memory_space<semaphore_mem>>) src(%arg12 : memref<80x128xi32, #tpu.memory_space<vmem>>) dst(%dma_wait3A_244 : memref<80x128xi32, #tpu.memory_space<hbm>>)
    %dma_wait3A_245 = arith.constant 0 : i32
    %dma_wait3A_246 = tpu.memref_slice %arg7[%add3A_236, %dma_wait3A_245] : memref<51200x128xf32, #tpu.memory_space<hbm>> -> memref<80x128xf32, #tpu.memory_space<hbm>>
    %dma_wait3A_247 = arith.constant 0 : i32
    %dma_wait3A_248 = tpu.memref_slice %arg7[%add3A_236, %dma_wait3A_247] : memref<51200x128xf32, #tpu.memory_space<hbm>> -> memref<80x128xf32, #tpu.memory_space<hbm>>
    tpu.wait_dma2 semaphore(%arg17 : memref<!tpu.dma_semaphore, #tpu.memory_space<semaphore_mem>>) src(%arg15 : memref<80x128xf32, #tpu.memory_space<vmem>>) dst(%dma_wait3A_248 : memref<80x128xf32, #tpu.memory_space<hbm>>)
    %multiple_of3A_249 = arith.constant 640 : i32
    %multiple_of3A_250 = tpu.assume_multiple %multiple_of3A_249, 80 : i32
    %dma_start3A_251 = tpu.memref_slice %arg8[%multiple_of3A_250] : memref<1600xi32, #tpu.memory_space<vmem>> -> memref<80xi32, #tpu.memory_space<vmem>>
    %dma_start3A_252 = arith.constant 0 : i32
    %dma_start3A_253 = arith.constant 0 : i32
    %dma_start3A_254 = tpu.memref_slice %arg4[%dma_start3A_252, %dma_start3A_253] : memref<1025x128xi32, #tpu.memory_space<hbm>> -> memref<1025x128xi32, #tpu.memory_space<hbm>>
    tpu.enqueue_indirect_dma source(%dma_start3A_254 : memref<1025x128xi32, #tpu.memory_space<hbm>>) target(%arg12 : memref<80x128xi32, #tpu.memory_space<vmem>>) offsets(%dma_start3A_251 : memref<80xi32, #tpu.memory_space<vmem>>) semaphore(%arg16 : memref<!tpu.dma_semaphore, #tpu.memory_space<semaphore_mem>>)
    %dma_start3A_255 = tpu.memref_slice %arg9[%multiple_of3A_250] : memref<1600xi32, #tpu.memory_space<vmem>> -> memref<80xi32, #tpu.memory_space<vmem>>
    %dma_start3A_256 = arith.constant 0 : i32
    %dma_start3A_257 = arith.constant 0 : i32
    %dma_start3A_258 = tpu.memref_slice %arg5[%dma_start3A_256, %dma_start3A_257] : memref<850x128xf32, #tpu.memory_space<hbm>> -> memref<850x128xf32, #tpu.memory_space<hbm>>
    tpu.enqueue_indirect_dma source(%dma_start3A_258 : memref<850x128xf32, #tpu.memory_space<hbm>>) target(%arg15 : memref<80x128xf32, #tpu.memory_space<vmem>>) offsets(%dma_start3A_255 : memref<80xi32, #tpu.memory_space<vmem>>) semaphore(%arg16 : memref<!tpu.dma_semaphore, #tpu.memory_space<semaphore_mem>>)
    %dma_wait3A_259 = tpu.memref_slice %arg8[%multiple_of3A_174] : memref<1600xi32, #tpu.memory_space<vmem>> -> memref<80xi32, #tpu.memory_space<vmem>>
    %dma_wait3A_260 = arith.constant 0 : i32
    %dma_wait3A_261 = arith.constant 0 : i32
    %dma_wait3A_262 = tpu.memref_slice %arg4[%dma_wait3A_260, %dma_wait3A_261] : memref<1025x128xi32, #tpu.memory_space<hbm>> -> memref<1025x128xi32, #tpu.memory_space<hbm>>
    tpu.wait_indirect_dma semaphore(%arg16 : memref<!tpu.dma_semaphore, #tpu.memory_space<semaphore_mem>>) src(%dma_wait3A_262 : memref<1025x128xi32, #tpu.memory_space<hbm>>) dst(%arg10 : memref<80x128xi32, #tpu.memory_space<vmem>>)
    %dma_wait3A_263 = tpu.memref_slice %arg9[%multiple_of3A_174] : memref<1600xi32, #tpu.memory_space<vmem>> -> memref<80xi32, #tpu.memory_space<vmem>>
    %dma_wait3A_264 = arith.constant 0 : i32
    %dma_wait3A_265 = arith.constant 0 : i32
    %dma_wait3A_266 = tpu.memref_slice %arg5[%dma_wait3A_264, %dma_wait3A_265] : memref<850x128xf32, #tpu.memory_space<hbm>> -> memref<850x128xf32, #tpu.memory_space<hbm>>
    tpu.wait_indirect_dma semaphore(%arg16 : memref<!tpu.dma_semaphore, #tpu.memory_space<semaphore_mem>>) src(%dma_wait3A_266 : memref<850x128xf32, #tpu.memory_space<hbm>>) dst(%arg13 : memref<80x128xf32, #tpu.memory_space<vmem>>)
    %multiple_of3A_267 = arith.constant 480 : i32
    %multiple_of3A_268 = tpu.assume_multiple %multiple_of3A_267, 80 : i32
    %add3A_269 = arith.addi %multiple_of3A, %multiple_of3A_268 : i32
    %dma_start3A_270 = arith.constant 0 : i32
    %dma_start3A_271 = tpu.memref_slice %arg6[%add3A_269, %dma_start3A_270] : memref<51200x128xi32, #tpu.memory_space<hbm>> -> memref<80x128xi32, #tpu.memory_space<hbm>>
    %dma_start3A_272 = arith.constant 0 : i32
    %dma_start3A_273 = tpu.memref_slice %arg6[%add3A_269, %dma_start3A_272] : memref<51200x128xi32, #tpu.memory_space<hbm>> -> memref<80x128xi32, #tpu.memory_space<hbm>>
    tpu.enqueue_dma source(%arg10 : memref<80x128xi32, #tpu.memory_space<vmem>>) target(%dma_start3A_273 : memref<80x128xi32, #tpu.memory_space<hbm>>) target_semaphore(%arg17 : memref<!tpu.dma_semaphore, #tpu.memory_space<semaphore_mem>>)
    %add3A_274 = arith.addi %multiple_of3A, %multiple_of3A_268 : i32
    %dma_start3A_275 = arith.constant 0 : i32
    %dma_start3A_276 = tpu.memref_slice %arg7[%add3A_274, %dma_start3A_275] : memref<51200x128xf32, #tpu.memory_space<hbm>> -> memref<80x128xf32, #tpu.memory_space<hbm>>
    %dma_start3A_277 = arith.constant 0 : i32
    %dma_start3A_278 = tpu.memref_slice %arg7[%add3A_274, %dma_start3A_277] : memref<51200x128xf32, #tpu.memory_space<hbm>> -> memref<80x128xf32, #tpu.memory_space<hbm>>
    tpu.enqueue_dma source(%arg13 : memref<80x128xf32, #tpu.memory_space<vmem>>) target(%dma_start3A_278 : memref<80x128xf32, #tpu.memory_space<hbm>>) target_semaphore(%arg17 : memref<!tpu.dma_semaphore, #tpu.memory_space<semaphore_mem>>)
    %dma_wait3A_279 = arith.constant 0 : i32
    %dma_wait3A_280 = tpu.memref_slice %arg6[%add3A_269, %dma_wait3A_279] : memref<51200x128xi32, #tpu.memory_space<hbm>> -> memref<80x128xi32, #tpu.memory_space<hbm>>
    %dma_wait3A_281 = arith.constant 0 : i32
    %dma_wait3A_282 = tpu.memref_slice %arg6[%add3A_269, %dma_wait3A_281] : memref<51200x128xi32, #tpu.memory_space<hbm>> -> memref<80x128xi32, #tpu.memory_space<hbm>>
    tpu.wait_dma2 semaphore(%arg17 : memref<!tpu.dma_semaphore, #tpu.memory_space<semaphore_mem>>) src(%arg10 : memref<80x128xi32, #tpu.memory_space<vmem>>) dst(%dma_wait3A_282 : memref<80x128xi32, #tpu.memory_space<hbm>>)
    %dma_wait3A_283 = arith.constant 0 : i32
    %dma_wait3A_284 = tpu.memref_slice %arg7[%add3A_274, %dma_wait3A_283] : memref<51200x128xf32, #tpu.memory_space<hbm>> -> memref<80x128xf32, #tpu.memory_space<hbm>>
    %dma_wait3A_285 = arith.constant 0 : i32
    %dma_wait3A_286 = tpu.memref_slice %arg7[%add3A_274, %dma_wait3A_285] : memref<51200x128xf32, #tpu.memory_space<hbm>> -> memref<80x128xf32, #tpu.memory_space<hbm>>
    tpu.wait_dma2 semaphore(%arg17 : memref<!tpu.dma_semaphore, #tpu.memory_space<semaphore_mem>>) src(%arg13 : memref<80x128xf32, #tpu.memory_space<vmem>>) dst(%dma_wait3A_286 : memref<80x128xf32, #tpu.memory_space<hbm>>)
    %multiple_of3A_287 = arith.constant 720 : i32
    %multiple_of3A_288 = tpu.assume_multiple %multiple_of3A_287, 80 : i32
    %dma_start3A_289 = tpu.memref_slice %arg8[%multiple_of3A_288] : memref<1600xi32, #tpu.memory_space<vmem>> -> memref<80xi32, #tpu.memory_space<vmem>>
    %dma_start3A_290 = arith.constant 0 : i32
    %dma_start3A_291 = arith.constant 0 : i32
    %dma_start3A_292 = tpu.memref_slice %arg4[%dma_start3A_290, %dma_start3A_291] : memref<1025x128xi32, #tpu.memory_space<hbm>> -> memref<1025x128xi32, #tpu.memory_space<hbm>>
    tpu.enqueue_indirect_dma source(%dma_start3A_292 : memref<1025x128xi32, #tpu.memory_space<hbm>>) target(%arg10 : memref<80x128xi32, #tpu.memory_space<vmem>>) offsets(%dma_start3A_289 : memref<80xi32, #tpu.memory_space<vmem>>) semaphore(%arg16 : memref<!tpu.dma_semaphore, #tpu.memory_space<semaphore_mem>>)
    %dma_start3A_293 = tpu.memref_slice %arg9[%multiple_of3A_288] : memref<1600xi32, #tpu.memory_space<vmem>> -> memref<80xi32, #tpu.memory_space<vmem>>
    %dma_start3A_294 = arith.constant 0 : i32
    %dma_start3A_295 = arith.constant 0 : i32
    %dma_start3A_296 = tpu.memref_slice %arg5[%dma_start3A_294, %dma_start3A_295] : memref<850x128xf32, #tpu.memory_space<hbm>> -> memref<850x128xf32, #tpu.memory_space<hbm>>
    tpu.enqueue_indirect_dma source(%dma_start3A_296 : memref<850x128xf32, #tpu.memory_space<hbm>>) target(%arg13 : memref<80x128xf32, #tpu.memory_space<vmem>>) offsets(%dma_start3A_293 : memref<80xi32, #tpu.memory_space<vmem>>) semaphore(%arg16 : memref<!tpu.dma_semaphore, #tpu.memory_space<semaphore_mem>>)
    %dma_wait3A_297 = tpu.memref_slice %arg8[%multiple_of3A_212] : memref<1600xi32, #tpu.memory_space<vmem>> -> memref<80xi32, #tpu.memory_space<vmem>>
    %dma_wait3A_298 = arith.constant 0 : i32
    %dma_wait3A_299 = arith.constant 0 : i32
    %dma_wait3A_300 = tpu.memref_slice %arg4[%dma_wait3A_298, %dma_wait3A_299] : memref<1025x128xi32, #tpu.memory_space<hbm>> -> memref<1025x128xi32, #tpu.memory_space<hbm>>
    tpu.wait_indirect_dma semaphore(%arg16 : memref<!tpu.dma_semaphore, #tpu.memory_space<semaphore_mem>>) src(%dma_wait3A_300 : memref<1025x128xi32, #tpu.memory_space<hbm>>) dst(%arg11 : memref<80x128xi32, #tpu.memory_space<vmem>>)
    %dma_wait3A_301 = tpu.memref_slice %arg9[%multiple_of3A_212] : memref<1600xi32, #tpu.memory_space<vmem>> -> memref<80xi32, #tpu.memory_space<vmem>>
    %dma_wait3A_302 = arith.constant 0 : i32
    %dma_wait3A_303 = arith.constant 0 : i32
    %dma_wait3A_304 = tpu.memref_slice %arg5[%dma_wait3A_302, %dma_wait3A_303] : memref<850x128xf32, #tpu.memory_space<hbm>> -> memref<850x128xf32, #tpu.memory_space<hbm>>
    tpu.wait_indirect_dma semaphore(%arg16 : memref<!tpu.dma_semaphore, #tpu.memory_space<semaphore_mem>>) src(%dma_wait3A_304 : memref<850x128xf32, #tpu.memory_space<hbm>>) dst(%arg14 : memref<80x128xf32, #tpu.memory_space<vmem>>)
    %multiple_of3A_305 = arith.constant 560 : i32
    %multiple_of3A_306 = tpu.assume_multiple %multiple_of3A_305, 80 : i32
    %add3A_307 = arith.addi %multiple_of3A, %multiple_of3A_306 : i32
    %dma_start3A_308 = arith.constant 0 : i32
    %dma_start3A_309 = tpu.memref_slice %arg6[%add3A_307, %dma_start3A_308] : memref<51200x128xi32, #tpu.memory_space<hbm>> -> memref<80x128xi32, #tpu.memory_space<hbm>>
    %dma_start3A_310 = arith.constant 0 : i32
    %dma_start3A_311 = tpu.memref_slice %arg6[%add3A_307, %dma_start3A_310] : memref<51200x128xi32, #tpu.memory_space<hbm>> -> memref<80x128xi32, #tpu.memory_space<hbm>>
    tpu.enqueue_dma source(%arg11 : memref<80x128xi32, #tpu.memory_space<vmem>>) target(%dma_start3A_311 : memref<80x128xi32, #tpu.memory_space<hbm>>) target_semaphore(%arg17 : memref<!tpu.dma_semaphore, #tpu.memory_space<semaphore_mem>>)
    %add3A_312 = arith.addi %multiple_of3A, %multiple_of3A_306 : i32
    %dma_start3A_313 = arith.constant 0 : i32
    %dma_start3A_314 = tpu.memref_slice %arg7[%add3A_312, %dma_start3A_313] : memref<51200x128xf32, #tpu.memory_space<hbm>> -> memref<80x128xf32, #tpu.memory_space<hbm>>
    %dma_start3A_315 = arith.constant 0 : i32
    %dma_start3A_316 = tpu.memref_slice %arg7[%add3A_312, %dma_start3A_315] : memref<51200x128xf32, #tpu.memory_space<hbm>> -> memref<80x128xf32, #tpu.memory_space<hbm>>
    tpu.enqueue_dma source(%arg14 : memref<80x128xf32, #tpu.memory_space<vmem>>) target(%dma_start3A_316 : memref<80x128xf32, #tpu.memory_space<hbm>>) target_semaphore(%arg17 : memref<!tpu.dma_semaphore, #tpu.memory_space<semaphore_mem>>)
    %dma_wait3A_317 = arith.constant 0 : i32
    %dma_wait3A_318 = tpu.memref_slice %arg6[%add3A_307, %dma_wait3A_317] : memref<51200x128xi32, #tpu.memory_space<hbm>> -> memref<80x128xi32, #tpu.memory_space<hbm>>
    %dma_wait3A_319 = arith.constant 0 : i32
    %dma_wait3A_320 = tpu.memref_slice %arg6[%add3A_307, %dma_wait3A_319] : memref<51200x128xi32, #tpu.memory_space<hbm>> -> memref<80x128xi32, #tpu.memory_space<hbm>>
    tpu.wait_dma2 semaphore(%arg17 : memref<!tpu.dma_semaphore, #tpu.memory_space<semaphore_mem>>) src(%arg11 : memref<80x128xi32, #tpu.memory_space<vmem>>) dst(%dma_wait3A_320 : memref<80x128xi32, #tpu.memory_space<hbm>>)
    %dma_wait3A_321 = arith.constant 0 : i32
    %dma_wait3A_322 = tpu.memref_slice %arg7[%add3A_312, %dma_wait3A_321] : memref<51200x128xf32, #tpu.memory_space<hbm>> -> memref<80x128xf32, #tpu.memory_space<hbm>>
    %dma_wait3A_323 = arith.constant 0 : i32
    %dma_wait3A_324 = tpu.memref_slice %arg7[%add3A_312, %dma_wait3A_323] : memref<51200x128xf32, #tpu.memory_space<hbm>> -> memref<80x128xf32, #tpu.memory_space<hbm>>
    tpu.wait_dma2 semaphore(%arg17 : memref<!tpu.dma_semaphore, #tpu.memory_space<semaphore_mem>>) src(%arg14 : memref<80x128xf32, #tpu.memory_space<vmem>>) dst(%dma_wait3A_324 : memref<80x128xf32, #tpu.memory_space<hbm>>)
    %multiple_of3A_325 = arith.constant 800 : i32
    %multiple_of3A_326 = tpu.assume_multiple %multiple_of3A_325, 80 : i32
    %dma_start3A_327 = tpu.memref_slice %arg8[%multiple_of3A_326] : memref<1600xi32, #tpu.memory_space<vmem>> -> memref<80xi32, #tpu.memory_space<vmem>>
    %dma_start3A_328 = arith.constant 0 : i32
    %dma_start3A_329 = arith.constant 0 : i32
    %dma_start3A_330 = tpu.memref_slice %arg4[%dma_start3A_328, %dma_start3A_329] : memref<1025x128xi32, #tpu.memory_space<hbm>> -> memref<1025x128xi32, #tpu.memory_space<hbm>>
    tpu.enqueue_indirect_dma source(%dma_start3A_330 : memref<1025x128xi32, #tpu.memory_space<hbm>>) target(%arg11 : memref<80x128xi32, #tpu.memory_space<vmem>>) offsets(%dma_start3A_327 : memref<80xi32, #tpu.memory_space<vmem>>) semaphore(%arg16 : memref<!tpu.dma_semaphore, #tpu.memory_space<semaphore_mem>>)
    %dma_start3A_331 = tpu.memref_slice %arg9[%multiple_of3A_326] : memref<1600xi32, #tpu.memory_space<vmem>> -> memref<80xi32, #tpu.memory_space<vmem>>
    %dma_start3A_332 = arith.constant 0 : i32
    %dma_start3A_333 = arith.constant 0 : i32
    %dma_start3A_334 = tpu.memref_slice %arg5[%dma_start3A_332, %dma_start3A_333] : memref<850x128xf32, #tpu.memory_space<hbm>> -> memref<850x128xf32, #tpu.memory_space<hbm>>
    tpu.enqueue_indirect_dma source(%dma_start3A_334 : memref<850x128xf32, #tpu.memory_space<hbm>>) target(%arg14 : memref<80x128xf32, #tpu.memory_space<vmem>>) offsets(%dma_start3A_331 : memref<80xi32, #tpu.memory_space<vmem>>) semaphore(%arg16 : memref<!tpu.dma_semaphore, #tpu.memory_space<semaphore_mem>>)
    %dma_wait3A_335 = tpu.memref_slice %arg8[%multiple_of3A_250] : memref<1600xi32, #tpu.memory_space<vmem>> -> memref<80xi32, #tpu.memory_space<vmem>>
    %dma_wait3A_336 = arith.constant 0 : i32
    %dma_wait3A_337 = arith.constant 0 : i32
    %dma_wait3A_338 = tpu.memref_slice %arg4[%dma_wait3A_336, %dma_wait3A_337] : memref<1025x128xi32, #tpu.memory_space<hbm>> -> memref<1025x128xi32, #tpu.memory_space<hbm>>
    tpu.wait_indirect_dma semaphore(%arg16 : memref<!tpu.dma_semaphore, #tpu.memory_space<semaphore_mem>>) src(%dma_wait3A_338 : memref<1025x128xi32, #tpu.memory_space<hbm>>) dst(%arg12 : memref<80x128xi32, #tpu.memory_space<vmem>>)
    %dma_wait3A_339 = tpu.memref_slice %arg9[%multiple_of3A_250] : memref<1600xi32, #tpu.memory_space<vmem>> -> memref<80xi32, #tpu.memory_space<vmem>>
    %dma_wait3A_340 = arith.constant 0 : i32
    %dma_wait3A_341 = arith.constant 0 : i32
    %dma_wait3A_342 = tpu.memref_slice %arg5[%dma_wait3A_340, %dma_wait3A_341] : memref<850x128xf32, #tpu.memory_space<hbm>> -> memref<850x128xf32, #tpu.memory_space<hbm>>
    tpu.wait_indirect_dma semaphore(%arg16 : memref<!tpu.dma_semaphore, #tpu.memory_space<semaphore_mem>>) src(%dma_wait3A_342 : memref<850x128xf32, #tpu.memory_space<hbm>>) dst(%arg15 : memref<80x128xf32, #tpu.memory_space<vmem>>)
    %multiple_of3A_343 = arith.constant 640 : i32
    %multiple_of3A_344 = tpu.assume_multiple %multiple_of3A_343, 80 : i32
    %add3A_345 = arith.addi %multiple_of3A, %multiple_of3A_344 : i32
    %dma_start3A_346 = arith.constant 0 : i32
    %dma_start3A_347 = tpu.memref_slice %arg6[%add3A_345, %dma_start3A_346] : memref<51200x128xi32, #tpu.memory_space<hbm>> -> memref<80x128xi32, #tpu.memory_space<hbm>>
    %dma_start3A_348 = arith.constant 0 : i32
    %dma_start3A_349 = tpu.memref_slice %arg6[%add3A_345, %dma_start3A_348] : memref<51200x128xi32, #tpu.memory_space<hbm>> -> memref<80x128xi32, #tpu.memory_space<hbm>>
    tpu.enqueue_dma source(%arg12 : memref<80x128xi32, #tpu.memory_space<vmem>>) target(%dma_start3A_349 : memref<80x128xi32, #tpu.memory_space<hbm>>) target_semaphore(%arg17 : memref<!tpu.dma_semaphore, #tpu.memory_space<semaphore_mem>>)
    %add3A_350 = arith.addi %multiple_of3A, %multiple_of3A_344 : i32
    %dma_start3A_351 = arith.constant 0 : i32
    %dma_start3A_352 = tpu.memref_slice %arg7[%add3A_350, %dma_start3A_351] : memref<51200x128xf32, #tpu.memory_space<hbm>> -> memref<80x128xf32, #tpu.memory_space<hbm>>
    %dma_start3A_353 = arith.constant 0 : i32
    %dma_start3A_354 = tpu.memref_slice %arg7[%add3A_350, %dma_start3A_353] : memref<51200x128xf32, #tpu.memory_space<hbm>> -> memref<80x128xf32, #tpu.memory_space<hbm>>
    tpu.enqueue_dma source(%arg15 : memref<80x128xf32, #tpu.memory_space<vmem>>) target(%dma_start3A_354 : memref<80x128xf32, #tpu.memory_space<hbm>>) target_semaphore(%arg17 : memref<!tpu.dma_semaphore, #tpu.memory_space<semaphore_mem>>)
    %dma_wait3A_355 = arith.constant 0 : i32
    %dma_wait3A_356 = tpu.memref_slice %arg6[%add3A_345, %dma_wait3A_355] : memref<51200x128xi32, #tpu.memory_space<hbm>> -> memref<80x128xi32, #tpu.memory_space<hbm>>
    %dma_wait3A_357 = arith.constant 0 : i32
    %dma_wait3A_358 = tpu.memref_slice %arg6[%add3A_345, %dma_wait3A_357] : memref<51200x128xi32, #tpu.memory_space<hbm>> -> memref<80x128xi32, #tpu.memory_space<hbm>>
    tpu.wait_dma2 semaphore(%arg17 : memref<!tpu.dma_semaphore, #tpu.memory_space<semaphore_mem>>) src(%arg12 : memref<80x128xi32, #tpu.memory_space<vmem>>) dst(%dma_wait3A_358 : memref<80x128xi32, #tpu.memory_space<hbm>>)
    %dma_wait3A_359 = arith.constant 0 : i32
    %dma_wait3A_360 = tpu.memref_slice %arg7[%add3A_350, %dma_wait3A_359] : memref<51200x128xf32, #tpu.memory_space<hbm>> -> memref<80x128xf32, #tpu.memory_space<hbm>>
    %dma_wait3A_361 = arith.constant 0 : i32
    %dma_wait3A_362 = tpu.memref_slice %arg7[%add3A_350, %dma_wait3A_361] : memref<51200x128xf32, #tpu.memory_space<hbm>> -> memref<80x128xf32, #tpu.memory_space<hbm>>
    tpu.wait_dma2 semaphore(%arg17 : memref<!tpu.dma_semaphore, #tpu.memory_space<semaphore_mem>>) src(%arg15 : memref<80x128xf32, #tpu.memory_space<vmem>>) dst(%dma_wait3A_362 : memref<80x128xf32, #tpu.memory_space<hbm>>)
    %multiple_of3A_363 = arith.constant 880 : i32
    %multiple_of3A_364 = tpu.assume_multiple %multiple_of3A_363, 80 : i32
    %dma_start3A_365 = tpu.memref_slice %arg8[%multiple_of3A_364] : memref<1600xi32, #tpu.memory_space<vmem>> -> memref<80xi32, #tpu.memory_space<vmem>>
    %dma_start3A_366 = arith.constant 0 : i32
    %dma_start3A_367 = arith.constant 0 : i32
    %dma_start3A_368 = tpu.memref_slice %arg4[%dma_start3A_366, %dma_start3A_367] : memref<1025x128xi32, #tpu.memory_space<hbm>> -> memref<1025x128xi32, #tpu.memory_space<hbm>>
    tpu.enqueue_indirect_dma source(%dma_start3A_368 : memref<1025x128xi32, #tpu.memory_space<hbm>>) target(%arg12 : memref<80x128xi32, #tpu.memory_space<vmem>>) offsets(%dma_start3A_365 : memref<80xi32, #tpu.memory_space<vmem>>) semaphore(%arg16 : memref<!tpu.dma_semaphore, #tpu.memory_space<semaphore_mem>>)
    %dma_start3A_369 = tpu.memref_slice %arg9[%multiple_of3A_364] : memref<1600xi32, #tpu.memory_space<vmem>> -> memref<80xi32, #tpu.memory_space<vmem>>
    %dma_start3A_370 = arith.constant 0 : i32
    %dma_start3A_371 = arith.constant 0 : i32
    %dma_start3A_372 = tpu.memref_slice %arg5[%dma_start3A_370, %dma_start3A_371] : memref<850x128xf32, #tpu.memory_space<hbm>> -> memref<850x128xf32, #tpu.memory_space<hbm>>
    tpu.enqueue_indirect_dma source(%dma_start3A_372 : memref<850x128xf32, #tpu.memory_space<hbm>>) target(%arg15 : memref<80x128xf32, #tpu.memory_space<vmem>>) offsets(%dma_start3A_369 : memref<80xi32, #tpu.memory_space<vmem>>) semaphore(%arg16 : memref<!tpu.dma_semaphore, #tpu.memory_space<semaphore_mem>>)
    %dma_wait3A_373 = tpu.memref_slice %arg8[%multiple_of3A_288] : memref<1600xi32, #tpu.memory_space<vmem>> -> memref<80xi32, #tpu.memory_space<vmem>>
    %dma_wait3A_374 = arith.constant 0 : i32
    %dma_wait3A_375 = arith.constant 0 : i32
    %dma_wait3A_376 = tpu.memref_slice %arg4[%dma_wait3A_374, %dma_wait3A_375] : memref<1025x128xi32, #tpu.memory_space<hbm>> -> memref<1025x128xi32, #tpu.memory_space<hbm>>
    tpu.wait_indirect_dma semaphore(%arg16 : memref<!tpu.dma_semaphore, #tpu.memory_space<semaphore_mem>>) src(%dma_wait3A_376 : memref<1025x128xi32, #tpu.memory_space<hbm>>) dst(%arg10 : memref<80x128xi32, #tpu.memory_space<vmem>>)
    %dma_wait3A_377 = tpu.memref_slice %arg9[%multiple_of3A_288] : memref<1600xi32, #tpu.memory_space<vmem>> -> memref<80xi32, #tpu.memory_space<vmem>>
    %dma_wait3A_378 = arith.constant 0 : i32
    %dma_wait3A_379 = arith.constant 0 : i32
    %dma_wait3A_380 = tpu.memref_slice %arg5[%dma_wait3A_378, %dma_wait3A_379] : memref<850x128xf32, #tpu.memory_space<hbm>> -> memref<850x128xf32, #tpu.memory_space<hbm>>
    tpu.wait_indirect_dma semaphore(%arg16 : memref<!tpu.dma_semaphore, #tpu.memory_space<semaphore_mem>>) src(%dma_wait3A_380 : memref<850x128xf32, #tpu.memory_space<hbm>>) dst(%arg13 : memref<80x128xf32, #tpu.memory_space<vmem>>)
    %multiple_of3A_381 = arith.constant 720 : i32
    %multiple_of3A_382 = tpu.assume_multiple %multiple_of3A_381, 80 : i32
    %add3A_383 = arith.addi %multiple_of3A, %multiple_of3A_382 : i32
    %dma_start3A_384 = arith.constant 0 : i32
    %dma_start3A_385 = tpu.memref_slice %arg6[%add3A_383, %dma_start3A_384] : memref<51200x128xi32, #tpu.memory_space<hbm>> -> memref<80x128xi32, #tpu.memory_space<hbm>>
    %dma_start3A_386 = arith.constant 0 : i32
    %dma_start3A_387 = tpu.memref_slice %arg6[%add3A_383, %dma_start3A_386] : memref<51200x128xi32, #tpu.memory_space<hbm>> -> memref<80x128xi32, #tpu.memory_space<hbm>>
    tpu.enqueue_dma source(%arg10 : memref<80x128xi32, #tpu.memory_space<vmem>>) target(%dma_start3A_387 : memref<80x128xi32, #tpu.memory_space<hbm>>) target_semaphore(%arg17 : memref<!tpu.dma_semaphore, #tpu.memory_space<semaphore_mem>>)
    %add3A_388 = arith.addi %multiple_of3A, %multiple_of3A_382 : i32
    %dma_start3A_389 = arith.constant 0 : i32
    %dma_start3A_390 = tpu.memref_slice %arg7[%add3A_388, %dma_start3A_389] : memref<51200x128xf32, #tpu.memory_space<hbm>> -> memref<80x128xf32, #tpu.memory_space<hbm>>
    %dma_start3A_391 = arith.constant 0 : i32
    %dma_start3A_392 = tpu.memref_slice %arg7[%add3A_388, %dma_start3A_391] : memref<51200x128xf32, #tpu.memory_space<hbm>> -> memref<80x128xf32, #tpu.memory_space<hbm>>
    tpu.enqueue_dma source(%arg13 : memref<80x128xf32, #tpu.memory_space<vmem>>) target(%dma_start3A_392 : memref<80x128xf32, #tpu.memory_space<hbm>>) target_semaphore(%arg17 : memref<!tpu.dma_semaphore, #tpu.memory_space<semaphore_mem>>)
    %dma_wait3A_393 = arith.constant 0 : i32
    %dma_wait3A_394 = tpu.memref_slice %arg6[%add3A_383, %dma_wait3A_393] : memref<51200x128xi32, #tpu.memory_space<hbm>> -> memref<80x128xi32, #tpu.memory_space<hbm>>
    %dma_wait3A_395 = arith.constant 0 : i32
    %dma_wait3A_396 = tpu.memref_slice %arg6[%add3A_383, %dma_wait3A_395] : memref<51200x128xi32, #tpu.memory_space<hbm>> -> memref<80x128xi32, #tpu.memory_space<hbm>>
    tpu.wait_dma2 semaphore(%arg17 : memref<!tpu.dma_semaphore, #tpu.memory_space<semaphore_mem>>) src(%arg10 : memref<80x128xi32, #tpu.memory_space<vmem>>) dst(%dma_wait3A_396 : memref<80x128xi32, #tpu.memory_space<hbm>>)
    %dma_wait3A_397 = arith.constant 0 : i32
    %dma_wait3A_398 = tpu.memref_slice %arg7[%add3A_388, %dma_wait3A_397] : memref<51200x128xf32, #tpu.memory_space<hbm>> -> memref<80x128xf32, #tpu.memory_space<hbm>>
    %dma_wait3A_399 = arith.constant 0 : i32
    %dma_wait3A_400 = tpu.memref_slice %arg7[%add3A_388, %dma_wait3A_399] : memref<51200x128xf32, #tpu.memory_space<hbm>> -> memref<80x128xf32, #tpu.memory_space<hbm>>
    tpu.wait_dma2 semaphore(%arg17 : memref<!tpu.dma_semaphore, #tpu.memory_space<semaphore_mem>>) src(%arg13 : memref<80x128xf32, #tpu.memory_space<vmem>>) dst(%dma_wait3A_400 : memref<80x128xf32, #tpu.memory_space<hbm>>)
    %multiple_of3A_401 = arith.constant 960 : i32
    %multiple_of3A_402 = tpu.assume_multiple %multiple_of3A_401, 80 : i32
    %dma_start3A_403 = tpu.memref_slice %arg8[%multiple_of3A_402] : memref<1600xi32, #tpu.memory_space<vmem>> -> memref<80xi32, #tpu.memory_space<vmem>>
    %dma_start3A_404 = arith.constant 0 : i32
    %dma_start3A_405 = arith.constant 0 : i32
    %dma_start3A_406 = tpu.memref_slice %arg4[%dma_start3A_404, %dma_start3A_405] : memref<1025x128xi32, #tpu.memory_space<hbm>> -> memref<1025x128xi32, #tpu.memory_space<hbm>>
    tpu.enqueue_indirect_dma source(%dma_start3A_406 : memref<1025x128xi32, #tpu.memory_space<hbm>>) target(%arg10 : memref<80x128xi32, #tpu.memory_space<vmem>>) offsets(%dma_start3A_403 : memref<80xi32, #tpu.memory_space<vmem>>) semaphore(%arg16 : memref<!tpu.dma_semaphore, #tpu.memory_space<semaphore_mem>>)
    %dma_start3A_407 = tpu.memref_slice %arg9[%multiple_of3A_402] : memref<1600xi32, #tpu.memory_space<vmem>> -> memref<80xi32, #tpu.memory_space<vmem>>
    %dma_start3A_408 = arith.constant 0 : i32
    %dma_start3A_409 = arith.constant 0 : i32
    %dma_start3A_410 = tpu.memref_slice %arg5[%dma_start3A_408, %dma_start3A_409] : memref<850x128xf32, #tpu.memory_space<hbm>> -> memref<850x128xf32, #tpu.memory_space<hbm>>
    tpu.enqueue_indirect_dma source(%dma_start3A_410 : memref<850x128xf32, #tpu.memory_space<hbm>>) target(%arg13 : memref<80x128xf32, #tpu.memory_space<vmem>>) offsets(%dma_start3A_407 : memref<80xi32, #tpu.memory_space<vmem>>) semaphore(%arg16 : memref<!tpu.dma_semaphore, #tpu.memory_space<semaphore_mem>>)
    %dma_wait3A_411 = tpu.memref_slice %arg8[%multiple_of3A_326] : memref<1600xi32, #tpu.memory_space<vmem>> -> memref<80xi32, #tpu.memory_space<vmem>>
    %dma_wait3A_412 = arith.constant 0 : i32
    %dma_wait3A_413 = arith.constant 0 : i32
    %dma_wait3A_414 = tpu.memref_slice %arg4[%dma_wait3A_412, %dma_wait3A_413] : memref<1025x128xi32, #tpu.memory_space<hbm>> -> memref<1025x128xi32, #tpu.memory_space<hbm>>
    tpu.wait_indirect_dma semaphore(%arg16 : memref<!tpu.dma_semaphore, #tpu.memory_space<semaphore_mem>>) src(%dma_wait3A_414 : memref<1025x128xi32, #tpu.memory_space<hbm>>) dst(%arg11 : memref<80x128xi32, #tpu.memory_space<vmem>>)
    %dma_wait3A_415 = tpu.memref_slice %arg9[%multiple_of3A_326] : memref<1600xi32, #tpu.memory_space<vmem>> -> memref<80xi32, #tpu.memory_space<vmem>>
    %dma_wait3A_416 = arith.constant 0 : i32
    %dma_wait3A_417 = arith.constant 0 : i32
    %dma_wait3A_418 = tpu.memref_slice %arg5[%dma_wait3A_416, %dma_wait3A_417] : memref<850x128xf32, #tpu.memory_space<hbm>> -> memref<850x128xf32, #tpu.memory_space<hbm>>
    tpu.wait_indirect_dma semaphore(%arg16 : memref<!tpu.dma_semaphore, #tpu.memory_space<semaphore_mem>>) src(%dma_wait3A_418 : memref<850x128xf32, #tpu.memory_space<hbm>>) dst(%arg14 : memref<80x128xf32, #tpu.memory_space<vmem>>)
    %multiple_of3A_419 = arith.constant 800 : i32
    %multiple_of3A_420 = tpu.assume_multiple %multiple_of3A_419, 80 : i32
    %add3A_421 = arith.addi %multiple_of3A, %multiple_of3A_420 : i32
    %dma_start3A_422 = arith.constant 0 : i32
    %dma_start3A_423 = tpu.memref_slice %arg6[%add3A_421, %dma_start3A_422] : memref<51200x128xi32, #tpu.memory_space<hbm>> -> memref<80x128xi32, #tpu.memory_space<hbm>>
    %dma_start3A_424 = arith.constant 0 : i32
    %dma_start3A_425 = tpu.memref_slice %arg6[%add3A_421, %dma_start3A_424] : memref<51200x128xi32, #tpu.memory_space<hbm>> -> memref<80x128xi32, #tpu.memory_space<hbm>>
    tpu.enqueue_dma source(%arg11 : memref<80x128xi32, #tpu.memory_space<vmem>>) target(%dma_start3A_425 : memref<80x128xi32, #tpu.memory_space<hbm>>) target_semaphore(%arg17 : memref<!tpu.dma_semaphore, #tpu.memory_space<semaphore_mem>>)
    %add3A_426 = arith.addi %multiple_of3A, %multiple_of3A_420 : i32
    %dma_start3A_427 = arith.constant 0 : i32
    %dma_start3A_428 = tpu.memref_slice %arg7[%add3A_426, %dma_start3A_427] : memref<51200x128xf32, #tpu.memory_space<hbm>> -> memref<80x128xf32, #tpu.memory_space<hbm>>
    %dma_start3A_429 = arith.constant 0 : i32
    %dma_start3A_430 = tpu.memref_slice %arg7[%add3A_426, %dma_start3A_429] : memref<51200x128xf32, #tpu.memory_space<hbm>> -> memref<80x128xf32, #tpu.memory_space<hbm>>
    tpu.enqueue_dma source(%arg14 : memref<80x128xf32, #tpu.memory_space<vmem>>) target(%dma_start3A_430 : memref<80x128xf32, #tpu.memory_space<hbm>>) target_semaphore(%arg17 : memref<!tpu.dma_semaphore, #tpu.memory_space<semaphore_mem>>)
    %dma_wait3A_431 = arith.constant 0 : i32
    %dma_wait3A_432 = tpu.memref_slice %arg6[%add3A_421, %dma_wait3A_431] : memref<51200x128xi32, #tpu.memory_space<hbm>> -> memref<80x128xi32, #tpu.memory_space<hbm>>
    %dma_wait3A_433 = arith.constant 0 : i32
    %dma_wait3A_434 = tpu.memref_slice %arg6[%add3A_421, %dma_wait3A_433] : memref<51200x128xi32, #tpu.memory_space<hbm>> -> memref<80x128xi32, #tpu.memory_space<hbm>>
    tpu.wait_dma2 semaphore(%arg17 : memref<!tpu.dma_semaphore, #tpu.memory_space<semaphore_mem>>) src(%arg11 : memref<80x128xi32, #tpu.memory_space<vmem>>) dst(%dma_wait3A_434 : memref<80x128xi32, #tpu.memory_space<hbm>>)
    %dma_wait3A_435 = arith.constant 0 : i32
    %dma_wait3A_436 = tpu.memref_slice %arg7[%add3A_426, %dma_wait3A_435] : memref<51200x128xf32, #tpu.memory_space<hbm>> -> memref<80x128xf32, #tpu.memory_space<hbm>>
    %dma_wait3A_437 = arith.constant 0 : i32
    %dma_wait3A_438 = tpu.memref_slice %arg7[%add3A_426, %dma_wait3A_437] : memref<51200x128xf32, #tpu.memory_space<hbm>> -> memref<80x128xf32, #tpu.memory_space<hbm>>
    tpu.wait_dma2 semaphore(%arg17 : memref<!tpu.dma_semaphore, #tpu.memory_space<semaphore_mem>>) src(%arg14 : memref<80x128xf32, #tpu.memory_space<vmem>>) dst(%dma_wait3A_438 : memref<80x128xf32, #tpu.memory_space<hbm>>)
    %multiple_of3A_439 = arith.constant 1040 : i32
    %multiple_of3A_440 = tpu.assume_multiple %multiple_of3A_439, 80 : i32
    %dma_start3A_441 = tpu.memref_slice %arg8[%multiple_of3A_440] : memref<1600xi32, #tpu.memory_space<vmem>> -> memref<80xi32, #tpu.memory_space<vmem>>
    %dma_start3A_442 = arith.constant 0 : i32
    %dma_start3A_443 = arith.constant 0 : i32
    %dma_start3A_444 = tpu.memref_slice %arg4[%dma_start3A_442, %dma_start3A_443] : memref<1025x128xi32, #tpu.memory_space<hbm>> -> memref<1025x128xi32, #tpu.memory_space<hbm>>
    tpu.enqueue_indirect_dma source(%dma_start3A_444 : memref<1025x128xi32, #tpu.memory_space<hbm>>) target(%arg11 : memref<80x128xi32, #tpu.memory_space<vmem>>) offsets(%dma_start3A_441 : memref<80xi32, #tpu.memory_space<vmem>>) semaphore(%arg16 : memref<!tpu.dma_semaphore, #tpu.memory_space<semaphore_mem>>)
    %dma_start3A_445 = tpu.memref_slice %arg9[%multiple_of3A_440] : memref<1600xi32, #tpu.memory_space<vmem>> -> memref<80xi32, #tpu.memory_space<vmem>>
    %dma_start3A_446 = arith.constant 0 : i32
    %dma_start3A_447 = arith.constant 0 : i32
    %dma_start3A_448 = tpu.memref_slice %arg5[%dma_start3A_446, %dma_start3A_447] : memref<850x128xf32, #tpu.memory_space<hbm>> -> memref<850x128xf32, #tpu.memory_space<hbm>>
    tpu.enqueue_indirect_dma source(%dma_start3A_448 : memref<850x128xf32, #tpu.memory_space<hbm>>) target(%arg14 : memref<80x128xf32, #tpu.memory_space<vmem>>) offsets(%dma_start3A_445 : memref<80xi32, #tpu.memory_space<vmem>>) semaphore(%arg16 : memref<!tpu.dma_semaphore, #tpu.memory_space<semaphore_mem>>)
    %dma_wait3A_449 = tpu.memref_slice %arg8[%multiple_of3A_364] : memref<1600xi32, #tpu.memory_space<vmem>> -> memref<80xi32, #tpu.memory_space<vmem>>
    %dma_wait3A_450 = arith.constant 0 : i32
    %dma_wait3A_451 = arith.constant 0 : i32
    %dma_wait3A_452 = tpu.memref_slice %arg4[%dma_wait3A_450, %dma_wait3A_451] : memref<1025x128xi32, #tpu.memory_space<hbm>> -> memref<1025x128xi32, #tpu.memory_space<hbm>>
    tpu.wait_indirect_dma semaphore(%arg16 : memref<!tpu.dma_semaphore, #tpu.memory_space<semaphore_mem>>) src(%dma_wait3A_452 : memref<1025x128xi32, #tpu.memory_space<hbm>>) dst(%arg12 : memref<80x128xi32, #tpu.memory_space<vmem>>)
    %dma_wait3A_453 = tpu.memref_slice %arg9[%multiple_of3A_364] : memref<1600xi32, #tpu.memory_space<vmem>> -> memref<80xi32, #tpu.memory_space<vmem>>
    %dma_wait3A_454 = arith.constant 0 : i32
    %dma_wait3A_455 = arith.constant 0 : i32
    %dma_wait3A_456 = tpu.memref_slice %arg5[%dma_wait3A_454, %dma_wait3A_455] : memref<850x128xf32, #tpu.memory_space<hbm>> -> memref<850x128xf32, #tpu.memory_space<hbm>>
    tpu.wait_indirect_dma semaphore(%arg16 : memref<!tpu.dma_semaphore, #tpu.memory_space<semaphore_mem>>) src(%dma_wait3A_456 : memref<850x128xf32, #tpu.memory_space<hbm>>) dst(%arg15 : memref<80x128xf32, #tpu.memory_space<vmem>>)
    %multiple_of3A_457 = arith.constant 880 : i32
    %multiple_of3A_458 = tpu.assume_multiple %multiple_of3A_457, 80 : i32
    %add3A_459 = arith.addi %multiple_of3A, %multiple_of3A_458 : i32
    %dma_start3A_460 = arith.constant 0 : i32
    %dma_start3A_461 = tpu.memref_slice %arg6[%add3A_459, %dma_start3A_460] : memref<51200x128xi32, #tpu.memory_space<hbm>> -> memref<80x128xi32, #tpu.memory_space<hbm>>
    %dma_start3A_462 = arith.constant 0 : i32
    %dma_start3A_463 = tpu.memref_slice %arg6[%add3A_459, %dma_start3A_462] : memref<51200x128xi32, #tpu.memory_space<hbm>> -> memref<80x128xi32, #tpu.memory_space<hbm>>
    tpu.enqueue_dma source(%arg12 : memref<80x128xi32, #tpu.memory_space<vmem>>) target(%dma_start3A_463 : memref<80x128xi32, #tpu.memory_space<hbm>>) target_semaphore(%arg17 : memref<!tpu.dma_semaphore, #tpu.memory_space<semaphore_mem>>)
    %add3A_464 = arith.addi %multiple_of3A, %multiple_of3A_458 : i32
    %dma_start3A_465 = arith.constant 0 : i32
    %dma_start3A_466 = tpu.memref_slice %arg7[%add3A_464, %dma_start3A_465] : memref<51200x128xf32, #tpu.memory_space<hbm>> -> memref<80x128xf32, #tpu.memory_space<hbm>>
    %dma_start3A_467 = arith.constant 0 : i32
    %dma_start3A_468 = tpu.memref_slice %arg7[%add3A_464, %dma_start3A_467] : memref<51200x128xf32, #tpu.memory_space<hbm>> -> memref<80x128xf32, #tpu.memory_space<hbm>>
    tpu.enqueue_dma source(%arg15 : memref<80x128xf32, #tpu.memory_space<vmem>>) target(%dma_start3A_468 : memref<80x128xf32, #tpu.memory_space<hbm>>) target_semaphore(%arg17 : memref<!tpu.dma_semaphore, #tpu.memory_space<semaphore_mem>>)
    %dma_wait3A_469 = arith.constant 0 : i32
    %dma_wait3A_470 = tpu.memref_slice %arg6[%add3A_459, %dma_wait3A_469] : memref<51200x128xi32, #tpu.memory_space<hbm>> -> memref<80x128xi32, #tpu.memory_space<hbm>>
    %dma_wait3A_471 = arith.constant 0 : i32
    %dma_wait3A_472 = tpu.memref_slice %arg6[%add3A_459, %dma_wait3A_471] : memref<51200x128xi32, #tpu.memory_space<hbm>> -> memref<80x128xi32, #tpu.memory_space<hbm>>
    tpu.wait_dma2 semaphore(%arg17 : memref<!tpu.dma_semaphore, #tpu.memory_space<semaphore_mem>>) src(%arg12 : memref<80x128xi32, #tpu.memory_space<vmem>>) dst(%dma_wait3A_472 : memref<80x128xi32, #tpu.memory_space<hbm>>)
    %dma_wait3A_473 = arith.constant 0 : i32
    %dma_wait3A_474 = tpu.memref_slice %arg7[%add3A_464, %dma_wait3A_473] : memref<51200x128xf32, #tpu.memory_space<hbm>> -> memref<80x128xf32, #tpu.memory_space<hbm>>
    %dma_wait3A_475 = arith.constant 0 : i32
    %dma_wait3A_476 = tpu.memref_slice %arg7[%add3A_464, %dma_wait3A_475] : memref<51200x128xf32, #tpu.memory_space<hbm>> -> memref<80x128xf32, #tpu.memory_space<hbm>>
    tpu.wait_dma2 semaphore(%arg17 : memref<!tpu.dma_semaphore, #tpu.memory_space<semaphore_mem>>) src(%arg15 : memref<80x128xf32, #tpu.memory_space<vmem>>) dst(%dma_wait3A_476 : memref<80x128xf32, #tpu.memory_space<hbm>>)
    %multiple_of3A_477 = arith.constant 1120 : i32
    %multiple_of3A_478 = tpu.assume_multiple %multiple_of3A_477, 80 : i32
    %dma_start3A_479 = tpu.memref_slice %arg8[%multiple_of3A_478] : memref<1600xi32, #tpu.memory_space<vmem>> -> memref<80xi32, #tpu.memory_space<vmem>>
    %dma_start3A_480 = arith.constant 0 : i32
    %dma_start3A_481 = arith.constant 0 : i32
    %dma_start3A_482 = tpu.memref_slice %arg4[%dma_start3A_480, %dma_start3A_481] : memref<1025x128xi32, #tpu.memory_space<hbm>> -> memref<1025x128xi32, #tpu.memory_space<hbm>>
    tpu.enqueue_indirect_dma source(%dma_start3A_482 : memref<1025x128xi32, #tpu.memory_space<hbm>>) target(%arg12 : memref<80x128xi32, #tpu.memory_space<vmem>>) offsets(%dma_start3A_479 : memref<80xi32, #tpu.memory_space<vmem>>) semaphore(%arg16 : memref<!tpu.dma_semaphore, #tpu.memory_space<semaphore_mem>>)
    %dma_start3A_483 = tpu.memref_slice %arg9[%multiple_of3A_478] : memref<1600xi32, #tpu.memory_space<vmem>> -> memref<80xi32, #tpu.memory_space<vmem>>
    %dma_start3A_484 = arith.constant 0 : i32
    %dma_start3A_485 = arith.constant 0 : i32
    %dma_start3A_486 = tpu.memref_slice %arg5[%dma_start3A_484, %dma_start3A_485] : memref<850x128xf32, #tpu.memory_space<hbm>> -> memref<850x128xf32, #tpu.memory_space<hbm>>
    tpu.enqueue_indirect_dma source(%dma_start3A_486 : memref<850x128xf32, #tpu.memory_space<hbm>>) target(%arg15 : memref<80x128xf32, #tpu.memory_space<vmem>>) offsets(%dma_start3A_483 : memref<80xi32, #tpu.memory_space<vmem>>) semaphore(%arg16 : memref<!tpu.dma_semaphore, #tpu.memory_space<semaphore_mem>>)
    %dma_wait3A_487 = tpu.memref_slice %arg8[%multiple_of3A_402] : memref<1600xi32, #tpu.memory_space<vmem>> -> memref<80xi32, #tpu.memory_space<vmem>>
    %dma_wait3A_488 = arith.constant 0 : i32
    %dma_wait3A_489 = arith.constant 0 : i32
    %dma_wait3A_490 = tpu.memref_slice %arg4[%dma_wait3A_488, %dma_wait3A_489] : memref<1025x128xi32, #tpu.memory_space<hbm>> -> memref<1025x128xi32, #tpu.memory_space<hbm>>
    tpu.wait_indirect_dma semaphore(%arg16 : memref<!tpu.dma_semaphore, #tpu.memory_space<semaphore_mem>>) src(%dma_wait3A_490 : memref<1025x128xi32, #tpu.memory_space<hbm>>) dst(%arg10 : memref<80x128xi32, #tpu.memory_space<vmem>>)
    %dma_wait3A_491 = tpu.memref_slice %arg9[%multiple_of3A_402] : memref<1600xi32, #tpu.memory_space<vmem>> -> memref<80xi32, #tpu.memory_space<vmem>>
    %dma_wait3A_492 = arith.constant 0 : i32
    %dma_wait3A_493 = arith.constant 0 : i32
    %dma_wait3A_494 = tpu.memref_slice %arg5[%dma_wait3A_492, %dma_wait3A_493] : memref<850x128xf32, #tpu.memory_space<hbm>> -> memref<850x128xf32, #tpu.memory_space<hbm>>
    tpu.wait_indirect_dma semaphore(%arg16 : memref<!tpu.dma_semaphore, #tpu.memory_space<semaphore_mem>>) src(%dma_wait3A_494 : memref<850x128xf32, #tpu.memory_space<hbm>>) dst(%arg13 : memref<80x128xf32, #tpu.memory_space<vmem>>)
    %multiple_of3A_495 = arith.constant 960 : i32
    %multiple_of3A_496 = tpu.assume_multiple %multiple_of3A_495, 80 : i32
    %add3A_497 = arith.addi %multiple_of3A, %multiple_of3A_496 : i32
    %dma_start3A_498 = arith.constant 0 : i32
    %dma_start3A_499 = tpu.memref_slice %arg6[%add3A_497, %dma_start3A_498] : memref<51200x128xi32, #tpu.memory_space<hbm>> -> memref<80x128xi32, #tpu.memory_space<hbm>>
    %dma_start3A_500 = arith.constant 0 : i32
    %dma_start3A_501 = tpu.memref_slice %arg6[%add3A_497, %dma_start3A_500] : memref<51200x128xi32, #tpu.memory_space<hbm>> -> memref<80x128xi32, #tpu.memory_space<hbm>>
    tpu.enqueue_dma source(%arg10 : memref<80x128xi32, #tpu.memory_space<vmem>>) target(%dma_start3A_501 : memref<80x128xi32, #tpu.memory_space<hbm>>) target_semaphore(%arg17 : memref<!tpu.dma_semaphore, #tpu.memory_space<semaphore_mem>>)
    %add3A_502 = arith.addi %multiple_of3A, %multiple_of3A_496 : i32
    %dma_start3A_503 = arith.constant 0 : i32
    %dma_start3A_504 = tpu.memref_slice %arg7[%add3A_502, %dma_start3A_503] : memref<51200x128xf32, #tpu.memory_space<hbm>> -> memref<80x128xf32, #tpu.memory_space<hbm>>
    %dma_start3A_505 = arith.constant 0 : i32
    %dma_start3A_506 = tpu.memref_slice %arg7[%add3A_502, %dma_start3A_505] : memref<51200x128xf32, #tpu.memory_space<hbm>> -> memref<80x128xf32, #tpu.memory_space<hbm>>
    tpu.enqueue_dma source(%arg13 : memref<80x128xf32, #tpu.memory_space<vmem>>) target(%dma_start3A_506 : memref<80x128xf32, #tpu.memory_space<hbm>>) target_semaphore(%arg17 : memref<!tpu.dma_semaphore, #tpu.memory_space<semaphore_mem>>)
    %dma_wait3A_507 = arith.constant 0 : i32
    %dma_wait3A_508 = tpu.memref_slice %arg6[%add3A_497, %dma_wait3A_507] : memref<51200x128xi32, #tpu.memory_space<hbm>> -> memref<80x128xi32, #tpu.memory_space<hbm>>
    %dma_wait3A_509 = arith.constant 0 : i32
    %dma_wait3A_510 = tpu.memref_slice %arg6[%add3A_497, %dma_wait3A_509] : memref<51200x128xi32, #tpu.memory_space<hbm>> -> memref<80x128xi32, #tpu.memory_space<hbm>>
    tpu.wait_dma2 semaphore(%arg17 : memref<!tpu.dma_semaphore, #tpu.memory_space<semaphore_mem>>) src(%arg10 : memref<80x128xi32, #tpu.memory_space<vmem>>) dst(%dma_wait3A_510 : memref<80x128xi32, #tpu.memory_space<hbm>>)
    %dma_wait3A_511 = arith.constant 0 : i32
    %dma_wait3A_512 = tpu.memref_slice %arg7[%add3A_502, %dma_wait3A_511] : memref<51200x128xf32, #tpu.memory_space<hbm>> -> memref<80x128xf32, #tpu.memory_space<hbm>>
    %dma_wait3A_513 = arith.constant 0 : i32
    %dma_wait3A_514 = tpu.memref_slice %arg7[%add3A_502, %dma_wait3A_513] : memref<51200x128xf32, #tpu.memory_space<hbm>> -> memref<80x128xf32, #tpu.memory_space<hbm>>
    tpu.wait_dma2 semaphore(%arg17 : memref<!tpu.dma_semaphore, #tpu.memory_space<semaphore_mem>>) src(%arg13 : memref<80x128xf32, #tpu.memory_space<vmem>>) dst(%dma_wait3A_514 : memref<80x128xf32, #tpu.memory_space<hbm>>)
    %multiple_of3A_515 = arith.constant 1200 : i32
    %multiple_of3A_516 = tpu.assume_multiple %multiple_of3A_515, 80 : i32
    %dma_start3A_517 = tpu.memref_slice %arg8[%multiple_of3A_516] : memref<1600xi32, #tpu.memory_space<vmem>> -> memref<80xi32, #tpu.memory_space<vmem>>
    %dma_start3A_518 = arith.constant 0 : i32
    %dma_start3A_519 = arith.constant 0 : i32
    %dma_start3A_520 = tpu.memref_slice %arg4[%dma_start3A_518, %dma_start3A_519] : memref<1025x128xi32, #tpu.memory_space<hbm>> -> memref<1025x128xi32, #tpu.memory_space<hbm>>
    tpu.enqueue_indirect_dma source(%dma_start3A_520 : memref<1025x128xi32, #tpu.memory_space<hbm>>) target(%arg10 : memref<80x128xi32, #tpu.memory_space<vmem>>) offsets(%dma_start3A_517 : memref<80xi32, #tpu.memory_space<vmem>>) semaphore(%arg16 : memref<!tpu.dma_semaphore, #tpu.memory_space<semaphore_mem>>)
    %dma_start3A_521 = tpu.memref_slice %arg9[%multiple_of3A_516] : memref<1600xi32, #tpu.memory_space<vmem>> -> memref<80xi32, #tpu.memory_space<vmem>>
    %dma_start3A_522 = arith.constant 0 : i32
    %dma_start3A_523 = arith.constant 0 : i32
    %dma_start3A_524 = tpu.memref_slice %arg5[%dma_start3A_522, %dma_start3A_523] : memref<850x128xf32, #tpu.memory_space<hbm>> -> memref<850x128xf32, #tpu.memory_space<hbm>>
    tpu.enqueue_indirect_dma source(%dma_start3A_524 : memref<850x128xf32, #tpu.memory_space<hbm>>) target(%arg13 : memref<80x128xf32, #tpu.memory_space<vmem>>) offsets(%dma_start3A_521 : memref<80xi32, #tpu.memory_space<vmem>>) semaphore(%arg16 : memref<!tpu.dma_semaphore, #tpu.memory_space<semaphore_mem>>)
    %dma_wait3A_525 = tpu.memref_slice %arg8[%multiple_of3A_440] : memref<1600xi32, #tpu.memory_space<vmem>> -> memref<80xi32, #tpu.memory_space<vmem>>
    %dma_wait3A_526 = arith.constant 0 : i32
    %dma_wait3A_527 = arith.constant 0 : i32
    %dma_wait3A_528 = tpu.memref_slice %arg4[%dma_wait3A_526, %dma_wait3A_527] : memref<1025x128xi32, #tpu.memory_space<hbm>> -> memref<1025x128xi32, #tpu.memory_space<hbm>>
    tpu.wait_indirect_dma semaphore(%arg16 : memref<!tpu.dma_semaphore, #tpu.memory_space<semaphore_mem>>) src(%dma_wait3A_528 : memref<1025x128xi32, #tpu.memory_space<hbm>>) dst(%arg11 : memref<80x128xi32, #tpu.memory_space<vmem>>)
    %dma_wait3A_529 = tpu.memref_slice %arg9[%multiple_of3A_440] : memref<1600xi32, #tpu.memory_space<vmem>> -> memref<80xi32, #tpu.memory_space<vmem>>
    %dma_wait3A_530 = arith.constant 0 : i32
    %dma_wait3A_531 = arith.constant 0 : i32
    %dma_wait3A_532 = tpu.memref_slice %arg5[%dma_wait3A_530, %dma_wait3A_531] : memref<850x128xf32, #tpu.memory_space<hbm>> -> memref<850x128xf32, #tpu.memory_space<hbm>>
    tpu.wait_indirect_dma semaphore(%arg16 : memref<!tpu.dma_semaphore, #tpu.memory_space<semaphore_mem>>) src(%dma_wait3A_532 : memref<850x128xf32, #tpu.memory_space<hbm>>) dst(%arg14 : memref<80x128xf32, #tpu.memory_space<vmem>>)
    %multiple_of3A_533 = arith.constant 1040 : i32
    %multiple_of3A_534 = tpu.assume_multiple %multiple_of3A_533, 80 : i32
    %add3A_535 = arith.addi %multiple_of3A, %multiple_of3A_534 : i32
    %dma_start3A_536 = arith.constant 0 : i32
    %dma_start3A_537 = tpu.memref_slice %arg6[%add3A_535, %dma_start3A_536] : memref<51200x128xi32, #tpu.memory_space<hbm>> -> memref<80x128xi32, #tpu.memory_space<hbm>>
    %dma_start3A_538 = arith.constant 0 : i32
    %dma_start3A_539 = tpu.memref_slice %arg6[%add3A_535, %dma_start3A_538] : memref<51200x128xi32, #tpu.memory_space<hbm>> -> memref<80x128xi32, #tpu.memory_space<hbm>>
    tpu.enqueue_dma source(%arg11 : memref<80x128xi32, #tpu.memory_space<vmem>>) target(%dma_start3A_539 : memref<80x128xi32, #tpu.memory_space<hbm>>) target_semaphore(%arg17 : memref<!tpu.dma_semaphore, #tpu.memory_space<semaphore_mem>>)
    %add3A_540 = arith.addi %multiple_of3A, %multiple_of3A_534 : i32
    %dma_start3A_541 = arith.constant 0 : i32
    %dma_start3A_542 = tpu.memref_slice %arg7[%add3A_540, %dma_start3A_541] : memref<51200x128xf32, #tpu.memory_space<hbm>> -> memref<80x128xf32, #tpu.memory_space<hbm>>
    %dma_start3A_543 = arith.constant 0 : i32
    %dma_start3A_544 = tpu.memref_slice %arg7[%add3A_540, %dma_start3A_543] : memref<51200x128xf32, #tpu.memory_space<hbm>> -> memref<80x128xf32, #tpu.memory_space<hbm>>
    tpu.enqueue_dma source(%arg14 : memref<80x128xf32, #tpu.memory_space<vmem>>) target(%dma_start3A_544 : memref<80x128xf32, #tpu.memory_space<hbm>>) target_semaphore(%arg17 : memref<!tpu.dma_semaphore, #tpu.memory_space<semaphore_mem>>)
    %dma_wait3A_545 = arith.constant 0 : i32
    %dma_wait3A_546 = tpu.memref_slice %arg6[%add3A_535, %dma_wait3A_545] : memref<51200x128xi32, #tpu.memory_space<hbm>> -> memref<80x128xi32, #tpu.memory_space<hbm>>
    %dma_wait3A_547 = arith.constant 0 : i32
    %dma_wait3A_548 = tpu.memref_slice %arg6[%add3A_535, %dma_wait3A_547] : memref<51200x128xi32, #tpu.memory_space<hbm>> -> memref<80x128xi32, #tpu.memory_space<hbm>>
    tpu.wait_dma2 semaphore(%arg17 : memref<!tpu.dma_semaphore, #tpu.memory_space<semaphore_mem>>) src(%arg11 : memref<80x128xi32, #tpu.memory_space<vmem>>) dst(%dma_wait3A_548 : memref<80x128xi32, #tpu.memory_space<hbm>>)
    %dma_wait3A_549 = arith.constant 0 : i32
    %dma_wait3A_550 = tpu.memref_slice %arg7[%add3A_540, %dma_wait3A_549] : memref<51200x128xf32, #tpu.memory_space<hbm>> -> memref<80x128xf32, #tpu.memory_space<hbm>>
    %dma_wait3A_551 = arith.constant 0 : i32
    %dma_wait3A_552 = tpu.memref_slice %arg7[%add3A_540, %dma_wait3A_551] : memref<51200x128xf32, #tpu.memory_space<hbm>> -> memref<80x128xf32, #tpu.memory_space<hbm>>
    tpu.wait_dma2 semaphore(%arg17 : memref<!tpu.dma_semaphore, #tpu.memory_space<semaphore_mem>>) src(%arg14 : memref<80x128xf32, #tpu.memory_space<vmem>>) dst(%dma_wait3A_552 : memref<80x128xf32, #tpu.memory_space<hbm>>)
    %multiple_of3A_553 = arith.constant 1280 : i32
    %multiple_of3A_554 = tpu.assume_multiple %multiple_of3A_553, 80 : i32
    %dma_start3A_555 = tpu.memref_slice %arg8[%multiple_of3A_554] : memref<1600xi32, #tpu.memory_space<vmem>> -> memref<80xi32, #tpu.memory_space<vmem>>
    %dma_start3A_556 = arith.constant 0 : i32
    %dma_start3A_557 = arith.constant 0 : i32
    %dma_start3A_558 = tpu.memref_slice %arg4[%dma_start3A_556, %dma_start3A_557] : memref<1025x128xi32, #tpu.memory_space<hbm>> -> memref<1025x128xi32, #tpu.memory_space<hbm>>
    tpu.enqueue_indirect_dma source(%dma_start3A_558 : memref<1025x128xi32, #tpu.memory_space<hbm>>) target(%arg11 : memref<80x128xi32, #tpu.memory_space<vmem>>) offsets(%dma_start3A_555 : memref<80xi32, #tpu.memory_space<vmem>>) semaphore(%arg16 : memref<!tpu.dma_semaphore, #tpu.memory_space<semaphore_mem>>)
    %dma_start3A_559 = tpu.memref_slice %arg9[%multiple_of3A_554] : memref<1600xi32, #tpu.memory_space<vmem>> -> memref<80xi32, #tpu.memory_space<vmem>>
    %dma_start3A_560 = arith.constant 0 : i32
    %dma_start3A_561 = arith.constant 0 : i32
    %dma_start3A_562 = tpu.memref_slice %arg5[%dma_start3A_560, %dma_start3A_561] : memref<850x128xf32, #tpu.memory_space<hbm>> -> memref<850x128xf32, #tpu.memory_space<hbm>>
    tpu.enqueue_indirect_dma source(%dma_start3A_562 : memref<850x128xf32, #tpu.memory_space<hbm>>) target(%arg14 : memref<80x128xf32, #tpu.memory_space<vmem>>) offsets(%dma_start3A_559 : memref<80xi32, #tpu.memory_space<vmem>>) semaphore(%arg16 : memref<!tpu.dma_semaphore, #tpu.memory_space<semaphore_mem>>)
    %dma_wait3A_563 = tpu.memref_slice %arg8[%multiple_of3A_478] : memref<1600xi32, #tpu.memory_space<vmem>> -> memref<80xi32, #tpu.memory_space<vmem>>
    %dma_wait3A_564 = arith.constant 0 : i32
    %dma_wait3A_565 = arith.constant 0 : i32
    %dma_wait3A_566 = tpu.memref_slice %arg4[%dma_wait3A_564, %dma_wait3A_565] : memref<1025x128xi32, #tpu.memory_space<hbm>> -> memref<1025x128xi32, #tpu.memory_space<hbm>>
    tpu.wait_indirect_dma semaphore(%arg16 : memref<!tpu.dma_semaphore, #tpu.memory_space<semaphore_mem>>) src(%dma_wait3A_566 : memref<1025x128xi32, #tpu.memory_space<hbm>>) dst(%arg12 : memref<80x128xi32, #tpu.memory_space<vmem>>)
    %dma_wait3A_567 = tpu.memref_slice %arg9[%multiple_of3A_478] : memref<1600xi32, #tpu.memory_space<vmem>> -> memref<80xi32, #tpu.memory_space<vmem>>
    %dma_wait3A_568 = arith.constant 0 : i32
    %dma_wait3A_569 = arith.constant 0 : i32
    %dma_wait3A_570 = tpu.memref_slice %arg5[%dma_wait3A_568, %dma_wait3A_569] : memref<850x128xf32, #tpu.memory_space<hbm>> -> memref<850x128xf32, #tpu.memory_space<hbm>>
    tpu.wait_indirect_dma semaphore(%arg16 : memref<!tpu.dma_semaphore, #tpu.memory_space<semaphore_mem>>) src(%dma_wait3A_570 : memref<850x128xf32, #tpu.memory_space<hbm>>) dst(%arg15 : memref<80x128xf32, #tpu.memory_space<vmem>>)
    %multiple_of3A_571 = arith.constant 1120 : i32
    %multiple_of3A_572 = tpu.assume_multiple %multiple_of3A_571, 80 : i32
    %add3A_573 = arith.addi %multiple_of3A, %multiple_of3A_572 : i32
    %dma_start3A_574 = arith.constant 0 : i32
    %dma_start3A_575 = tpu.memref_slice %arg6[%add3A_573, %dma_start3A_574] : memref<51200x128xi32, #tpu.memory_space<hbm>> -> memref<80x128xi32, #tpu.memory_space<hbm>>
    %dma_start3A_576 = arith.constant 0 : i32
    %dma_start3A_577 = tpu.memref_slice %arg6[%add3A_573, %dma_start3A_576] : memref<51200x128xi32, #tpu.memory_space<hbm>> -> memref<80x128xi32, #tpu.memory_space<hbm>>
    tpu.enqueue_dma source(%arg12 : memref<80x128xi32, #tpu.memory_space<vmem>>) target(%dma_start3A_577 : memref<80x128xi32, #tpu.memory_space<hbm>>) target_semaphore(%arg17 : memref<!tpu.dma_semaphore, #tpu.memory_space<semaphore_mem>>)
    %add3A_578 = arith.addi %multiple_of3A, %multiple_of3A_572 : i32
    %dma_start3A_579 = arith.constant 0 : i32
    %dma_start3A_580 = tpu.memref_slice %arg7[%add3A_578, %dma_start3A_579] : memref<51200x128xf32, #tpu.memory_space<hbm>> -> memref<80x128xf32, #tpu.memory_space<hbm>>
    %dma_start3A_581 = arith.constant 0 : i32
    %dma_start3A_582 = tpu.memref_slice %arg7[%add3A_578, %dma_start3A_581] : memref<51200x128xf32, #tpu.memory_space<hbm>> -> memref<80x128xf32, #tpu.memory_space<hbm>>
    tpu.enqueue_dma source(%arg15 : memref<80x128xf32, #tpu.memory_space<vmem>>) target(%dma_start3A_582 : memref<80x128xf32, #tpu.memory_space<hbm>>) target_semaphore(%arg17 : memref<!tpu.dma_semaphore, #tpu.memory_space<semaphore_mem>>)
    %dma_wait3A_583 = arith.constant 0 : i32
    %dma_wait3A_584 = tpu.memref_slice %arg6[%add3A_573, %dma_wait3A_583] : memref<51200x128xi32, #tpu.memory_space<hbm>> -> memref<80x128xi32, #tpu.memory_space<hbm>>
    %dma_wait3A_585 = arith.constant 0 : i32
    %dma_wait3A_586 = tpu.memref_slice %arg6[%add3A_573, %dma_wait3A_585] : memref<51200x128xi32, #tpu.memory_space<hbm>> -> memref<80x128xi32, #tpu.memory_space<hbm>>
    tpu.wait_dma2 semaphore(%arg17 : memref<!tpu.dma_semaphore, #tpu.memory_space<semaphore_mem>>) src(%arg12 : memref<80x128xi32, #tpu.memory_space<vmem>>) dst(%dma_wait3A_586 : memref<80x128xi32, #tpu.memory_space<hbm>>)
    %dma_wait3A_587 = arith.constant 0 : i32
    %dma_wait3A_588 = tpu.memref_slice %arg7[%add3A_578, %dma_wait3A_587] : memref<51200x128xf32, #tpu.memory_space<hbm>> -> memref<80x128xf32, #tpu.memory_space<hbm>>
    %dma_wait3A_589 = arith.constant 0 : i32
    %dma_wait3A_590 = tpu.memref_slice %arg7[%add3A_578, %dma_wait3A_589] : memref<51200x128xf32, #tpu.memory_space<hbm>> -> memref<80x128xf32, #tpu.memory_space<hbm>>
    tpu.wait_dma2 semaphore(%arg17 : memref<!tpu.dma_semaphore, #tpu.memory_space<semaphore_mem>>) src(%arg15 : memref<80x128xf32, #tpu.memory_space<vmem>>) dst(%dma_wait3A_590 : memref<80x128xf32, #tpu.memory_space<hbm>>)
    %multiple_of3A_591 = arith.constant 1360 : i32
    %multiple_of3A_592 = tpu.assume_multiple %multiple_of3A_591, 80 : i32
    %dma_start3A_593 = tpu.memref_slice %arg8[%multiple_of3A_592] : memref<1600xi32, #tpu.memory_space<vmem>> -> memref<80xi32, #tpu.memory_space<vmem>>
    %dma_start3A_594 = arith.constant 0 : i32
    %dma_start3A_595 = arith.constant 0 : i32
    %dma_start3A_596 = tpu.memref_slice %arg4[%dma_start3A_594, %dma_start3A_595] : memref<1025x128xi32, #tpu.memory_space<hbm>> -> memref<1025x128xi32, #tpu.memory_space<hbm>>
    tpu.enqueue_indirect_dma source(%dma_start3A_596 : memref<1025x128xi32, #tpu.memory_space<hbm>>) target(%arg12 : memref<80x128xi32, #tpu.memory_space<vmem>>) offsets(%dma_start3A_593 : memref<80xi32, #tpu.memory_space<vmem>>) semaphore(%arg16 : memref<!tpu.dma_semaphore, #tpu.memory_space<semaphore_mem>>)
    %dma_start3A_597 = tpu.memref_slice %arg9[%multiple_of3A_592] : memref<1600xi32, #tpu.memory_space<vmem>> -> memref<80xi32, #tpu.memory_space<vmem>>
    %dma_start3A_598 = arith.constant 0 : i32
    %dma_start3A_599 = arith.constant 0 : i32
    %dma_start3A_600 = tpu.memref_slice %arg5[%dma_start3A_598, %dma_start3A_599] : memref<850x128xf32, #tpu.memory_space<hbm>> -> memref<850x128xf32, #tpu.memory_space<hbm>>
    tpu.enqueue_indirect_dma source(%dma_start3A_600 : memref<850x128xf32, #tpu.memory_space<hbm>>) target(%arg15 : memref<80x128xf32, #tpu.memory_space<vmem>>) offsets(%dma_start3A_597 : memref<80xi32, #tpu.memory_space<vmem>>) semaphore(%arg16 : memref<!tpu.dma_semaphore, #tpu.memory_space<semaphore_mem>>)
    %dma_wait3A_601 = tpu.memref_slice %arg8[%multiple_of3A_516] : memref<1600xi32, #tpu.memory_space<vmem>> -> memref<80xi32, #tpu.memory_space<vmem>>
    %dma_wait3A_602 = arith.constant 0 : i32
    %dma_wait3A_603 = arith.constant 0 : i32
    %dma_wait3A_604 = tpu.memref_slice %arg4[%dma_wait3A_602, %dma_wait3A_603] : memref<1025x128xi32, #tpu.memory_space<hbm>> -> memref<1025x128xi32, #tpu.memory_space<hbm>>
    tpu.wait_indirect_dma semaphore(%arg16 : memref<!tpu.dma_semaphore, #tpu.memory_space<semaphore_mem>>) src(%dma_wait3A_604 : memref<1025x128xi32, #tpu.memory_space<hbm>>) dst(%arg10 : memref<80x128xi32, #tpu.memory_space<vmem>>)
    %dma_wait3A_605 = tpu.memref_slice %arg9[%multiple_of3A_516] : memref<1600xi32, #tpu.memory_space<vmem>> -> memref<80xi32, #tpu.memory_space<vmem>>
    %dma_wait3A_606 = arith.constant 0 : i32
    %dma_wait3A_607 = arith.constant 0 : i32
    %dma_wait3A_608 = tpu.memref_slice %arg5[%dma_wait3A_606, %dma_wait3A_607] : memref<850x128xf32, #tpu.memory_space<hbm>> -> memref<850x128xf32, #tpu.memory_space<hbm>>
    tpu.wait_indirect_dma semaphore(%arg16 : memref<!tpu.dma_semaphore, #tpu.memory_space<semaphore_mem>>) src(%dma_wait3A_608 : memref<850x128xf32, #tpu.memory_space<hbm>>) dst(%arg13 : memref<80x128xf32, #tpu.memory_space<vmem>>)
    %multiple_of3A_609 = arith.constant 1200 : i32
    %multiple_of3A_610 = tpu.assume_multiple %multiple_of3A_609, 80 : i32
    %add3A_611 = arith.addi %multiple_of3A, %multiple_of3A_610 : i32
    %dma_start3A_612 = arith.constant 0 : i32
    %dma_start3A_613 = tpu.memref_slice %arg6[%add3A_611, %dma_start3A_612] : memref<51200x128xi32, #tpu.memory_space<hbm>> -> memref<80x128xi32, #tpu.memory_space<hbm>>
    %dma_start3A_614 = arith.constant 0 : i32
    %dma_start3A_615 = tpu.memref_slice %arg6[%add3A_611, %dma_start3A_614] : memref<51200x128xi32, #tpu.memory_space<hbm>> -> memref<80x128xi32, #tpu.memory_space<hbm>>
    tpu.enqueue_dma source(%arg10 : memref<80x128xi32, #tpu.memory_space<vmem>>) target(%dma_start3A_615 : memref<80x128xi32, #tpu.memory_space<hbm>>) target_semaphore(%arg17 : memref<!tpu.dma_semaphore, #tpu.memory_space<semaphore_mem>>)
    %add3A_616 = arith.addi %multiple_of3A, %multiple_of3A_610 : i32
    %dma_start3A_617 = arith.constant 0 : i32
    %dma_start3A_618 = tpu.memref_slice %arg7[%add3A_616, %dma_start3A_617] : memref<51200x128xf32, #tpu.memory_space<hbm>> -> memref<80x128xf32, #tpu.memory_space<hbm>>
    %dma_start3A_619 = arith.constant 0 : i32
    %dma_start3A_620 = tpu.memref_slice %arg7[%add3A_616, %dma_start3A_619] : memref<51200x128xf32, #tpu.memory_space<hbm>> -> memref<80x128xf32, #tpu.memory_space<hbm>>
    tpu.enqueue_dma source(%arg13 : memref<80x128xf32, #tpu.memory_space<vmem>>) target(%dma_start3A_620 : memref<80x128xf32, #tpu.memory_space<hbm>>) target_semaphore(%arg17 : memref<!tpu.dma_semaphore, #tpu.memory_space<semaphore_mem>>)
    %dma_wait3A_621 = arith.constant 0 : i32
    %dma_wait3A_622 = tpu.memref_slice %arg6[%add3A_611, %dma_wait3A_621] : memref<51200x128xi32, #tpu.memory_space<hbm>> -> memref<80x128xi32, #tpu.memory_space<hbm>>
    %dma_wait3A_623 = arith.constant 0 : i32
    %dma_wait3A_624 = tpu.memref_slice %arg6[%add3A_611, %dma_wait3A_623] : memref<51200x128xi32, #tpu.memory_space<hbm>> -> memref<80x128xi32, #tpu.memory_space<hbm>>
    tpu.wait_dma2 semaphore(%arg17 : memref<!tpu.dma_semaphore, #tpu.memory_space<semaphore_mem>>) src(%arg10 : memref<80x128xi32, #tpu.memory_space<vmem>>) dst(%dma_wait3A_624 : memref<80x128xi32, #tpu.memory_space<hbm>>)
    %dma_wait3A_625 = arith.constant 0 : i32
    %dma_wait3A_626 = tpu.memref_slice %arg7[%add3A_616, %dma_wait3A_625] : memref<51200x128xf32, #tpu.memory_space<hbm>> -> memref<80x128xf32, #tpu.memory_space<hbm>>
    %dma_wait3A_627 = arith.constant 0 : i32
    %dma_wait3A_628 = tpu.memref_slice %arg7[%add3A_616, %dma_wait3A_627] : memref<51200x128xf32, #tpu.memory_space<hbm>> -> memref<80x128xf32, #tpu.memory_space<hbm>>
    tpu.wait_dma2 semaphore(%arg17 : memref<!tpu.dma_semaphore, #tpu.memory_space<semaphore_mem>>) src(%arg13 : memref<80x128xf32, #tpu.memory_space<vmem>>) dst(%dma_wait3A_628 : memref<80x128xf32, #tpu.memory_space<hbm>>)
    %multiple_of3A_629 = arith.constant 1440 : i32
    %multiple_of3A_630 = tpu.assume_multiple %multiple_of3A_629, 80 : i32
    %dma_start3A_631 = tpu.memref_slice %arg8[%multiple_of3A_630] : memref<1600xi32, #tpu.memory_space<vmem>> -> memref<80xi32, #tpu.memory_space<vmem>>
    %dma_start3A_632 = arith.constant 0 : i32
    %dma_start3A_633 = arith.constant 0 : i32
    %dma_start3A_634 = tpu.memref_slice %arg4[%dma_start3A_632, %dma_start3A_633] : memref<1025x128xi32, #tpu.memory_space<hbm>> -> memref<1025x128xi32, #tpu.memory_space<hbm>>
    tpu.enqueue_indirect_dma source(%dma_start3A_634 : memref<1025x128xi32, #tpu.memory_space<hbm>>) target(%arg10 : memref<80x128xi32, #tpu.memory_space<vmem>>) offsets(%dma_start3A_631 : memref<80xi32, #tpu.memory_space<vmem>>) semaphore(%arg16 : memref<!tpu.dma_semaphore, #tpu.memory_space<semaphore_mem>>)
    %dma_start3A_635 = tpu.memref_slice %arg9[%multiple_of3A_630] : memref<1600xi32, #tpu.memory_space<vmem>> -> memref<80xi32, #tpu.memory_space<vmem>>
    %dma_start3A_636 = arith.constant 0 : i32
    %dma_start3A_637 = arith.constant 0 : i32
    %dma_start3A_638 = tpu.memref_slice %arg5[%dma_start3A_636, %dma_start3A_637] : memref<850x128xf32, #tpu.memory_space<hbm>> -> memref<850x128xf32, #tpu.memory_space<hbm>>
    tpu.enqueue_indirect_dma source(%dma_start3A_638 : memref<850x128xf32, #tpu.memory_space<hbm>>) target(%arg13 : memref<80x128xf32, #tpu.memory_space<vmem>>) offsets(%dma_start3A_635 : memref<80xi32, #tpu.memory_space<vmem>>) semaphore(%arg16 : memref<!tpu.dma_semaphore, #tpu.memory_space<semaphore_mem>>)
    %dma_wait3A_639 = tpu.memref_slice %arg8[%multiple_of3A_554] : memref<1600xi32, #tpu.memory_space<vmem>> -> memref<80xi32, #tpu.memory_space<vmem>>
    %dma_wait3A_640 = arith.constant 0 : i32
    %dma_wait3A_641 = arith.constant 0 : i32
    %dma_wait3A_642 = tpu.memref_slice %arg4[%dma_wait3A_640, %dma_wait3A_641] : memref<1025x128xi32, #tpu.memory_space<hbm>> -> memref<1025x128xi32, #tpu.memory_space<hbm>>
    tpu.wait_indirect_dma semaphore(%arg16 : memref<!tpu.dma_semaphore, #tpu.memory_space<semaphore_mem>>) src(%dma_wait3A_642 : memref<1025x128xi32, #tpu.memory_space<hbm>>) dst(%arg11 : memref<80x128xi32, #tpu.memory_space<vmem>>)
    %dma_wait3A_643 = tpu.memref_slice %arg9[%multiple_of3A_554] : memref<1600xi32, #tpu.memory_space<vmem>> -> memref<80xi32, #tpu.memory_space<vmem>>
    %dma_wait3A_644 = arith.constant 0 : i32
    %dma_wait3A_645 = arith.constant 0 : i32
    %dma_wait3A_646 = tpu.memref_slice %arg5[%dma_wait3A_644, %dma_wait3A_645] : memref<850x128xf32, #tpu.memory_space<hbm>> -> memref<850x128xf32, #tpu.memory_space<hbm>>
    tpu.wait_indirect_dma semaphore(%arg16 : memref<!tpu.dma_semaphore, #tpu.memory_space<semaphore_mem>>) src(%dma_wait3A_646 : memref<850x128xf32, #tpu.memory_space<hbm>>) dst(%arg14 : memref<80x128xf32, #tpu.memory_space<vmem>>)
    %multiple_of3A_647 = arith.constant 1280 : i32
    %multiple_of3A_648 = tpu.assume_multiple %multiple_of3A_647, 80 : i32
    %add3A_649 = arith.addi %multiple_of3A, %multiple_of3A_648 : i32
    %dma_start3A_650 = arith.constant 0 : i32
    %dma_start3A_651 = tpu.memref_slice %arg6[%add3A_649, %dma_start3A_650] : memref<51200x128xi32, #tpu.memory_space<hbm>> -> memref<80x128xi32, #tpu.memory_space<hbm>>
    %dma_start3A_652 = arith.constant 0 : i32
    %dma_start3A_653 = tpu.memref_slice %arg6[%add3A_649, %dma_start3A_652] : memref<51200x128xi32, #tpu.memory_space<hbm>> -> memref<80x128xi32, #tpu.memory_space<hbm>>
    tpu.enqueue_dma source(%arg11 : memref<80x128xi32, #tpu.memory_space<vmem>>) target(%dma_start3A_653 : memref<80x128xi32, #tpu.memory_space<hbm>>) target_semaphore(%arg17 : memref<!tpu.dma_semaphore, #tpu.memory_space<semaphore_mem>>)
    %add3A_654 = arith.addi %multiple_of3A, %multiple_of3A_648 : i32
    %dma_start3A_655 = arith.constant 0 : i32
    %dma_start3A_656 = tpu.memref_slice %arg7[%add3A_654, %dma_start3A_655] : memref<51200x128xf32, #tpu.memory_space<hbm>> -> memref<80x128xf32, #tpu.memory_space<hbm>>
    %dma_start3A_657 = arith.constant 0 : i32
    %dma_start3A_658 = tpu.memref_slice %arg7[%add3A_654, %dma_start3A_657] : memref<51200x128xf32, #tpu.memory_space<hbm>> -> memref<80x128xf32, #tpu.memory_space<hbm>>
    tpu.enqueue_dma source(%arg14 : memref<80x128xf32, #tpu.memory_space<vmem>>) target(%dma_start3A_658 : memref<80x128xf32, #tpu.memory_space<hbm>>) target_semaphore(%arg17 : memref<!tpu.dma_semaphore, #tpu.memory_space<semaphore_mem>>)
    %dma_wait3A_659 = arith.constant 0 : i32
    %dma_wait3A_660 = tpu.memref_slice %arg6[%add3A_649, %dma_wait3A_659] : memref<51200x128xi32, #tpu.memory_space<hbm>> -> memref<80x128xi32, #tpu.memory_space<hbm>>
    %dma_wait3A_661 = arith.constant 0 : i32
    %dma_wait3A_662 = tpu.memref_slice %arg6[%add3A_649, %dma_wait3A_661] : memref<51200x128xi32, #tpu.memory_space<hbm>> -> memref<80x128xi32, #tpu.memory_space<hbm>>
    tpu.wait_dma2 semaphore(%arg17 : memref<!tpu.dma_semaphore, #tpu.memory_space<semaphore_mem>>) src(%arg11 : memref<80x128xi32, #tpu.memory_space<vmem>>) dst(%dma_wait3A_662 : memref<80x128xi32, #tpu.memory_space<hbm>>)
    %dma_wait3A_663 = arith.constant 0 : i32
    %dma_wait3A_664 = tpu.memref_slice %arg7[%add3A_654, %dma_wait3A_663] : memref<51200x128xf32, #tpu.memory_space<hbm>> -> memref<80x128xf32, #tpu.memory_space<hbm>>
    %dma_wait3A_665 = arith.constant 0 : i32
    %dma_wait3A_666 = tpu.memref_slice %arg7[%add3A_654, %dma_wait3A_665] : memref<51200x128xf32, #tpu.memory_space<hbm>> -> memref<80x128xf32, #tpu.memory_space<hbm>>
    tpu.wait_dma2 semaphore(%arg17 : memref<!tpu.dma_semaphore, #tpu.memory_space<semaphore_mem>>) src(%arg14 : memref<80x128xf32, #tpu.memory_space<vmem>>) dst(%dma_wait3A_666 : memref<80x128xf32, #tpu.memory_space<hbm>>)
    %multiple_of3A_667 = arith.constant 1520 : i32
    %multiple_of3A_668 = tpu.assume_multiple %multiple_of3A_667, 80 : i32
    %dma_start3A_669 = tpu.memref_slice %arg8[%multiple_of3A_668] : memref<1600xi32, #tpu.memory_space<vmem>> -> memref<80xi32, #tpu.memory_space<vmem>>
    %dma_start3A_670 = arith.constant 0 : i32
    %dma_start3A_671 = arith.constant 0 : i32
    %dma_start3A_672 = tpu.memref_slice %arg4[%dma_start3A_670, %dma_start3A_671] : memref<1025x128xi32, #tpu.memory_space<hbm>> -> memref<1025x128xi32, #tpu.memory_space<hbm>>
    tpu.enqueue_indirect_dma source(%dma_start3A_672 : memref<1025x128xi32, #tpu.memory_space<hbm>>) target(%arg11 : memref<80x128xi32, #tpu.memory_space<vmem>>) offsets(%dma_start3A_669 : memref<80xi32, #tpu.memory_space<vmem>>) semaphore(%arg16 : memref<!tpu.dma_semaphore, #tpu.memory_space<semaphore_mem>>)
    %dma_start3A_673 = tpu.memref_slice %arg9[%multiple_of3A_668] : memref<1600xi32, #tpu.memory_space<vmem>> -> memref<80xi32, #tpu.memory_space<vmem>>
    %dma_start3A_674 = arith.constant 0 : i32
    %dma_start3A_675 = arith.constant 0 : i32
    %dma_start3A_676 = tpu.memref_slice %arg5[%dma_start3A_674, %dma_start3A_675] : memref<850x128xf32, #tpu.memory_space<hbm>> -> memref<850x128xf32, #tpu.memory_space<hbm>>
    tpu.enqueue_indirect_dma source(%dma_start3A_676 : memref<850x128xf32, #tpu.memory_space<hbm>>) target(%arg14 : memref<80x128xf32, #tpu.memory_space<vmem>>) offsets(%dma_start3A_673 : memref<80xi32, #tpu.memory_space<vmem>>) semaphore(%arg16 : memref<!tpu.dma_semaphore, #tpu.memory_space<semaphore_mem>>)
    %dma_wait3A_677 = tpu.memref_slice %arg8[%multiple_of3A_592] : memref<1600xi32, #tpu.memory_space<vmem>> -> memref<80xi32, #tpu.memory_space<vmem>>
    %dma_wait3A_678 = arith.constant 0 : i32
    %dma_wait3A_679 = arith.constant 0 : i32
    %dma_wait3A_680 = tpu.memref_slice %arg4[%dma_wait3A_678, %dma_wait3A_679] : memref<1025x128xi32, #tpu.memory_space<hbm>> -> memref<1025x128xi32, #tpu.memory_space<hbm>>
    tpu.wait_indirect_dma semaphore(%arg16 : memref<!tpu.dma_semaphore, #tpu.memory_space<semaphore_mem>>) src(%dma_wait3A_680 : memref<1025x128xi32, #tpu.memory_space<hbm>>) dst(%arg12 : memref<80x128xi32, #tpu.memory_space<vmem>>)
    %dma_wait3A_681 = tpu.memref_slice %arg9[%multiple_of3A_592] : memref<1600xi32, #tpu.memory_space<vmem>> -> memref<80xi32, #tpu.memory_space<vmem>>
    %dma_wait3A_682 = arith.constant 0 : i32
    %dma_wait3A_683 = arith.constant 0 : i32
    %dma_wait3A_684 = tpu.memref_slice %arg5[%dma_wait3A_682, %dma_wait3A_683] : memref<850x128xf32, #tpu.memory_space<hbm>> -> memref<850x128xf32, #tpu.memory_space<hbm>>
    tpu.wait_indirect_dma semaphore(%arg16 : memref<!tpu.dma_semaphore, #tpu.memory_space<semaphore_mem>>) src(%dma_wait3A_684 : memref<850x128xf32, #tpu.memory_space<hbm>>) dst(%arg15 : memref<80x128xf32, #tpu.memory_space<vmem>>)
    %multiple_of3A_685 = arith.constant 1360 : i32
    %multiple_of3A_686 = tpu.assume_multiple %multiple_of3A_685, 80 : i32
    %add3A_687 = arith.addi %multiple_of3A, %multiple_of3A_686 : i32
    %dma_start3A_688 = arith.constant 0 : i32
    %dma_start3A_689 = tpu.memref_slice %arg6[%add3A_687, %dma_start3A_688] : memref<51200x128xi32, #tpu.memory_space<hbm>> -> memref<80x128xi32, #tpu.memory_space<hbm>>
    %dma_start3A_690 = arith.constant 0 : i32
    %dma_start3A_691 = tpu.memref_slice %arg6[%add3A_687, %dma_start3A_690] : memref<51200x128xi32, #tpu.memory_space<hbm>> -> memref<80x128xi32, #tpu.memory_space<hbm>>
    tpu.enqueue_dma source(%arg12 : memref<80x128xi32, #tpu.memory_space<vmem>>) target(%dma_start3A_691 : memref<80x128xi32, #tpu.memory_space<hbm>>) target_semaphore(%arg17 : memref<!tpu.dma_semaphore, #tpu.memory_space<semaphore_mem>>)
    %add3A_692 = arith.addi %multiple_of3A, %multiple_of3A_686 : i32
    %dma_start3A_693 = arith.constant 0 : i32
    %dma_start3A_694 = tpu.memref_slice %arg7[%add3A_692, %dma_start3A_693] : memref<51200x128xf32, #tpu.memory_space<hbm>> -> memref<80x128xf32, #tpu.memory_space<hbm>>
    %dma_start3A_695 = arith.constant 0 : i32
    %dma_start3A_696 = tpu.memref_slice %arg7[%add3A_692, %dma_start3A_695] : memref<51200x128xf32, #tpu.memory_space<hbm>> -> memref<80x128xf32, #tpu.memory_space<hbm>>
    tpu.enqueue_dma source(%arg15 : memref<80x128xf32, #tpu.memory_space<vmem>>) target(%dma_start3A_696 : memref<80x128xf32, #tpu.memory_space<hbm>>) target_semaphore(%arg17 : memref<!tpu.dma_semaphore, #tpu.memory_space<semaphore_mem>>)
    %dma_wait3A_697 = tpu.memref_slice %arg8[%multiple_of3A_630] : memref<1600xi32, #tpu.memory_space<vmem>> -> memref<80xi32, #tpu.memory_space<vmem>>
    %dma_wait3A_698 = arith.constant 0 : i32
    %dma_wait3A_699 = arith.constant 0 : i32
    %dma_wait3A_700 = tpu.memref_slice %arg4[%dma_wait3A_698, %dma_wait3A_699] : memref<1025x128xi32, #tpu.memory_space<hbm>> -> memref<1025x128xi32, #tpu.memory_space<hbm>>
    tpu.wait_indirect_dma semaphore(%arg16 : memref<!tpu.dma_semaphore, #tpu.memory_space<semaphore_mem>>) src(%dma_wait3A_700 : memref<1025x128xi32, #tpu.memory_space<hbm>>) dst(%arg10 : memref<80x128xi32, #tpu.memory_space<vmem>>)
    %dma_wait3A_701 = tpu.memref_slice %arg9[%multiple_of3A_630] : memref<1600xi32, #tpu.memory_space<vmem>> -> memref<80xi32, #tpu.memory_space<vmem>>
    %dma_wait3A_702 = arith.constant 0 : i32
    %dma_wait3A_703 = arith.constant 0 : i32
    %dma_wait3A_704 = tpu.memref_slice %arg5[%dma_wait3A_702, %dma_wait3A_703] : memref<850x128xf32, #tpu.memory_space<hbm>> -> memref<850x128xf32, #tpu.memory_space<hbm>>
    tpu.wait_indirect_dma semaphore(%arg16 : memref<!tpu.dma_semaphore, #tpu.memory_space<semaphore_mem>>) src(%dma_wait3A_704 : memref<850x128xf32, #tpu.memory_space<hbm>>) dst(%arg13 : memref<80x128xf32, #tpu.memory_space<vmem>>)
    %multiple_of3A_705 = arith.constant 1440 : i32
    %multiple_of3A_706 = tpu.assume_multiple %multiple_of3A_705, 80 : i32
    %add3A_707 = arith.addi %multiple_of3A, %multiple_of3A_706 : i32
    %dma_start3A_708 = arith.constant 0 : i32
    %dma_start3A_709 = tpu.memref_slice %arg6[%add3A_707, %dma_start3A_708] : memref<51200x128xi32, #tpu.memory_space<hbm>> -> memref<80x128xi32, #tpu.memory_space<hbm>>
    %dma_start3A_710 = arith.constant 0 : i32
    %dma_start3A_711 = tpu.memref_slice %arg6[%add3A_707, %dma_start3A_710] : memref<51200x128xi32, #tpu.memory_space<hbm>> -> memref<80x128xi32, #tpu.memory_space<hbm>>
    tpu.enqueue_dma source(%arg10 : memref<80x128xi32, #tpu.memory_space<vmem>>) target(%dma_start3A_711 : memref<80x128xi32, #tpu.memory_space<hbm>>) target_semaphore(%arg17 : memref<!tpu.dma_semaphore, #tpu.memory_space<semaphore_mem>>)
    %add3A_712 = arith.addi %multiple_of3A, %multiple_of3A_706 : i32
    %dma_start3A_713 = arith.constant 0 : i32
    %dma_start3A_714 = tpu.memref_slice %arg7[%add3A_712, %dma_start3A_713] : memref<51200x128xf32, #tpu.memory_space<hbm>> -> memref<80x128xf32, #tpu.memory_space<hbm>>
    %dma_start3A_715 = arith.constant 0 : i32
    %dma_start3A_716 = tpu.memref_slice %arg7[%add3A_712, %dma_start3A_715] : memref<51200x128xf32, #tpu.memory_space<hbm>> -> memref<80x128xf32, #tpu.memory_space<hbm>>
    tpu.enqueue_dma source(%arg13 : memref<80x128xf32, #tpu.memory_space<vmem>>) target(%dma_start3A_716 : memref<80x128xf32, #tpu.memory_space<hbm>>) target_semaphore(%arg17 : memref<!tpu.dma_semaphore, #tpu.memory_space<semaphore_mem>>)
    %dma_wait3A_717 = tpu.memref_slice %arg8[%multiple_of3A_668] : memref<1600xi32, #tpu.memory_space<vmem>> -> memref<80xi32, #tpu.memory_space<vmem>>
    %dma_wait3A_718 = arith.constant 0 : i32
    %dma_wait3A_719 = arith.constant 0 : i32
    %dma_wait3A_720 = tpu.memref_slice %arg4[%dma_wait3A_718, %dma_wait3A_719] : memref<1025x128xi32, #tpu.memory_space<hbm>> -> memref<1025x128xi32, #tpu.memory_space<hbm>>
    tpu.wait_indirect_dma semaphore(%arg16 : memref<!tpu.dma_semaphore, #tpu.memory_space<semaphore_mem>>) src(%dma_wait3A_720 : memref<1025x128xi32, #tpu.memory_space<hbm>>) dst(%arg11 : memref<80x128xi32, #tpu.memory_space<vmem>>)
    %dma_wait3A_721 = tpu.memref_slice %arg9[%multiple_of3A_668] : memref<1600xi32, #tpu.memory_space<vmem>> -> memref<80xi32, #tpu.memory_space<vmem>>
    %dma_wait3A_722 = arith.constant 0 : i32
    %dma_wait3A_723 = arith.constant 0 : i32
    %dma_wait3A_724 = tpu.memref_slice %arg5[%dma_wait3A_722, %dma_wait3A_723] : memref<850x128xf32, #tpu.memory_space<hbm>> -> memref<850x128xf32, #tpu.memory_space<hbm>>
    tpu.wait_indirect_dma semaphore(%arg16 : memref<!tpu.dma_semaphore, #tpu.memory_space<semaphore_mem>>) src(%dma_wait3A_724 : memref<850x128xf32, #tpu.memory_space<hbm>>) dst(%arg14 : memref<80x128xf32, #tpu.memory_space<vmem>>)
    %multiple_of3A_725 = arith.constant 1520 : i32
    %multiple_of3A_726 = tpu.assume_multiple %multiple_of3A_725, 80 : i32
    %add3A_727 = arith.addi %multiple_of3A, %multiple_of3A_726 : i32
    %dma_start3A_728 = arith.constant 0 : i32
    %dma_start3A_729 = tpu.memref_slice %arg6[%add3A_727, %dma_start3A_728] : memref<51200x128xi32, #tpu.memory_space<hbm>> -> memref<80x128xi32, #tpu.memory_space<hbm>>
    %dma_start3A_730 = arith.constant 0 : i32
    %dma_start3A_731 = tpu.memref_slice %arg6[%add3A_727, %dma_start3A_730] : memref<51200x128xi32, #tpu.memory_space<hbm>> -> memref<80x128xi32, #tpu.memory_space<hbm>>
    tpu.enqueue_dma source(%arg11 : memref<80x128xi32, #tpu.memory_space<vmem>>) target(%dma_start3A_731 : memref<80x128xi32, #tpu.memory_space<hbm>>) target_semaphore(%arg17 : memref<!tpu.dma_semaphore, #tpu.memory_space<semaphore_mem>>)
    %add3A_732 = arith.addi %multiple_of3A, %multiple_of3A_726 : i32
    %dma_start3A_733 = arith.constant 0 : i32
    %dma_start3A_734 = tpu.memref_slice %arg7[%add3A_732, %dma_start3A_733] : memref<51200x128xf32, #tpu.memory_space<hbm>> -> memref<80x128xf32, #tpu.memory_space<hbm>>
    %dma_start3A_735 = arith.constant 0 : i32
    %dma_start3A_736 = tpu.memref_slice %arg7[%add3A_732, %dma_start3A_735] : memref<51200x128xf32, #tpu.memory_space<hbm>> -> memref<80x128xf32, #tpu.memory_space<hbm>>
    tpu.enqueue_dma source(%arg14 : memref<80x128xf32, #tpu.memory_space<vmem>>) target(%dma_start3A_736 : memref<80x128xf32, #tpu.memory_space<hbm>>) target_semaphore(%arg17 : memref<!tpu.dma_semaphore, #tpu.memory_space<semaphore_mem>>)
    %dma_wait3A_737 = arith.constant 0 : i32
    %dma_wait3A_738 = tpu.memref_slice %arg6[%add3A_707, %dma_wait3A_737] : memref<51200x128xi32, #tpu.memory_space<hbm>> -> memref<80x128xi32, #tpu.memory_space<hbm>>
    %dma_wait3A_739 = arith.constant 0 : i32
    %dma_wait3A_740 = tpu.memref_slice %arg6[%add3A_707, %dma_wait3A_739] : memref<51200x128xi32, #tpu.memory_space<hbm>> -> memref<80x128xi32, #tpu.memory_space<hbm>>
    tpu.wait_dma2 semaphore(%arg17 : memref<!tpu.dma_semaphore, #tpu.memory_space<semaphore_mem>>) src(%arg10 : memref<80x128xi32, #tpu.memory_space<vmem>>) dst(%dma_wait3A_740 : memref<80x128xi32, #tpu.memory_space<hbm>>)
    %dma_wait3A_741 = arith.constant 0 : i32
    %dma_wait3A_742 = tpu.memref_slice %arg7[%add3A_712, %dma_wait3A_741] : memref<51200x128xf32, #tpu.memory_space<hbm>> -> memref<80x128xf32, #tpu.memory_space<hbm>>
    %dma_wait3A_743 = arith.constant 0 : i32
    %dma_wait3A_744 = tpu.memref_slice %arg7[%add3A_712, %dma_wait3A_743] : memref<51200x128xf32, #tpu.memory_space<hbm>> -> memref<80x128xf32, #tpu.memory_space<hbm>>
    tpu.wait_dma2 semaphore(%arg17 : memref<!tpu.dma_semaphore, #tpu.memory_space<semaphore_mem>>) src(%arg13 : memref<80x128xf32, #tpu.memory_space<vmem>>) dst(%dma_wait3A_744 : memref<80x128xf32, #tpu.memory_space<hbm>>)
    %dma_wait3A_745 = arith.constant 0 : i32
    %dma_wait3A_746 = tpu.memref_slice %arg6[%add3A_727, %dma_wait3A_745] : memref<51200x128xi32, #tpu.memory_space<hbm>> -> memref<80x128xi32, #tpu.memory_space<hbm>>
    %dma_wait3A_747 = arith.constant 0 : i32
    %dma_wait3A_748 = tpu.memref_slice %arg6[%add3A_727, %dma_wait3A_747] : memref<51200x128xi32, #tpu.memory_space<hbm>> -> memref<80x128xi32, #tpu.memory_space<hbm>>
    tpu.wait_dma2 semaphore(%arg17 : memref<!tpu.dma_semaphore, #tpu.memory_space<semaphore_mem>>) src(%arg11 : memref<80x128xi32, #tpu.memory_space<vmem>>) dst(%dma_wait3A_748 : memref<80x128xi32, #tpu.memory_space<hbm>>)
    %dma_wait3A_749 = arith.constant 0 : i32
    %dma_wait3A_750 = tpu.memref_slice %arg7[%add3A_732, %dma_wait3A_749] : memref<51200x128xf32, #tpu.memory_space<hbm>> -> memref<80x128xf32, #tpu.memory_space<hbm>>
    %dma_wait3A_751 = arith.constant 0 : i32
    %dma_wait3A_752 = tpu.memref_slice %arg7[%add3A_732, %dma_wait3A_751] : memref<51200x128xf32, #tpu.memory_space<hbm>> -> memref<80x128xf32, #tpu.memory_space<hbm>>
    tpu.wait_dma2 semaphore(%arg17 : memref<!tpu.dma_semaphore, #tpu.memory_space<semaphore_mem>>) src(%arg14 : memref<80x128xf32, #tpu.memory_space<vmem>>) dst(%dma_wait3A_752 : memref<80x128xf32, #tpu.memory_space<hbm>>)
    %dma_wait3A_753 = arith.constant 0 : i32
    %dma_wait3A_754 = tpu.memref_slice %arg6[%add3A_687, %dma_wait3A_753] : memref<51200x128xi32, #tpu.memory_space<hbm>> -> memref<80x128xi32, #tpu.memory_space<hbm>>
    %dma_wait3A_755 = arith.constant 0 : i32
    %dma_wait3A_756 = tpu.memref_slice %arg6[%add3A_687, %dma_wait3A_755] : memref<51200x128xi32, #tpu.memory_space<hbm>> -> memref<80x128xi32, #tpu.memory_space<hbm>>
    tpu.wait_dma2 semaphore(%arg17 : memref<!tpu.dma_semaphore, #tpu.memory_space<semaphore_mem>>) src(%arg12 : memref<80x128xi32, #tpu.memory_space<vmem>>) dst(%dma_wait3A_756 : memref<80x128xi32, #tpu.memory_space<hbm>>)
    %dma_wait3A_757 = arith.constant 0 : i32
    %dma_wait3A_758 = tpu.memref_slice %arg7[%add3A_692, %dma_wait3A_757] : memref<51200x128xf32, #tpu.memory_space<hbm>> -> memref<80x128xf32, #tpu.memory_space<hbm>>
    %dma_wait3A_759 = arith.constant 0 : i32
    %dma_wait3A_760 = tpu.memref_slice %arg7[%add3A_692, %dma_wait3A_759] : memref<51200x128xf32, #tpu.memory_space<hbm>> -> memref<80x128xf32, #tpu.memory_space<hbm>>
    tpu.wait_dma2 semaphore(%arg17 : memref<!tpu.dma_semaphore, #tpu.memory_space<semaphore_mem>>) src(%arg15 : memref<80x128xf32, #tpu.memory_space<vmem>>) dst(%dma_wait3A_760 : memref<80x128xf32, #tpu.memory_space<hbm>>)
    return
  }
}

module attributes {stable_mosaic.version = 14 : i64} {
  func.func @_tc_body(%arg0: i32, %arg1: memref<1x6x1024xi32, #tpu.memory_space<vmem>>, %arg2: memref<1024x128xi32, #tpu.memory_space<vmem>>, %arg3: memref<1024x128xf32, #tpu.memory_space<vmem>>, %arg4: memref<8x1024xf32, #tpu.memory_space<vmem>>, %arg5: memref<8x32xf32, #tpu.memory_space<vmem>>, %arg6: memref<10x32xf32, #tpu.memory_space<vmem>>, %arg7: memref<5x32xf32, #tpu.memory_space<vmem>>, %arg8: memref<12x64xf32, #tpu.memory_space<vmem>>, %arg9: memref<400x64xf32, #tpu.memory_space<vmem>>, %arg10: memref<300x64xf32, #tpu.memory_space<vmem>>, %arg11: memref<8x64xf32, #tpu.memory_space<vmem>>, %arg12: memref<64xf32, #tpu.memory_space<vmem>>, %arg13: memref<736x1024xbf16, #tpu.memory_space<vmem>>, %arg14: memref<1024xf32, #tpu.memory_space<vmem>>, %arg15: memref<1024xf32, #tpu.memory_space<vmem>>, %arg16: memref<1024xf32, #tpu.memory_space<vmem>>, %arg17: memref<1024x1024xf32, #tpu.memory_space<vmem>>) attributes {dimension_semantics = [#tpu.dimension_semantics<arbitrary>], iteration_bounds = array<i64: 50>, scalar_prefetch = 0 : i64, scratch_operands = 0 : i64, tpu.core_type = #tpu.core_type<tc>, window_params = [{transform_indices = @transform_0, window_bounds = array<i64: 1, 6, 1024>}, {transform_indices = @transform_1, window_bounds = array<i64: 1024, 128>}, {transform_indices = @transform_2, window_bounds = array<i64: 1024, 128>}, {transform_indices = @transform_3, window_bounds = array<i64: 8, 1024>}, {pipeline_mode = #tpu.pipeline_mode<synchronous>, transform_indices = @transform_4, window_bounds = array<i64: 8, 32>}, {pipeline_mode = #tpu.pipeline_mode<synchronous>, transform_indices = @transform_5, window_bounds = array<i64: 10, 32>}, {pipeline_mode = #tpu.pipeline_mode<synchronous>, transform_indices = @transform_6, window_bounds = array<i64: 5, 32>}, {pipeline_mode = #tpu.pipeline_mode<synchronous>, transform_indices = @transform_7, window_bounds = array<i64: 12, 64>}, {pipeline_mode = #tpu.pipeline_mode<synchronous>, transform_indices = @transform_8, window_bounds = array<i64: 400, 64>}, {pipeline_mode = #tpu.pipeline_mode<synchronous>, transform_indices = @transform_9, window_bounds = array<i64: 300, 64>}, {pipeline_mode = #tpu.pipeline_mode<synchronous>, transform_indices = @transform_10, window_bounds = array<i64: 8, 64>}, {pipeline_mode = #tpu.pipeline_mode<synchronous>, transform_indices = @transform_11, window_bounds = array<i64: 64>}, {pipeline_mode = #tpu.pipeline_mode<synchronous>, transform_indices = @transform_12, window_bounds = array<i64: 736, 1024>}, {pipeline_mode = #tpu.pipeline_mode<synchronous>, transform_indices = @transform_13, window_bounds = array<i64: 1024>}, {pipeline_mode = #tpu.pipeline_mode<synchronous>, transform_indices = @transform_14, window_bounds = array<i64: 1024>}, {pipeline_mode = #tpu.pipeline_mode<synchronous>, transform_indices = @transform_15, window_bounds = array<i64: 1024>}, {transform_indices = @transform_16, window_bounds = array<i64: 1024, 1024>}]} {
    %get3A = arith.constant 0 : index
    %get3A_0 = arith.constant 0 : index
    %get3A_1 = arith.constant 0 : index
    %get3A_2 = vector.load %arg1[%get3A, %get3A_0, %get3A_1] : memref<1x6x1024xi32, #tpu.memory_space<vmem>>, vector<1x1x1024xi32>
    %get3A_3 = vector.shape_cast %get3A_2 : vector<1x1x1024xi32> to vector<1024xi32>
    %broadcast_in_dim3A = vector.shape_cast %get3A_3 : vector<1024xi32> to vector<1024x1xi32>
    %iota3A = tpu.iota {dimensions = array<i32: 1>} : vector<1024x8xi32>
    %eq3A = vector.broadcast %broadcast_in_dim3A : vector<1024x1xi32> to vector<1024x8xi32>
    %eq3A_4 = arith.cmpi eq, %eq3A, %iota3A : vector<1024x8xi32>
    %convert_element_type3A = arith.extui %eq3A_4 : vector<1024x8xi1> to vector<1024x8xi32>
    %convert_element_type3A_5 = arith.sitofp %convert_element_type3A : vector<1024x8xi32> to vector<1024x8xf32>
    %convert_element_type3A_6 = arith.truncf %convert_element_type3A_5 : vector<1024x8xf32> to vector<1024x8xbf16>
    %get3A_7 = arith.constant 0 : index
    %get3A_8 = arith.constant 0 : index
    %get3A_9 = vector.load %arg5[%get3A_7, %get3A_8] : memref<8x32xf32, #tpu.memory_space<vmem>>, vector<8x32xf32>
    %convert_element_type3A_10 = arith.truncf %get3A_9 : vector<8x32xf32> to vector<8x32xbf16>
    %dot_general3A = arith.constant dense<0.000000e+00> : vector<1024x32xf32>
    %dot_general3A_11 = tpu.matmul %convert_element_type3A_6, %convert_element_type3A_10, %dot_general3A {dimension_numbers = #tpu.dot_dimension_numbers<[1], [0], [0], [1], [0, 0, 1, 1], [], []>, transpose_lhs_hint = false} : vector<1024x8xbf16>, vector<8x32xbf16>, vector<1024x32xf32> -> vector<1024x32xf32>
    %get3A_12 = arith.constant 0 : index
    %get3A_13 = arith.constant 1 : index
    %get3A_14 = arith.constant 0 : index
    %get3A_15 = vector.load %arg1[%get3A_12, %get3A_13, %get3A_14] : memref<1x6x1024xi32, #tpu.memory_space<vmem>>, vector<1x1x1024xi32>
    %get3A_16 = vector.shape_cast %get3A_15 : vector<1x1x1024xi32> to vector<1024xi32>
    %broadcast_in_dim3A_17 = vector.shape_cast %get3A_16 : vector<1024xi32> to vector<1024x1xi32>
    %iota3A_18 = tpu.iota {dimensions = array<i32: 1>} : vector<1024x10xi32>
    %eq3A_19 = vector.broadcast %broadcast_in_dim3A_17 : vector<1024x1xi32> to vector<1024x10xi32>
    %eq3A_20 = arith.cmpi eq, %eq3A_19, %iota3A_18 : vector<1024x10xi32>
    %convert_element_type3A_21 = arith.extui %eq3A_20 : vector<1024x10xi1> to vector<1024x10xi32>
    %convert_element_type3A_22 = arith.sitofp %convert_element_type3A_21 : vector<1024x10xi32> to vector<1024x10xf32>
    %convert_element_type3A_23 = arith.truncf %convert_element_type3A_22 : vector<1024x10xf32> to vector<1024x10xbf16>
    %get3A_24 = arith.constant 0 : index
    %get3A_25 = arith.constant 0 : index
    %get3A_26 = vector.load %arg6[%get3A_24, %get3A_25] : memref<10x32xf32, #tpu.memory_space<vmem>>, vector<10x32xf32>
    %convert_element_type3A_27 = arith.truncf %get3A_26 : vector<10x32xf32> to vector<10x32xbf16>
    %dot_general3A_28 = arith.constant dense<0.000000e+00> : vector<1024x32xf32>
    %dot_general3A_29 = tpu.matmul %convert_element_type3A_23, %convert_element_type3A_27, %dot_general3A_28 {dimension_numbers = #tpu.dot_dimension_numbers<[1], [0], [0], [1], [0, 0, 1, 1], [], []>, transpose_lhs_hint = false} : vector<1024x10xbf16>, vector<10x32xbf16>, vector<1024x32xf32> -> vector<1024x32xf32>
    %get3A_30 = arith.constant 0 : index
    %get3A_31 = arith.constant 2 : index
    %get3A_32 = arith.constant 0 : index
    %get3A_33 = vector.load %arg1[%get3A_30, %get3A_31, %get3A_32] : memref<1x6x1024xi32, #tpu.memory_space<vmem>>, vector<1x1x1024xi32>
    %get3A_34 = vector.shape_cast %get3A_33 : vector<1x1x1024xi32> to vector<1024xi32>
    %broadcast_in_dim3A_35 = vector.shape_cast %get3A_34 : vector<1024xi32> to vector<1024x1xi32>
    %iota3A_36 = tpu.iota {dimensions = array<i32: 1>} : vector<1024x5xi32>
    %eq3A_37 = vector.broadcast %broadcast_in_dim3A_35 : vector<1024x1xi32> to vector<1024x5xi32>
    %eq3A_38 = arith.cmpi eq, %eq3A_37, %iota3A_36 : vector<1024x5xi32>
    %convert_element_type3A_39 = arith.extui %eq3A_38 : vector<1024x5xi1> to vector<1024x5xi32>
    %convert_element_type3A_40 = arith.sitofp %convert_element_type3A_39 : vector<1024x5xi32> to vector<1024x5xf32>
    %convert_element_type3A_41 = arith.truncf %convert_element_type3A_40 : vector<1024x5xf32> to vector<1024x5xbf16>
    %get3A_42 = arith.constant 0 : index
    %get3A_43 = arith.constant 0 : index
    %get3A_44 = vector.load %arg7[%get3A_42, %get3A_43] : memref<5x32xf32, #tpu.memory_space<vmem>>, vector<5x32xf32>
    %convert_element_type3A_45 = arith.truncf %get3A_44 : vector<5x32xf32> to vector<5x32xbf16>
    %dot_general3A_46 = arith.constant dense<0.000000e+00> : vector<1024x32xf32>
    %dot_general3A_47 = tpu.matmul %convert_element_type3A_41, %convert_element_type3A_45, %dot_general3A_46 {dimension_numbers = #tpu.dot_dimension_numbers<[1], [0], [0], [1], [0, 0, 1, 1], [], []>, transpose_lhs_hint = false} : vector<1024x5xbf16>, vector<5x32xbf16>, vector<1024x32xf32> -> vector<1024x32xf32>
    %get3A_48 = arith.constant 0 : index
    %get3A_49 = arith.constant 3 : index
    %get3A_50 = arith.constant 0 : index
    %get3A_51 = vector.load %arg1[%get3A_48, %get3A_49, %get3A_50] : memref<1x6x1024xi32, #tpu.memory_space<vmem>>, vector<1x1x1024xi32>
    %get3A_52 = vector.shape_cast %get3A_51 : vector<1x1x1024xi32> to vector<1024xi32>
    %broadcast_in_dim3A_53 = vector.shape_cast %get3A_52 : vector<1024xi32> to vector<1024x1xi32>
    %iota3A_54 = tpu.iota {dimensions = array<i32: 1>} : vector<1024x12xi32>
    %eq3A_55 = vector.broadcast %broadcast_in_dim3A_53 : vector<1024x1xi32> to vector<1024x12xi32>
    %eq3A_56 = arith.cmpi eq, %eq3A_55, %iota3A_54 : vector<1024x12xi32>
    %convert_element_type3A_57 = arith.extui %eq3A_56 : vector<1024x12xi1> to vector<1024x12xi32>
    %convert_element_type3A_58 = arith.sitofp %convert_element_type3A_57 : vector<1024x12xi32> to vector<1024x12xf32>
    %convert_element_type3A_59 = arith.truncf %convert_element_type3A_58 : vector<1024x12xf32> to vector<1024x12xbf16>
    %get3A_60 = arith.constant 0 : index
    %get3A_61 = arith.constant 0 : index
    %get3A_62 = vector.load %arg8[%get3A_60, %get3A_61] : memref<12x64xf32, #tpu.memory_space<vmem>>, vector<12x64xf32>
    %convert_element_type3A_63 = arith.truncf %get3A_62 : vector<12x64xf32> to vector<12x64xbf16>
    %dot_general3A_64 = arith.constant dense<0.000000e+00> : vector<1024x64xf32>
    %dot_general3A_65 = tpu.matmul %convert_element_type3A_59, %convert_element_type3A_63, %dot_general3A_64 {dimension_numbers = #tpu.dot_dimension_numbers<[1], [0], [0], [1], [0, 0, 1, 1], [], []>, transpose_lhs_hint = false} : vector<1024x12xbf16>, vector<12x64xbf16>, vector<1024x64xf32> -> vector<1024x64xf32>
    %get3A_66 = arith.constant 0 : index
    %get3A_67 = arith.constant 4 : index
    %get3A_68 = arith.constant 0 : index
    %get3A_69 = vector.load %arg1[%get3A_66, %get3A_67, %get3A_68] : memref<1x6x1024xi32, #tpu.memory_space<vmem>>, vector<1x1x1024xi32>
    %get3A_70 = vector.shape_cast %get3A_69 : vector<1x1x1024xi32> to vector<1024xi32>
    %broadcast_in_dim3A_71 = vector.shape_cast %get3A_70 : vector<1024xi32> to vector<1024x1xi32>
    %iota3A_72 = tpu.iota {dimensions = array<i32: 1>} : vector<1024x400xi32>
    %eq3A_73 = vector.broadcast %broadcast_in_dim3A_71 : vector<1024x1xi32> to vector<1024x400xi32>
    %eq3A_74 = arith.cmpi eq, %eq3A_73, %iota3A_72 : vector<1024x400xi32>
    %convert_element_type3A_75 = arith.extui %eq3A_74 : vector<1024x400xi1> to vector<1024x400xi32>
    %convert_element_type3A_76 = arith.sitofp %convert_element_type3A_75 : vector<1024x400xi32> to vector<1024x400xf32>
    %convert_element_type3A_77 = arith.truncf %convert_element_type3A_76 : vector<1024x400xf32> to vector<1024x400xbf16>
    %get3A_78 = arith.constant 0 : index
    %get3A_79 = arith.constant 0 : index
    %get3A_80 = vector.load %arg9[%get3A_78, %get3A_79] : memref<400x64xf32, #tpu.memory_space<vmem>>, vector<400x64xf32>
    %convert_element_type3A_81 = arith.truncf %get3A_80 : vector<400x64xf32> to vector<400x64xbf16>
    %dot_general3A_82 = arith.constant dense<0.000000e+00> : vector<1024x64xf32>
    %dot_general3A_83 = tpu.matmul %convert_element_type3A_77, %convert_element_type3A_81, %dot_general3A_82 {dimension_numbers = #tpu.dot_dimension_numbers<[1], [0], [0], [1], [0, 0, 1, 1], [], []>, transpose_lhs_hint = false} : vector<1024x400xbf16>, vector<400x64xbf16>, vector<1024x64xf32> -> vector<1024x64xf32>
    %get3A_84 = arith.constant 0 : index
    %get3A_85 = arith.constant 5 : index
    %get3A_86 = arith.constant 0 : index
    %get3A_87 = vector.load %arg1[%get3A_84, %get3A_85, %get3A_86] : memref<1x6x1024xi32, #tpu.memory_space<vmem>>, vector<1x1x1024xi32>
    %get3A_88 = vector.shape_cast %get3A_87 : vector<1x1x1024xi32> to vector<1024xi32>
    %broadcast_in_dim3A_89 = vector.shape_cast %get3A_88 : vector<1024xi32> to vector<1024x1xi32>
    %iota3A_90 = tpu.iota {dimensions = array<i32: 1>} : vector<1024x300xi32>
    %eq3A_91 = vector.broadcast %broadcast_in_dim3A_89 : vector<1024x1xi32> to vector<1024x300xi32>
    %eq3A_92 = arith.cmpi eq, %eq3A_91, %iota3A_90 : vector<1024x300xi32>
    %convert_element_type3A_93 = arith.extui %eq3A_92 : vector<1024x300xi1> to vector<1024x300xi32>
    %convert_element_type3A_94 = arith.sitofp %convert_element_type3A_93 : vector<1024x300xi32> to vector<1024x300xf32>
    %convert_element_type3A_95 = arith.truncf %convert_element_type3A_94 : vector<1024x300xf32> to vector<1024x300xbf16>
    %get3A_96 = arith.constant 0 : index
    %get3A_97 = arith.constant 0 : index
    %get3A_98 = vector.load %arg10[%get3A_96, %get3A_97] : memref<300x64xf32, #tpu.memory_space<vmem>>, vector<300x64xf32>
    %convert_element_type3A_99 = arith.truncf %get3A_98 : vector<300x64xf32> to vector<300x64xbf16>
    %dot_general3A_100 = arith.constant dense<0.000000e+00> : vector<1024x64xf32>
    %dot_general3A_101 = tpu.matmul %convert_element_type3A_95, %convert_element_type3A_99, %dot_general3A_100 {dimension_numbers = #tpu.dot_dimension_numbers<[1], [0], [0], [1], [0, 0, 1, 1], [], []>, transpose_lhs_hint = false} : vector<1024x300xbf16>, vector<300x64xbf16>, vector<1024x64xf32> -> vector<1024x64xf32>
    %get3A_102 = arith.constant 0 : index
    %get3A_103 = arith.constant 0 : index
    %get3A_104 = vector.load %arg4[%get3A_102, %get3A_103] : memref<8x1024xf32, #tpu.memory_space<vmem>>, vector<8x1024xf32>
    %get3A_105 = arith.constant 0 : index
    %get3A_106 = arith.constant 0 : index
    %get3A_107 = vector.load %arg11[%get3A_105, %get3A_106] : memref<8x64xf32, #tpu.memory_space<vmem>>, vector<8x64xf32>
    %dot_general3A_108 = arith.constant dense<0.000000e+00> : vector<1024x64xf32>
    %dot_general3A_109 = tpu.matmul %get3A_104, %get3A_107, %dot_general3A_108 {dimension_numbers = #tpu.dot_dimension_numbers<[0], [0], [1], [1], [0, 1, 1, 1], [], []>, transpose_lhs_hint = false} : vector<8x1024xf32>, vector<8x64xf32>, vector<1024x64xf32> -> vector<1024x64xf32>
    %get3A_110 = arith.constant 0 : index
    %get3A_111 = vector.load %arg12[%get3A_110] : memref<64xf32, #tpu.memory_space<vmem>>, vector<64xf32>
    %broadcast_in_dim3A_112 = vector.shape_cast %get3A_111 : vector<64xf32> to vector<1x64xf32>
    %add3A = vector.broadcast %broadcast_in_dim3A_112 : vector<1x64xf32> to vector<1024x64xf32>
    %add3A_113 = arith.addf %dot_general3A_109, %add3A : vector<1024x64xf32>
    %get3A_114 = arith.constant 0 : index
    %get3A_115 = arith.constant 0 : index
    %get3A_116 = vector.load %arg2[%get3A_114, %get3A_115] : memref<1024x128xi32, #tpu.memory_space<vmem>>, vector<1024x128xi32>
    %shift_left3A = arith.constant 16 : i32
    %shift_left3A_117 = vector.broadcast %shift_left3A : i32 to vector<1024x128xi32>
    %shift_left3A_118 = arith.shli %get3A_116, %shift_left3A_117 : vector<1024x128xi32>
    %bitcast_convert_type3A = tpu.bitcast %shift_left3A_118 : vector<1024x128xi32> -> vector<1024x128xf32>
    %and3A = arith.constant -65536 : i32
    %and3A_119 = vector.broadcast %and3A : i32 to vector<1024x128xi32>
    %and3A_120 = arith.andi %get3A_116, %and3A_119 : vector<1024x128xi32>
    %bitcast_convert_type3A_121 = tpu.bitcast %and3A_120 : vector<1024x128xi32> -> vector<1024x128xf32>
    %get3A_122 = arith.constant 0 : index
    %get3A_123 = arith.constant 0 : index
    %get3A_124 = vector.load %arg3[%get3A_122, %get3A_123] : memref<1024x128xf32, #tpu.memory_space<vmem>>, vector<1024x128xf32>
    %concatenate3A = tpu.concatenate %bitcast_convert_type3A, %bitcast_convert_type3A_121, %get3A_124, %dot_general3A_83, %dot_general3A_101, %add3A_113, %dot_general3A_11, %dot_general3A_29, %dot_general3A_47, %dot_general3A_65 in 1 : vector<1024x128xf32>, vector<1024x128xf32>, vector<1024x128xf32>, vector<1024x64xf32>, vector<1024x64xf32>, vector<1024x64xf32>, vector<1024x32xf32>, vector<1024x32xf32>, vector<1024x32xf32>, vector<1024x64xf32> -> vector<1024x736xf32>
    %convert_element_type3A_125 = arith.truncf %concatenate3A : vector<1024x736xf32> to vector<1024x736xbf16>
    %get3A_126 = arith.constant 0 : index
    %get3A_127 = arith.constant 0 : index
    %get3A_128 = vector.load %arg13[%get3A_126, %get3A_127] : memref<736x1024xbf16, #tpu.memory_space<vmem>>, vector<736x1024xbf16>
    %dot_general3A_129 = arith.constant dense<0.000000e+00> : vector<1024x1024xf32>
    %dot_general3A_130 = tpu.matmul %convert_element_type3A_125, %get3A_128, %dot_general3A_129 {dimension_numbers = #tpu.dot_dimension_numbers<[1], [0], [0], [1], [0, 0, 1, 1], [], []>, transpose_lhs_hint = false} : vector<1024x736xbf16>, vector<736x1024xbf16>, vector<1024x1024xf32> -> vector<1024x1024xf32>
    %get3A_131 = arith.constant 0 : index
    %get3A_132 = vector.load %arg14[%get3A_131] : memref<1024xf32, #tpu.memory_space<vmem>>, vector<1024xf32>
    %broadcast_in_dim3A_133 = vector.shape_cast %get3A_132 : vector<1024xf32> to vector<1x1024xf32>
    %add3A_134 = vector.broadcast %broadcast_in_dim3A_133 : vector<1x1024xf32> to vector<1024x1024xf32>
    %add3A_135 = arith.addf %dot_general3A_130, %add3A_134 : vector<1024x1024xf32>
    %reduce_sum3A = arith.constant dense<0.000000e+00> : vector<1024xf32>
    %reduce_sum3A_136 = vector.multi_reduction <add>, %add3A_135, %reduce_sum3A [1] : vector<1024x1024xf32> to vector<1024xf32>
    %broadcast_in_dim3A_137 = vector.shape_cast %reduce_sum3A_136 : vector<1024xf32> to vector<1024x1xf32>
    %div3A = arith.constant 1.024000e+03 : f32
    %div3A_138 = vector.broadcast %div3A : f32 to vector<1024x1xf32>
    %div3A_139 = arith.divf %broadcast_in_dim3A_137, %div3A_138 : vector<1024x1xf32>
    %sub3A = vector.broadcast %div3A_139 : vector<1024x1xf32> to vector<1024x1024xf32>
    %sub3A_140 = arith.subf %add3A_135, %sub3A : vector<1024x1024xf32>
    %mul3A = arith.mulf %sub3A_140, %sub3A_140 : vector<1024x1024xf32>
    %reduce_sum3A_141 = arith.constant dense<0.000000e+00> : vector<1024xf32>
    %reduce_sum3A_142 = vector.multi_reduction <add>, %mul3A, %reduce_sum3A_141 [1] : vector<1024x1024xf32> to vector<1024xf32>
    %broadcast_in_dim3A_143 = vector.shape_cast %reduce_sum3A_142 : vector<1024xf32> to vector<1024x1xf32>
    %div3A_144 = arith.constant 1.024000e+03 : f32
    %div3A_145 = vector.broadcast %div3A_144 : f32 to vector<1024x1xf32>
    %div3A_146 = arith.divf %broadcast_in_dim3A_143, %div3A_145 : vector<1024x1xf32>
    %add3A_147 = arith.constant 9.99999974E-6 : f32
    %add3A_148 = vector.broadcast %add3A_147 : f32 to vector<1024x1xf32>
    %add3A_149 = arith.addf %div3A_146, %add3A_148 : vector<1024x1xf32>
    %rsqrt3A = math.rsqrt %add3A_149 : vector<1024x1xf32>
    %mul3A_150 = vector.broadcast %rsqrt3A : vector<1024x1xf32> to vector<1024x1024xf32>
    %mul3A_151 = arith.mulf %sub3A_140, %mul3A_150 : vector<1024x1024xf32>
    %get3A_152 = arith.constant 0 : index
    %get3A_153 = vector.load %arg15[%get3A_152] : memref<1024xf32, #tpu.memory_space<vmem>>, vector<1024xf32>
    %broadcast_in_dim3A_154 = vector.shape_cast %get3A_153 : vector<1024xf32> to vector<1x1024xf32>
    %mul3A_155 = vector.broadcast %broadcast_in_dim3A_154 : vector<1x1024xf32> to vector<1024x1024xf32>
    %mul3A_156 = arith.mulf %mul3A_151, %mul3A_155 : vector<1024x1024xf32>
    %get3A_157 = arith.constant 0 : index
    %get3A_158 = vector.load %arg16[%get3A_157] : memref<1024xf32, #tpu.memory_space<vmem>>, vector<1024xf32>
    %broadcast_in_dim3A_159 = vector.shape_cast %get3A_158 : vector<1024xf32> to vector<1x1024xf32>
    %add3A_160 = vector.broadcast %broadcast_in_dim3A_159 : vector<1x1024xf32> to vector<1024x1024xf32>
    %add3A_161 = arith.addf %mul3A_156, %add3A_160 : vector<1024x1024xf32>
    %swap3A = arith.constant 0 : index
    %swap3A_162 = arith.constant 0 : index
    %swap3A_163 = vector.load %arg17[%swap3A, %swap3A_162] : memref<1024x1024xf32, #tpu.memory_space<vmem>>, vector<1024x1024xf32>
    tpu.vector_store %arg17[%swap3A, %swap3A_162], %add3A_161 {strides = array<i32>} : memref<1024x1024xf32, #tpu.memory_space<vmem>>, vector<1024x1024xf32>,
    return
  }
  func.func @transform_0(%arg0: i32) -> (i32, i32, i32) {
    %c0_i32 = arith.constant 0 : i32
    %c0_i32_0 = arith.constant 0 : i32
    %c0_i32_1 = arith.constant 0 : i32
    return %arg0, %c0_i32, %c0_i32_0 : i32, i32, i32
  }
  func.func @transform_1(%arg0: i32) -> (i32, i32) {
    %c0_i32 = arith.constant 0 : i32
    %c0_i32_0 = arith.constant 0 : i32
    return %arg0, %c0_i32 : i32, i32
  }
  func.func @transform_2(%arg0: i32) -> (i32, i32) {
    %c0_i32 = arith.constant 0 : i32
    %c0_i32_0 = arith.constant 0 : i32
    return %arg0, %c0_i32 : i32, i32
  }
  func.func @transform_3(%arg0: i32) -> (i32, i32) {
    %c0_i32 = arith.constant 0 : i32
    %c0_i32_0 = arith.constant 0 : i32
    return %c0_i32, %arg0 : i32, i32
  }
  func.func @transform_4(%arg0: i32) -> (i32, i32) {
    %c0_i32 = arith.constant 0 : i32
    %c0_i32_0 = arith.constant 0 : i32
    %c0_i32_1 = arith.constant 0 : i32
    return %c0_i32, %c0_i32_0 : i32, i32
  }
  func.func @transform_5(%arg0: i32) -> (i32, i32) {
    %c0_i32 = arith.constant 0 : i32
    %c0_i32_0 = arith.constant 0 : i32
    %c0_i32_1 = arith.constant 0 : i32
    return %c0_i32, %c0_i32_0 : i32, i32
  }
  func.func @transform_6(%arg0: i32) -> (i32, i32) {
    %c0_i32 = arith.constant 0 : i32
    %c0_i32_0 = arith.constant 0 : i32
    %c0_i32_1 = arith.constant 0 : i32
    return %c0_i32, %c0_i32_0 : i32, i32
  }
  func.func @transform_7(%arg0: i32) -> (i32, i32) {
    %c0_i32 = arith.constant 0 : i32
    %c0_i32_0 = arith.constant 0 : i32
    %c0_i32_1 = arith.constant 0 : i32
    return %c0_i32, %c0_i32_0 : i32, i32
  }
  func.func @transform_8(%arg0: i32) -> (i32, i32) {
    %c0_i32 = arith.constant 0 : i32
    %c0_i32_0 = arith.constant 0 : i32
    %c0_i32_1 = arith.constant 0 : i32
    return %c0_i32, %c0_i32_0 : i32, i32
  }
  func.func @transform_9(%arg0: i32) -> (i32, i32) {
    %c0_i32 = arith.constant 0 : i32
    %c0_i32_0 = arith.constant 0 : i32
    %c0_i32_1 = arith.constant 0 : i32
    return %c0_i32, %c0_i32_0 : i32, i32
  }
  func.func @transform_10(%arg0: i32) -> (i32, i32) {
    %c0_i32 = arith.constant 0 : i32
    %c0_i32_0 = arith.constant 0 : i32
    %c0_i32_1 = arith.constant 0 : i32
    return %c0_i32, %c0_i32_0 : i32, i32
  }
  func.func @transform_11(%arg0: i32) -> i32 {
    %c0_i32 = arith.constant 0 : i32
    %c0_i32_0 = arith.constant 0 : i32
    return %c0_i32 : i32
  }
  func.func @transform_12(%arg0: i32) -> (i32, i32) {
    %c0_i32 = arith.constant 0 : i32
    %c0_i32_0 = arith.constant 0 : i32
    %c0_i32_1 = arith.constant 0 : i32
    return %c0_i32, %c0_i32_0 : i32, i32
  }
  func.func @transform_13(%arg0: i32) -> i32 {
    %c0_i32 = arith.constant 0 : i32
    %c0_i32_0 = arith.constant 0 : i32
    return %c0_i32 : i32
  }
  func.func @transform_14(%arg0: i32) -> i32 {
    %c0_i32 = arith.constant 0 : i32
    %c0_i32_0 = arith.constant 0 : i32
    return %c0_i32 : i32
  }
  func.func @transform_15(%arg0: i32) -> i32 {
    %c0_i32 = arith.constant 0 : i32
    %c0_i32_0 = arith.constant 0 : i32
    return %c0_i32 : i32
  }
  func.func @transform_16(%arg0: i32) -> (i32, i32) {
    %c0_i32 = arith.constant 0 : i32
    %c0_i32_0 = arith.constant 0 : i32
    return %arg0, %c0_i32 : i32, i32
  }
}

</mosaic_0001>

<sc_bundles>
// kernel: kernel.4.cloned.1.call-start
scs
__scs_entry_jumppad:
0x0: {  	(pc) =	sbr.rel $0x88, $3  }
0x1: {  	(tag) =	ssettag $0x0;
	lr =	simm.s32 $0x1  }
0x2: {  	[smem:$0x3F87] =	sst lr;
	_ =	strace $0xD0000000  }
0x3: {  	_ = 	snop  }
0x4: {  	_ = 	snop  }
0x5: {  	_ = 	snop  }
0x6: {  	_ = 	snop  }
0x7: {  	_ = 	snop  }
__scs_overlays_trampoline_lowered:
0x8: {  	[smem:$0x3F96] =	sst s0  }
0x9: {  	[smem:$0x3F97] =	sst s1  }
0xa: {  	[smem:$0x3F98] =	sst s2  }
0xb: {  	[smem:$0x3F99] =	sst s3  }
0xc: {  	[smem:$0x3F9A] =	sst s4  }
0xd: {  	[smem:$0x3F9B] =	sst s5  }
0xe: {  	[smem:$0x3F9C] =	sst s6  }
0xf: {  	[smem:$0x3F9D] =	sst s7  }
0x10: {  	[smem:$0x3F9E] =	sst s8  }
0x11: {  	[smem:$0x3F9F] =	sst s9;
	s0 =	simm.s32 @!p0 $0x0  }
0x12: {  	s1 =	sld [smem:$0x3F85];
	s0 =	simm.s32 @p0 $0x1  }
0x13: {  	[smem:$0x3FA0] =	sst s0;
	s0 =	simm.s32 @!p1 $0x0  }
0x14: {  	s2 =	sld [smem:$0x3F84];
	s0 =	simm.s32 @p1 $0x1  }
0x15: {  	[smem:$0x3FA1] =	sst s0;
	s0 =	simm.s32 @!p2 $0x0  }
0x16: {  	s3 =	sld [smem:$0x3FDB];
	s0 =	simm.s32 @p2 $0x1  }
0x17: {  	s4 =	simm.s32 $0x1BF5;
	[smem:$0x3FA3] =	sst s0  }
0x18: {  	s0 =	sld [smem:$0x3F86];
	_ =	swait.ge [sflag:s4], $0x0  }
0x19: {  	s7 =	sld [smem:$0x3F87]  }
0x1a: {  	s8 =	sadd.s32 $0xFFFFE003, lr  }
0x1b: {  	s9 =	sadd.s32 $0xFFFFFEF7, lr;
	s5 =	simm.s32 $0xFFFFFFFF;
	p2 =	slt.u32 s8, $0xFFFFF086  }
0x1c: {  	p1 =	slt.u32 s9, $0xF7A;
	s5 =	simm.s32 @!p2 $0x0  }
0x1d: {  	s5 =	simm.s32 @p1 $0x1;
	p0 =	seq.s32 s7, s2  }
0x1e: {  	s7 =	smul.u32 @!p0 $0xF7A, s2;
	p2 =	seq.s32 @!p0 s5, $0x0  }
0x1f: {  	s9 =	smul.u32 $0xF7A, s1;
	s8 =	simm.s32 @!p0 $0x1BF5;
	p2 =	por !p2, p0  }
0x20: {  	[sflag:s8] =	ssyncset.s32 @!p0 $0xFFFFF086;
	s6 =	sadd.s32 @!p0 s3, s7;
	s7 =	simm.s32 @!p0 $0x108  }
0x21: {  	s3 =	sadd.s32 s3, s9;
	s6 =	sadd.s32 @!p0 $0x88, s6;
	s7 =	simm.s32 @p2 $0x1082  }
0x22: {  	[simem:s7], [sflag:s8] =	dma.local @!p0 [hbm:s6], $0xF7A  }
0x23: {  	s9 =	sor.u32 $0xD0000000, s2;
	s6 =	simm.s32 $0x108;
	_ =	swait.ge @!p0 [sflag:s8], $0x0  }
0x24: {  	s3 =	sadd.s32 $0x88, s3;
	s6 =	simm.s32 @!p1 $0x1082;
	[sflag:s4] =	ssyncset.s32 $0xFFFFF086  }
0x25: {  	[simem:s6], [sflag:s4] =	dma.local [hbm:s3], $0xF7A  }
0x26: {  	[smem:$0x3F87] =	sst s1;
	(tag) =	ssettag s2;
	_ =	strace s9  }
0x27: {  	s1 =	sld [smem:$0x3F97]  }
0x28: {  	s2 =	sld [smem:$0x3F98]  }
0x29: {  	s4 =	sld [smem:$0x3F9A]  }
0x2a: {  	p0 =	seq.s32 s5, $0x0;
	s5 =	sld [smem:$0x3F9B]  }
0x2b: {  	s6 =	sld [smem:$0x3F9C]  }
0x2c: {  	s7 =	sld [smem:$0x3F9D]  }
0x2d: {  	s3 =	simm.s32 $0x108;
	s8 =	sld [smem:$0x3F9E]  }
0x2e: {  	s3 =	simm.s32 @!p0 $0x1082;
	s9 =	sld [smem:$0x3F9F]  }
0x2f: {  	lr =	sadd.s32 s0, s3;
	s0 =	sld [smem:$0x3F96]  }
0x30: {  	s3 =	sld [smem:$0x3F99]  }
0x31: {  	[smem:$0x3FA2] =	sst s10  }
0x32: {  	s10 =	sld [smem:$0x3FA0];
	_ =	sdelay $0x3  }
0x33: {  	p0 =	seq.s32 s10, $0x1;
	s10 =	sld [smem:$0x3FA2];
	_ =	sdelay $0x3  }
0x34: {  	[smem:$0x3FA2] =	sst s10  }
0x35: {  	s10 =	sld [smem:$0x3FA1];
	_ =	sdelay $0x3  }
0x36: {  	p1 =	seq.s32 s10, $0x1;
	s10 =	sld [smem:$0x3FA2];
	_ =	sdelay $0x3  }
0x37: {  	[smem:$0x3FA2] =	sst s10  }
0x38: {  	s10 =	sld [smem:$0x3FA3]  }
0x39: {  	_ = 	snop;
	(pc) =	sbr.ind lr, $3  }
0x3a: {  	_ = 	snop  }
0x3b: {  	_ = 	snop  }
0x3c: {  	p2 =	seq.s32 s10, $0x1;
	s10 =	sld [smem:$0x3FA2]  }
0x3d: {  	_ =	shalt  }
0x3e: {  	_ =	shalt  }
0x3f: {  	_ =	shalt  }
0x40: {  	_ =	shalt  }
0x41: {  	_ =	shalt  }
0x42: {  	_ =	shalt  }
0x43: {  	_ =	shalt  }
0x44: {  	_ =	shalt  }
0x45: {  	_ =	shalt  }
0x46: {  	_ =	shalt  }
0x47: {  	_ =	shalt  }
0x48: {  	_ =	shalt  }
0x49: {  	_ =	shalt  }
0x4a: {  	_ =	shalt  }
0x4b: {  	_ =	shalt  }
0x4c: {  	_ =	shalt  }
0x4d: {  	_ =	shalt  }
0x4e: {  	_ =	shalt  }
0x4f: {  	_ =	shalt  }
0x50: {  	_ =	shalt  }
0x51: {  	_ =	shalt  }
0x52: {  	_ =	shalt  }
0x53: {  	_ =	shalt  }
0x54: {  	_ =	shalt  }
0x55: {  	_ =	shalt  }
0x56: {  	_ =	shalt  }
0x57: {  	_ =	shalt  }
0x58: {  	_ =	shalt  }
0x59: {  	_ =	shalt  }
0x5a: {  	_ =	shalt  }
0x5b: {  	_ =	shalt  }
0x5c: {  	_ =	shalt  }
0x5d: {  	_ =	shalt  }
0x5e: {  	_ =	shalt  }
0x5f: {  	_ =	shalt  }
0x60: {  	_ =	shalt  }
0x61: {  	_ =	shalt  }
0x62: {  	_ =	shalt  }
0x63: {  	_ =	shalt  }
0x64: {  	_ =	shalt  }
0x65: {  	_ =	shalt  }
0x66: {  	_ =	shalt  }
0x67: {  	_ =	shalt  }
0x68: {  	_ =	shalt  }
0x69: {  	_ =	shalt  }
0x6a: {  	_ =	shalt  }
0x6b: {  	_ =	shalt  }
0x6c: {  	_ =	shalt  }
0x6d: {  	_ =	shalt  }
0x6e: {  	_ =	shalt  }
0x6f: {  	_ =	shalt  }
0x70: {  	_ =	shalt  }
0x71: {  	_ =	shalt  }
0x72: {  	_ =	shalt  }
0x73: {  	_ =	shalt  }
0x74: {  	_ =	shalt  }
0x75: {  	_ =	shalt  }
0x76: {  	_ =	shalt  }
0x77: {  	_ =	shalt  }
0x78: {  	_ =	shalt  }
0x79: {  	_ =	shalt  }
0x7a: {  	_ =	shalt  }
0x7b: {  	_ =	shalt  }
0x7c: {  	_ =	shalt  }
0x7d: {  	_ =	shalt  }
0x7e: {  	_ =	shalt  }
0x7f: {  	_ =	shalt  }
0x80: {  	_ =	shalt  }
0x81: {  	_ =	shalt  }
0x82: {  	_ =	shalt  }
0x83: {  	_ =	shalt  }
0x84: {  	_ =	shalt  }
0x85: {  	_ =	shalt  }
0x86: {  	_ =	shalt  }
0x87: {  	_ =	shalt  }
.Lfunc_end0:
.L_simem_size_0:
called_computation_lowered:
.L_overlay_start_0:
0x88: {  	s2 =	sld [smem:$0x3FD9]  }
0x89: {  	s3 =	sld [smem:$0x3FFE];
	_ =	sdelay $0x1  }
0x8a: {  	s1 =	srdreg.scid  }
0x8b: {  	s0 =	sand.u32 $0x1, s1  }
0x8c: {  	s17 =	sshll.u32 s0, $0xA;
	s2 =	sadd.s32 s3, s2  }
0x8d: {  	s2 =	sadd.s32 s2, s17  }
0x8e: {  	[smem:$0x3FAE] =	sst s2  }
0x8f: {  	_ = 	snop  }
0x90: {  	s2 =	sld [smem:$0x3FBE]  }
0x91: {  	s18 =	sld [smem:$0x3FD0];
	(tm) =	ssettm $0x1  }
0x92: {  	s4 =	sld [smem:$0x3FFB];
	_ =	sdelay $0x3  }
0x93: {  	_ =	strace s4  }
0x94: {  	s4 =	sld [smem:$0x3FFC];
	_ =	sdelay $0x3  }
0x95: {  	_ =	strace s4  }
0x96: {  	s4 =	sld [smem:$0x3FFD];
	_ =	sdelay $0x3  }
0x97: {  	_ =	strace s4  }
0x98: {  	_ =	strace $0x8FFFFFFF  }
0x99: {  	s19 =	sld [smem:$0x3FDB];
	_ =	sdelay $0x1  }
0x9a: {  	s5 =	simm.s32 $_scs_section_size  }
0x9b: {  	s6 =	simm.s32 $_size__tile_overlayer_lowered;
	s7 =	simm.s32 $_tile_overlayer_lowered  }
0x9c: {  	s22 =	simm.s32 $0x1BFF;
	s21 =	sshll.u32 s7, $0x1;
	s4 =	sadd.s32 s5, s19  }
0x9d: {  	s8 =	simm.s32 $0x0;
	s20 =	sshll.u32 s6, $0x1;
	s6 =	sadd.s32 s21, s4  }
0x9e: {  	[timem:s8], [sflag:s22] =	dma.local [hbm:s6], s20  }
0x9f: {  	_ =	swait.ge [sflag:s22], s20  }
0xa0: {  	s5 =	ssub.s32 $0x0, s20;
	[sflag:s22] =	ssyncset.done $0x0  }
0xa1: {  	[sflag:s22] =	ssyncadd.s32 s5;
	_ =	sdelay $0x1  }
0xa2: {  	s23 =	simm.s32 $0x1B8B  }
0xa3: {  	_ =	swait.ge [sflag:s23], $0x1  }
0xa4: {  	[sflag:s23] =	ssyncset.done $0x0  }
0xa5: {  	s25 =	simm.s32 $0x1B8E;
	s24 =	sld [smem:$0x3FFE];
	[sflag:s23] =	ssyncadd.s32 $0xFFFFFFFF  }
0xa6: {  	s26 =	simm.s32 $execute0_lowered;
	[smem:$0x3FD2] =	sst s25  }
0xa7: {  	s6 =	sshll.u32 s26, $0x1;
	_ =	strace $0x80000046;
	[dreg:$0x1] =	wrdreg $0xFFFFFFFF  }
0xa8: {  	s28 =	simm.s32 $_size_execute0_lowered;
	s4 =	sadd.s32 s4, s6;
	[dreg:$0x0] =	wrdreg $0x0  }
0xa9: {  	s6 =	sshll.u32 s28, $0x1;
	[dreg:$0x2] =	wrdreg s4  }
0xaa: {  	[dreg:$0x3] =	wrdreg s6  }
0xab: {  	[dreg:$0x4] =	wrdreg $0xC0  }
0xac: {  	_ =	task [dreg:s8], $0x5FFFF  }
0xad: {  	[dreg:$0x1] =	wrdreg $0xFFFFFFFF  }
0xae: {  	[dreg:$0x0] =	wrdreg $0x60  }
0xaf: {  	[dreg:$0x2] =	wrdreg s24  }
0xb0: {  	[dreg:$0x3] =	wrdreg s18  }
0xb1: {  	[dreg:$0x4] =	wrdreg s2  }
0xb2: {  	[dreg:$0x5] =	wrdreg $0x9  }
0xb3: {  	_ =	task.clear_ibuf [dreg:s8], $0x6FFFF;
	_ =	strace $0x90000046  }
0xb4: {  	s29 =	simm.s32 $0x9;
	_ =	strace $0x80000048  }
0xb5: {  	_ =	swait.ge [sflag:s29], $0x1  }
0xb6: {  	[sflag:s29] =	ssyncadd.s32 $0xFFFFFFFF  }
0xb7: {  	_ =	strace $0x90000048  }
0xb8: {  	_ =	sfence  }
0xb9: {  	s30 =	sld [smem:$0x0];
	_ =	sdelay $0x2  }
0xba: {  	s31 =	sshll.u32 s1, $0xD;
	s1 =	sshrl.u32 s1, $0x2  }
0xbb: {  	s3 =	sand.u32 $0x4000, s31;
	s1 =	sadd.s32 s1, s30  }
0xbc: {  	s0 =	sor.u32 s3, s0;
	s1 =	sshll.u32 s1, $0x11  }
0xbd: {  	s0 =	sor.u32 s1, s0  }
0xbe: {  	s0 =	sadd.s32 $0x8F2B, s0  }
0xbf: {  	[sflag:s0] =	ssyncadd.remote.s32 $0x1  }
0xc0: {  	_ =	sfence.sel $0xFFFF  }
0xc1: {  	[dreg:$0x0] =	wrdreg $0xFFFFFFFF;
	(pc) =	sbr.abs _section_cstart, $3  }
0xc2: {  	[dreg:$0x1] =	wrdreg $0xFFFFFFFF  }
0xc3: {  	_ =	task.clear_ibuf [dreg:s8], $0x2FFFF;
	_ =	strace $0x9FFFFFFF  }
0xc4: {  	(tm) =	ssettm $0x7FFFFFFF  }
0xc5: {  	_ =	shalt  }
tec
execute0_lowered:
.L_overlay_start_1:
0x0: {  	(tag) =	ssettag $0x1  }
0x1: {  	s0 =	srdreg.scid;
	s14 =	stileid.u32  }
0x2: {  	s1 =	sand.u32 $0x1, s0;
	s13 =	sshll.u32 s14, $0x1  }
0x3: {  	s2 =	sshrl.u32 s14, $0x2;
	s0 =	sor.u32 s1, s13  }
0x4: {  	s5 =	smul.u32 $0x3400, s2;
	s15 =	sshll.u32 s0, $0x7  }
0x5: {  	s6 =	rddreg [dreg:$0x0];
	s7 =	sand.u32 $0x380, s15  }
0x6: {  	s3 =	rddreg [dreg:$0x1];
	s5 =	sor.u32 s5, s7  }
0x7: {  	s4 =	rddreg [dreg:$0x2];
	s2 =	simm.s32 $0x0;
	s5 =	sshrl.u32 s5, $0x3  }
0x8: {  	[smem:$0x7FF] =	sst s2;
	s8 =	smul.u32 $0x6400, s0;
	s16 =	sadd.s32 s5, s6  }
0x9: {  	s0 =	smul.u32 $0x32000, s0;
	_ =	strace $0x80000047;
	s9 =	sadd.s32 $0x3400, s16  }
0xa: {  	s5 =	sadd.s32 $0x6800, s6;
	s7 =	sadd.s32 $0x4E00, s16;
	[dreg:$0x4] =	wrdreg s9  }
0xb: {  	s6 =	sadd.s32 $0xCE800, s6;
	s17 =	sadd.s32 s5, s8;
	[dreg:$0x5] =	wrdreg s7  }
0xc: {  	s18 =	sadd.s32 s6, s8;
	s7 =	sshrl.u32 s0, $0x3;
	[dreg:$0x6] =	wrdreg s17  }
0xd: {  	[dreg:$0x7] =	wrdreg s18;
	s19 =	sadd.s32 $0x500, s7  }
0xe: {  	s0 =	rddreg [dreg:$0x4];
	s20 =	sadd.s32 s5, s19  }
0xf: {  	s22 =	sadd.s32 $0xA00, s7;
	s21 =	sadd.s32 s6, s19;
	[dreg:$0x8] =	wrdreg s20  }
0x10: {  	s23 =	sadd.s32 s5, s22;
	[dreg:$0x9] =	wrdreg s21  }
0x11: {  	s25 =	sadd.s32 $0xF00, s7;
	s24 =	sadd.s32 s6, s22;
	[dreg:$0xa] =	wrdreg s23  }
0x12: {  	s26 =	sadd.s32 s5, s25;
	[dreg:$0xb] =	wrdreg s24  }
0x13: {  	s9 =	sadd.s32 $0x1400, s7;
	s8 =	sadd.s32 s6, s25;
	[dreg:$0xc] =	wrdreg s26  }
0x14: {  	s10 =	sadd.s32 s5, s9;
	[dreg:$0xd] =	wrdreg s8  }
0x15: {  	s12 =	sadd.s32 $0x1900, s7;
	s11 =	sadd.s32 s6, s9;
	[dreg:$0xe] =	wrdreg s10  }
0x16: {  	s13 =	sadd.s32 s5, s12;
	[dreg:$0xf] =	wrdreg s11  }
0x17: {  	s16 =	sadd.s32 $0x1E00, s7;
	s15 =	sadd.s32 s6, s12;
	[dreg:$0x10] =	wrdreg s13  }
0x18: {  	s17 =	sadd.s32 s5, s16;
	[dreg:$0x11] =	wrdreg s15  }
0x19: {  	s18 =	sadd.s32 s6, s16;
	s19 =	sadd.s32 $0x2300, s7;
	[dreg:$0x12] =	wrdreg s17  }
0x1a: {  	[dreg:$0x13] =	wrdreg s18;
	s20 =	sadd.s32 s5, s19  }
0x1b: {  	s22 =	sadd.s32 $0x2800, s7;
	s21 =	sadd.s32 s6, s19;
	[dreg:$0x14] =	wrdreg s20  }
0x1c: {  	s23 =	sadd.s32 s5, s22;
	[dreg:$0x15] =	wrdreg s21  }
0x1d: {  	s25 =	sadd.s32 $0x2D00, s7;
	s24 =	sadd.s32 s6, s22;
	[dreg:$0x16] =	wrdreg s23  }
0x1e: {  	s26 =	sadd.s32 s5, s25;
	[dreg:$0x17] =	wrdreg s24  }
0x1f: {  	s9 =	sadd.s32 s6, s25;
	[dreg:$0x18] =	wrdreg s26  }
0x20: {  	s10 =	sadd.s32 $0x3200, s7;
	s8 =	simm.s32 $0x190;
	[dreg:$0x19] =	wrdreg s9  }
0x21: {  	s11 =	sadd.s32 s5, s10;
	[smem:$0x7ED] =	sst s8  }
0x22: {  	s13 =	sadd.s32 $0x3700, s7;
	s12 =	sadd.s32 s6, s10;
	[dreg:$0x1a] =	wrdreg s11  }
0x23: {  	s15 =	sadd.s32 s5, s13;
	[dreg:$0x1b] =	wrdreg s12  }
0x24: {  	s17 =	sadd.s32 $0x3C00, s7;
	s16 =	sadd.s32 s6, s13;
	[dreg:$0x1c] =	wrdreg s15  }
0x25: {  	s18 =	sadd.s32 s5, s17;
	[dreg:$0x1d] =	wrdreg s16  }
0x26: {  	s19 =	sadd.s32 s6, s17;
	s20 =	sadd.s32 $0x4100, s7;
	[dreg:$0x1e] =	wrdreg s18  }
0x27: {  	[dreg:$0x1f] =	wrdreg s19;
	s21 =	sadd.s32 s5, s20  }
0x28: {  	s23 =	sadd.s32 $0x4600, s7;
	s22 =	sadd.s32 s6, s20;
	[smem:$0x7D8] =	sst s21  }
0x29: {  	s24 =	sadd.s32 s5, s23;
	[smem:$0x7D9] =	sst s22  }
0x2a: {  	s26 =	sadd.s32 $0x4B00, s7;
	s25 =	sadd.s32 s6, s23;
	[smem:$0x7DA] =	sst s24  }
0x2b: {  	s9 =	sadd.s32 s5, s26;
	[smem:$0x7DB] =	sst s25  }
0x2c: {  	s10 =	sadd.s32 s6, s26;
	[smem:$0x7DC] =	sst s9  }
0x2d: {  	s23 =	simm.s32 $0x6D0;
	[smem:$0x7DD] =	sst s10  }
0x2e: {  	s11 =	sadd.s32 $0x5000, s7;
	s26 =	simm.s32 $0xF0;
	[smem:$0x7E6] =	sst s23  }
0x2f: {  	s12 =	sadd.s32 s5, s11;
	[smem:$0x7E9] =	sst s26  }
0x30: {  	s15 =	sadd.s32 $0x5500, s7;
	s13 =	sadd.s32 s6, s11;
	[smem:$0x7DE] =	sst s12  }
0x31: {  	s16 =	sadd.s32 s5, s15;
	[smem:$0x7DF] =	sst s13  }
0x32: {  	s18 =	sadd.s32 $0x5A00, s7;
	s17 =	sadd.s32 s6, s15;
	[smem:$0x7E0] =	sst s16  }
0x33: {  	s19 =	sadd.s32 s5, s18;
	[smem:$0x7E1] =	sst s17  }
0x34: {  	s7 =	sadd.s32 $0x5F00, s7;
	s20 =	sadd.s32 s6, s18;
	[smem:$0x7E2] =	sst s19  }
0x35: {  	s21 =	sadd.s32 s5, s7;
	[smem:$0x7E3] =	sst s20  }
0x36: {  	s28 =	simm.s32 $0x80;
	s22 =	sadd.s32 s6, s7;
	[smem:$0x7E4] =	sst s21  }
0x37: {  	s29 =	simm.s32 $0x400;
	s24 =	simm.s32 $0xA0;
	[smem:$0x7E5] =	sst s22  }
0x38: {  	s30 =	simm.s32 $0x3;
	s25 =	simm.s32 $0x720;
	[smem:$0x7E7] =	sst s24  }
0x39: {  	s31 =	simm.s32 $0x680;
	s5 =	simm.s32 $0x770;
	[smem:$0x7E8] =	sst s25  }
0x3a: {  	p0 =	por $0x0, $0x0;
	s6 =	simm.s32 $0x140;
	[smem:$0x7EA] =	sst s5  }
0x3b: {  	s1 =	ssub.s32 $0x2, s1;
	s7 =	simm.s32 $0x7C0;
	[smem:$0x7EB] =	sst s6  }
0x3c: {  	s8 =	simm.s32 $0xD00;
	s10 =	simm.s32 $0x810;
	[smem:$0x7EC] =	sst s7  }
0x3d: {  	s9 =	sshrl.u32 s1, $0x1;
	s11 =	simm.s32 $0x1E0;
	[smem:$0x7EE] =	sst s10  }
0x3e: {  	s15 =	simm.s32 $0x8B0;
	s18 =	simm.s32 $0x2D0;
	[smem:$0x7EF] =	sst s11  }
0x3f: {  	s23 =	simm.s32 $0x9F0;
	s26 =	simm.s32 $0x410;
	[smem:$0x7F2] =	sst s15  }
0x40: {  	s1 =	ssub.s32 s1, s9;
	s12 =	simm.s32 $0x860;
	[smem:$0x7F5] =	sst s18  }
0x41: {  	s13 =	simm.s32 $0x230;
	s16 =	simm.s32 $0x280;
	[smem:$0x7FA] =	sst s23  }
0x42: {  	s17 =	simm.s32 $0x900;
	s11 =	simm.s32 $0x50;
	[smem:$0x7FD] =	sst s26  }
0x43: {  	s19 =	simm.s32 $0x950;
	s9 =	simm.s32 $0x8500;
	[smem:$0x7F0] =	sst s12  }
0x44: {  	s20 =	simm.s32 $0x320;
	s6 =	simm.s32 $0x3500;
	[smem:$0x7F1] =	sst s13  }
0x45: {  	s21 =	simm.s32 $0x9A0;
	s7 =	simm.s32 $0xAD00;
	[smem:$0x7F3] =	sst s16  }
0x46: {  	s22 =	simm.s32 $0x370;
	s24 =	simm.s32 $0x3C0;
	[smem:$0x7F4] =	sst s17  }
0x47: {  	s10 =	simm.s32 $0x1;
	s25 =	simm.s32 $0xA40;
	[smem:$0x7F6] =	sst s19  }
0x48: {  	s5 =	simm.s32 $0x2;
	s26 =	simm.s32 $0xAE0;
	[smem:$0x7F7] =	sst s20  }
0x49: {  	s23 =	simm.s32 $0x4B0;
	s1 =	smax.u32 s1, $0x1;
	[smem:$0x7F8] =	sst s21  }
0x4a: {  	s18 =	simm.s32 $0xC20;
	[smem:$0x7F9] =	sst s22;
	p1 =	sne.s32 s1, $0x1  }
.Ltmp0:
0x4b: {  	s15 =	simm.s32 $0x5F0;
	[smem:$0x7FB] =	sst s24;
	(pc) =	sbr.rel @!p1 .LBB2_1-.Ltmp0, $4  }
0x4c: {  	s12 =	simm.s32 $0x5D00;
	s13 =	simm.s32 $0xD500;
	[smem:$0x7FC] =	sst s25  }
0x4d: {  	s21 =	simm.s32 $0xA90;
	s25 =	simm.s32 $0x460;
	s24 =	simm.s32 $0xB30  }
0x4e: {  	s22 =	simm.s32 $0xB80;
	s19 =	simm.s32 $0x550;
	s20 =	simm.s32 $0xBD0  }
0x4f: {  	s17 =	simm.s32 $0x5A0;
	s16 =	simm.s32 $0xC70;
	s1 =	sadd.s32 $0xFFFFFFFF, s1  }
0x50: {  	[tilespmem:s2], [sflag:$0x3] =	stream.strided.gather [hbm4b:s0+s28], $0x680, s29, s28, $0x38;
	[tilespmem:$0xFD00] =	vst v63  }
0x51: {  	_ =	swait.ge [sflag:s30], $0x680  }
0x52: {  	[sflag:s30] =	ssyncset.done $0x0  }
0x53: {  	s14 =	rddreg [dreg:$0x5];
	[sflag:s30] =	ssyncadd.s32 $0xFFFFF980  }
0x54: {  	[tilespmem:s31], [sflag:$0x3] =	stream.strided.gather [hbm4b:s14+s28], $0x680, s29, s28, $0x38;
	[tilespmem:$0xFD00] =	vst v63  }
0x55: {  	_ =	swait.ge [sflag:s30], $0x680  }
0x56: {  	[sflag:s30] =	ssyncset.done $0x0  }
0x57: {  	[sflag:s30] =	ssyncadd.s32 $0xFFFFF980  }
0x58: {  	[tilespmem:s8], [sflag:$0x1] =	stream.indirect.gather [hbm4b:s3+s11], $0x80, s2, s11, $0xb8;
	[tilespmem:$0xFD00] =	vst v63  }
0x59: {  	_ = 	snop  }
0x5a: {  	[tilespmem:s9], [sflag:$0x1] =	stream.indirect.gather [hbm4b:s4+s11], $0x80, s31, s11, $0xb8;
	[tilespmem:$0xFD00] =	vst v63  }
0x5b: {  	s0 =	sld [smem:$0x7E6]  }
0x5c: {  	[tilespmem:s6], [sflag:$0x1] =	stream.indirect.gather [hbm4b:s3+s11], $0x80, s11, s11, $0xb8;
	[tilespmem:$0xFD00] =	vst v63  }
0x5d: {  	s14 =	smov.u32 s1;
	s1 =	sld [smem:$0x7E7]  }
0x5e: {  	[tilespmem:s7], [sflag:$0x1] =	stream.indirect.gather [hbm4b:s4+s11], $0x80, s0, s11, $0xb8;
	[tilespmem:$0xFD00] =	vst v63  }
0x5f: {  	s0 =	sld [smem:$0x7E8]  }
0x60: {  	[tilespmem:s12], [sflag:$0x1] =	stream.indirect.gather [hbm4b:s3+s11], $0x80, s1, s11, $0xb8;
	[tilespmem:$0xFD00] =	vst v63  }
0x61: {  	_ = 	snop  }
0x62: {  	[tilespmem:s13], [sflag:$0x1] =	stream.indirect.gather [hbm4b:s4+s11], $0x80, s0, s11, $0xb8;
	[tilespmem:$0xFD00] =	vst v63  }
0x63: {  	_ =	swait.ge [sflag:s10], $0x2800  }
0x64: {  	[sflag:s10] =	ssyncset.done $0x0  }
0x65: {  	[sflag:s10] =	ssyncadd.s32 $0xFFFFD800  }
0x66: {  	_ =	swait.ge [sflag:s10], $0x2800  }
0x67: {  	[sflag:s10] =	ssyncset.done $0x0  }
0x68: {  	s0 =	rddreg [dreg:$0x6];
	[sflag:s10] =	ssyncadd.s32 $0xFFFFD800  }
0x69: {  	[hbm4b:s0+s2] =	stream.linear.scatter [tilespmem:s8], [sflag:$0x2], $0x2800, $0x38;
	[tilespmem:$0xFD00] =	vst v63  }
0x6a: {  	s1 =	rddreg [dreg:$0x7]  }
0x6b: {  	[hbm4b:s1+s2] =	stream.linear.scatter [tilespmem:s9], [sflag:$0x2], $0x2800, $0x38;
	[tilespmem:$0xFD00] =	vst v63  }
0x6c: {  	_ =	swait.ge [sflag:s5], $0x2800  }
0x6d: {  	[sflag:s5] =	ssyncset.done $0x0  }
0x6e: {  	[sflag:s5] =	ssyncadd.s32 $0xFFFFD800  }
0x6f: {  	_ =	swait.ge [sflag:s5], $0x2800  }
0x70: {  	s0 =	sld [smem:$0x7E9]  }
0x71: {  	[sflag:s5] =	ssyncset.done $0x0  }
0x72: {  	s1 =	sld [smem:$0x7EA];
	[sflag:s5] =	ssyncadd.s32 $0xFFFFD800  }
0x73: {  	[tilespmem:s8], [sflag:$0x1] =	stream.indirect.gather [hbm4b:s3+s11], $0x80, s0, s11, $0xb8;
	[tilespmem:$0xFD00] =	vst v63  }
0x74: {  	_ = 	snop  }
0x75: {  	[tilespmem:s9], [sflag:$0x1] =	stream.indirect.gather [hbm4b:s4+s11], $0x80, s1, s11, $0xb8;
	[tilespmem:$0xFD00] =	vst v63  }
0x76: {  	_ =	swait.ge [sflag:s10], $0x2800  }
0x77: {  	[sflag:s10] =	ssyncset.done $0x0  }
0x78: {  	[sflag:s10] =	ssyncadd.s32 $0xFFFFD800  }
0x79: {  	_ =	swait.ge [sflag:s10], $0x2800  }
0x7a: {  	[sflag:s10] =	ssyncset.done $0x0  }
0x7b: {  	s0 =	rddreg [dreg:$0x8];
	[sflag:s10] =	ssyncadd.s32 $0xFFFFD800  }
0x7c: {  	[hbm4b:s0+s2] =	stream.linear.scatter [tilespmem:s6], [sflag:$0x2], $0x2800, $0x38;
	[tilespmem:$0xFD00] =	vst v63  }
0x7d: {  	s1 =	rddreg [dreg:$0x9]  }
0x7e: {  	[hbm4b:s1+s2] =	stream.linear.scatter [tilespmem:s7], [sflag:$0x2], $0x2800, $0x38;
	[tilespmem:$0xFD00] =	vst v63  }
0x7f: {  	_ =	swait.ge [sflag:s5], $0x2800  }
0x80: {  	[sflag:s5] =	ssyncset.done $0x0  }
0x81: {  	[sflag:s5] =	ssyncadd.s32 $0xFFFFD800  }
0x82: {  	_ =	swait.ge [sflag:s5], $0x2800  }
0x83: {  	s0 =	sld [smem:$0x7EB]  }
0x84: {  	[sflag:s5] =	ssyncset.done $0x0  }
0x85: {  	s1 =	sld [smem:$0x7EC];
	[sflag:s5] =	ssyncadd.s32 $0xFFFFD800  }
0x86: {  	[tilespmem:s6], [sflag:$0x1] =	stream.indirect.gather [hbm4b:s3+s11], $0x80, s0, s11, $0xb8;
	[tilespmem:$0xFD00] =	vst v63  }
0x87: {  	_ = 	snop  }
0x88: {  	[tilespmem:s7], [sflag:$0x1] =	stream.indirect.gather [hbm4b:s4+s11], $0x80, s1, s11, $0xb8;
	[tilespmem:$0xFD00] =	vst v63  }
0x89: {  	_ =	swait.ge [sflag:s10], $0x2800  }
0x8a: {  	[sflag:s10] =	ssyncset.done $0x0  }
0x8b: {  	[sflag:s10] =	ssyncadd.s32 $0xFFFFD800  }
0x8c: {  	_ =	swait.ge [sflag:s10], $0x2800  }
0x8d: {  	[sflag:s10] =	ssyncset.done $0x0  }
0x8e: {  	s0 =	rddreg [dreg:$0xa];
	[sflag:s10] =	ssyncadd.s32 $0xFFFFD800  }
0x8f: {  	[hbm4b:s0+s2] =	stream.linear.scatter [tilespmem:s12], [sflag:$0x2], $0x2800, $0x38;
	[tilespmem:$0xFD00] =	vst v63  }
0x90: {  	s1 =	rddreg [dreg:$0xb]  }
0x91: {  	[hbm4b:s1+s2] =	stream.linear.scatter [tilespmem:s13], [sflag:$0x2], $0x2800, $0x38;
	[tilespmem:$0xFD00] =	vst v63  }
0x92: {  	_ =	swait.ge [sflag:s5], $0x2800  }
0x93: {  	[sflag:s5] =	ssyncset.done $0x0  }
0x94: {  	[sflag:s5] =	ssyncadd.s32 $0xFFFFD800  }
0x95: {  	_ =	swait.ge [sflag:s5], $0x2800  }
0x96: {  	s0 =	sld [smem:$0x7ED]  }
0x97: {  	[sflag:s5] =	ssyncset.done $0x0  }
0x98: {  	s1 =	sld [smem:$0x7EE];
	[sflag:s5] =	ssyncadd.s32 $0xFFFFD800  }
0x99: {  	[tilespmem:s12], [sflag:$0x1] =	stream.indirect.gather [hbm4b:s3+s11], $0x80, s0, s11, $0xb8;
	[tilespmem:$0xFD00] =	vst v63  }
0x9a: {  	_ = 	snop  }
0x9b: {  	[tilespmem:s13], [sflag:$0x1] =	stream.indirect.gather [hbm4b:s4+s11], $0x80, s1, s11, $0xb8;
	[tilespmem:$0xFD00] =	vst v63  }
0x9c: {  	_ =	swait.ge [sflag:s10], $0x2800  }
0x9d: {  	[sflag:s10] =	ssyncset.done $0x0  }
0x9e: {  	[sflag:s10] =	ssyncadd.s32 $0xFFFFD800  }
0x9f: {  	_ =	swait.ge [sflag:s10], $0x2800  }
0xa0: {  	[sflag:s10] =	ssyncset.done $0x0  }
0xa1: {  	s0 =	rddreg [dreg:$0xc];
	[sflag:s10] =	ssyncadd.s32 $0xFFFFD800  }
0xa2: {  	[hbm4b:s0+s2] =	stream.linear.scatter [tilespmem:s8], [sflag:$0x2], $0x2800, $0x38;
	[tilespmem:$0xFD00] =	vst v63  }
0xa3: {  	s1 =	rddreg [dreg:$0xd]  }
0xa4: {  	[hbm4b:s1+s2] =	stream.linear.scatter [tilespmem:s9], [sflag:$0x2], $0x2800, $0x38;
	[tilespmem:$0xFD00] =	vst v63  }
0xa5: {  	_ =	swait.ge [sflag:s5], $0x2800  }
0xa6: {  	[sflag:s5] =	ssyncset.done $0x0  }
0xa7: {  	[sflag:s5] =	ssyncadd.s32 $0xFFFFD800  }
0xa8: {  	_ =	swait.ge [sflag:s5], $0x2800  }
0xa9: {  	s0 =	sld [smem:$0x7EF]  }
0xaa: {  	[sflag:s5] =	ssyncset.done $0x0  }
0xab: {  	s1 =	sld [smem:$0x7F0];
	[sflag:s5] =	ssyncadd.s32 $0xFFFFD800  }
0xac: {  	[tilespmem:s8], [sflag:$0x1] =	stream.indirect.gather [hbm4b:s3+s11], $0x80, s0, s11, $0xb8;
	[tilespmem:$0xFD00] =	vst v63  }
0xad: {  	_ = 	snop  }
0xae: {  	[tilespmem:s9], [sflag:$0x1] =	stream.indirect.gather [hbm4b:s4+s11], $0x80, s1, s11, $0xb8;
	[tilespmem:$0xFD00] =	vst v63  }
0xaf: {  	_ =	swait.ge [sflag:s10], $0x2800  }
0xb0: {  	[sflag:s10] =	ssyncset.done $0x0  }
0xb1: {  	[sflag:s10] =	ssyncadd.s32 $0xFFFFD800  }
0xb2: {  	_ =	swait.ge [sflag:s10], $0x2800  }
0xb3: {  	[sflag:s10] =	ssyncset.done $0x0  }
0xb4: {  	s0 =	rddreg [dreg:$0xe];
	[sflag:s10] =	ssyncadd.s32 $0xFFFFD800  }
0xb5: {  	[hbm4b:s0+s2] =	stream.linear.scatter [tilespmem:s6], [sflag:$0x2], $0x2800, $0x38;
	[tilespmem:$0xFD00] =	vst v63  }
0xb6: {  	s1 =	rddreg [dreg:$0xf]  }
0xb7: {  	[hbm4b:s1+s2] =	stream.linear.scatter [tilespmem:s7], [sflag:$0x2], $0x2800, $0x38;
	[tilespmem:$0xFD00] =	vst v63  }
0xb8: {  	_ =	swait.ge [sflag:s5], $0x2800  }
0xb9: {  	[sflag:s5] =	ssyncset.done $0x0  }
0xba: {  	[sflag:s5] =	ssyncadd.s32 $0xFFFFD800  }
0xbb: {  	_ =	swait.ge [sflag:s5], $0x2800  }
0xbc: {  	s0 =	sld [smem:$0x7F1]  }
0xbd: {  	[sflag:s5] =	ssyncset.done $0x0  }
0xbe: {  	s1 =	sld [smem:$0x7F2];
	[sflag:s5] =	ssyncadd.s32 $0xFFFFD800  }
0xbf: {  	[tilespmem:s6], [sflag:$0x1] =	stream.indirect.gather [hbm4b:s3+s11], $0x80, s0, s11, $0xb8;
	[tilespmem:$0xFD00] =	vst v63  }
0xc0: {  	_ = 	snop  }
0xc1: {  	[tilespmem:s7], [sflag:$0x1] =	stream.indirect.gather [hbm4b:s4+s11], $0x80, s1, s11, $0xb8;
	[tilespmem:$0xFD00] =	vst v63  }
0xc2: {  	_ =	swait.ge [sflag:s10], $0x2800  }
0xc3: {  	[sflag:s10] =	ssyncset.done $0x0  }
0xc4: {  	[sflag:s10] =	ssyncadd.s32 $0xFFFFD800  }
0xc5: {  	_ =	swait.ge [sflag:s10], $0x2800  }
0xc6: {  	[sflag:s10] =	ssyncset.done $0x0  }
0xc7: {  	s0 =	rddreg [dreg:$0x10];
	[sflag:s10] =	ssyncadd.s32 $0xFFFFD800  }
0xc8: {  	[hbm4b:s0+s2] =	stream.linear.scatter [tilespmem:s12], [sflag:$0x2], $0x2800, $0x38;
	[tilespmem:$0xFD00] =	vst v63  }
0xc9: {  	s1 =	rddreg [dreg:$0x11]  }
0xca: {  	[hbm4b:s1+s2] =	stream.linear.scatter [tilespmem:s13], [sflag:$0x2], $0x2800, $0x38;
	[tilespmem:$0xFD00] =	vst v63  }
0xcb: {  	_ =	swait.ge [sflag:s5], $0x2800  }
0xcc: {  	[sflag:s5] =	ssyncset.done $0x0  }
0xcd: {  	[sflag:s5] =	ssyncadd.s32 $0xFFFFD800  }
0xce: {  	_ =	swait.ge [sflag:s5], $0x2800  }
0xcf: {  	s0 =	sld [smem:$0x7F3]  }
0xd0: {  	[sflag:s5] =	ssyncset.done $0x0  }
0xd1: {  	s1 =	sld [smem:$0x7F4];
	[sflag:s5] =	ssyncadd.s32 $0xFFFFD800  }
0xd2: {  	[tilespmem:s12], [sflag:$0x1] =	stream.indirect.gather [hbm4b:s3+s11], $0x80, s0, s11, $0xb8;
	[tilespmem:$0xFD00] =	vst v63  }
0xd3: {  	_ = 	snop  }
0xd4: {  	[tilespmem:s13], [sflag:$0x1] =	stream.indirect.gather [hbm4b:s4+s11], $0x80, s1, s11, $0xb8;
	[tilespmem:$0xFD00] =	vst v63  }
0xd5: {  	_ =	swait.ge [sflag:s10], $0x2800  }
0xd6: {  	[sflag:s10] =	ssyncset.done $0x0  }
0xd7: {  	[sflag:s10] =	ssyncadd.s32 $0xFFFFD800  }
0xd8: {  	_ =	swait.ge [sflag:s10], $0x2800  }
0xd9: {  	[sflag:s10] =	ssyncset.done $0x0  }
0xda: {  	s0 =	rddreg [dreg:$0x12];
	[sflag:s10] =	ssyncadd.s32 $0xFFFFD800  }
0xdb: {  	[hbm4b:s0+s2] =	stream.linear.scatter [tilespmem:s8], [sflag:$0x2], $0x2800, $0x38;
	[tilespmem:$0xFD00] =	vst v63  }
0xdc: {  	s1 =	rddreg [dreg:$0x13]  }
0xdd: {  	[hbm4b:s1+s2] =	stream.linear.scatter [tilespmem:s9], [sflag:$0x2], $0x2800, $0x38;
	[tilespmem:$0xFD00] =	vst v63  }
0xde: {  	_ =	swait.ge [sflag:s5], $0x2800  }
0xdf: {  	[sflag:s5] =	ssyncset.done $0x0  }
0xe0: {  	[sflag:s5] =	ssyncadd.s32 $0xFFFFD800  }
0xe1: {  	_ =	swait.ge [sflag:s5], $0x2800  }
0xe2: {  	s0 =	sld [smem:$0x7F5]  }
0xe3: {  	[sflag:s5] =	ssyncset.done $0x0  }
0xe4: {  	s1 =	sld [smem:$0x7F6];
	[sflag:s5] =	ssyncadd.s32 $0xFFFFD800  }
0xe5: {  	[tilespmem:s8], [sflag:$0x1] =	stream.indirect.gather [hbm4b:s3+s11], $0x80, s0, s11, $0xb8;
	[tilespmem:$0xFD00] =	vst v63  }
0xe6: {  	_ = 	snop  }
0xe7: {  	[tilespmem:s9], [sflag:$0x1] =	stream.indirect.gather [hbm4b:s4+s11], $0x80, s1, s11, $0xb8;
	[tilespmem:$0xFD00] =	vst v63  }
0xe8: {  	_ =	swait.ge [sflag:s10], $0x2800  }
0xe9: {  	[sflag:s10] =	ssyncset.done $0x0  }
0xea: {  	[sflag:s10] =	ssyncadd.s32 $0xFFFFD800  }
0xeb: {  	_ =	swait.ge [sflag:s10], $0x2800  }
0xec: {  	[sflag:s10] =	ssyncset.done $0x0  }
0xed: {  	s0 =	rddreg [dreg:$0x14];
	[sflag:s10] =	ssyncadd.s32 $0xFFFFD800  }
0xee: {  	[hbm4b:s0+s2] =	stream.linear.scatter [tilespmem:s6], [sflag:$0x2], $0x2800, $0x38;
	[tilespmem:$0xFD00] =	vst v63  }
0xef: {  	s1 =	rddreg [dreg:$0x15]  }
0xf0: {  	[hbm4b:s1+s2] =	stream.linear.scatter [tilespmem:s7], [sflag:$0x2], $0x2800, $0x38;
	[tilespmem:$0xFD00] =	vst v63  }
0xf1: {  	_ =	swait.ge [sflag:s5], $0x2800  }
0xf2: {  	[sflag:s5] =	ssyncset.done $0x0  }
0xf3: {  	[sflag:s5] =	ssyncadd.s32 $0xFFFFD800  }
0xf4: {  	_ =	swait.ge [sflag:s5], $0x2800  }
0xf5: {  	s0 =	sld [smem:$0x7F7]  }
0xf6: {  	[sflag:s5] =	ssyncset.done $0x0  }
0xf7: {  	s1 =	sld [smem:$0x7F8];
	[sflag:s5] =	ssyncadd.s32 $0xFFFFD800  }
0xf8: {  	[tilespmem:s6], [sflag:$0x1] =	stream.indirect.gather [hbm4b:s3+s11], $0x80, s0, s11, $0xb8;
	[tilespmem:$0xFD00] =	vst v63  }
0xf9: {  	_ = 	snop  }
0xfa: {  	[tilespmem:s7], [sflag:$0x1] =	stream.indirect.gather [hbm4b:s4+s11], $0x80, s1, s11, $0xb8;
	[tilespmem:$0xFD00] =	vst v63  }
0xfb: {  	_ =	swait.ge [sflag:s10], $0x2800  }
0xfc: {  	[sflag:s10] =	ssyncset.done $0x0  }
0xfd: {  	[sflag:s10] =	ssyncadd.s32 $0xFFFFD800  }
0xfe: {  	_ =	swait.ge [sflag:s10], $0x2800  }
0xff: {  	[sflag:s10] =	ssyncset.done $0x0  }
0x100: {  	s0 =	rddreg [dreg:$0x16];
	[sflag:s10] =	ssyncadd.s32 $0xFFFFD800  }
0x101: {  	[hbm4b:s0+s2] =	stream.linear.scatter [tilespmem:s12], [sflag:$0x2], $0x2800, $0x38;
	[tilespmem:$0xFD00] =	vst v63  }
0x102: {  	s1 =	rddreg [dreg:$0x17]  }
0x103: {  	[hbm4b:s1+s2] =	stream.linear.scatter [tilespmem:s13], [sflag:$0x2], $0x2800, $0x38;
	[tilespmem:$0xFD00] =	vst v63  }
0x104: {  	_ =	swait.ge [sflag:s5], $0x2800  }
0x105: {  	[sflag:s5] =	ssyncset.done $0x0  }
0x106: {  	[sflag:s5] =	ssyncadd.s32 $0xFFFFD800  }
0x107: {  	_ =	swait.ge [sflag:s5], $0x2800  }
0x108: {  	s0 =	sld [smem:$0x7F9]  }
0x109: {  	[sflag:s5] =	ssyncset.done $0x0  }
0x10a: {  	s1 =	sld [smem:$0x7FA];
	[sflag:s5] =	ssyncadd.s32 $0xFFFFD800  }
0x10b: {  	[tilespmem:s12], [sflag:$0x1] =	stream.indirect.gather [hbm4b:s3+s11], $0x80, s0, s11, $0xb8;
	[tilespmem:$0xFD00] =	vst v63  }
0x10c: {  	_ = 	snop  }
0x10d: {  	[tilespmem:s13], [sflag:$0x1] =	stream.indirect.gather [hbm4b:s4+s11], $0x80, s1, s11, $0xb8;
	[tilespmem:$0xFD00] =	vst v63  }
0x10e: {  	_ =	swait.ge [sflag:s10], $0x2800  }
0x10f: {  	[sflag:s10] =	ssyncset.done $0x0  }
0x110: {  	[sflag:s10] =	ssyncadd.s32 $0xFFFFD800  }
0x111: {  	_ =	swait.ge [sflag:s10], $0x2800  }
0x112: {  	[sflag:s10] =	ssyncset.done $0x0  }
0x113: {  	s0 =	rddreg [dreg:$0x18];
	[sflag:s10] =	ssyncadd.s32 $0xFFFFD800  }
0x114: {  	[hbm4b:s0+s2] =	stream.linear.scatter [tilespmem:s8], [sflag:$0x2], $0x2800, $0x38;
	[tilespmem:$0xFD00] =	vst v63  }
0x115: {  	s1 =	rddreg [dreg:$0x19]  }
0x116: {  	[hbm4b:s1+s2] =	stream.linear.scatter [tilespmem:s9], [sflag:$0x2], $0x2800, $0x38;
	[tilespmem:$0xFD00] =	vst v63  }
0x117: {  	_ =	swait.ge [sflag:s5], $0x2800  }
0x118: {  	[sflag:s5] =	ssyncset.done $0x0  }
0x119: {  	[sflag:s5] =	ssyncadd.s32 $0xFFFFD800  }
0x11a: {  	_ =	swait.ge [sflag:s5], $0x2800  }
0x11b: {  	s0 =	sld [smem:$0x7FB]  }
0x11c: {  	[sflag:s5] =	ssyncset.done $0x0  }
0x11d: {  	s1 =	sld [smem:$0x7FC];
	[sflag:s5] =	ssyncadd.s32 $0xFFFFD800  }
0x11e: {  	[tilespmem:s8], [sflag:$0x1] =	stream.indirect.gather [hbm4b:s3+s11], $0x80, s0, s11, $0xb8;
	[tilespmem:$0xFD00] =	vst v63  }
0x11f: {  	_ = 	snop  }
0x120: {  	[tilespmem:s9], [sflag:$0x1] =	stream.indirect.gather [hbm4b:s4+s11], $0x80, s1, s11, $0xb8;
	[tilespmem:$0xFD00] =	vst v63  }
0x121: {  	_ =	swait.ge [sflag:s10], $0x2800  }
0x122: {  	[sflag:s10] =	ssyncset.done $0x0  }
0x123: {  	[sflag:s10] =	ssyncadd.s32 $0xFFFFD800  }
0x124: {  	_ =	swait.ge [sflag:s10], $0x2800  }
0x125: {  	[sflag:s10] =	ssyncset.done $0x0  }
0x126: {  	s0 =	rddreg [dreg:$0x1a];
	[sflag:s10] =	ssyncadd.s32 $0xFFFFD800  }
0x127: {  	[hbm4b:s0+s2] =	stream.linear.scatter [tilespmem:s6], [sflag:$0x2], $0x2800, $0x38;
	[tilespmem:$0xFD00] =	vst v63  }
0x128: {  	s1 =	rddreg [dreg:$0x1b]  }
0x129: {  	[hbm4b:s1+s2] =	stream.linear.scatter [tilespmem:s7], [sflag:$0x2], $0x2800, $0x38;
	[tilespmem:$0xFD00] =	vst v63  }
0x12a: {  	_ =	swait.ge [sflag:s5], $0x2800  }
0x12b: {  	[sflag:s5] =	ssyncset.done $0x0  }
0x12c: {  	[sflag:s5] =	ssyncadd.s32 $0xFFFFD800  }
0x12d: {  	_ =	swait.ge [sflag:s5], $0x2800  }
0x12e: {  	s1 =	sld [smem:$0x7FD]  }
0x12f: {  	[sflag:s5] =	ssyncset.done $0x0  }
0x130: {  	[sflag:s5] =	ssyncadd.s32 $0xFFFFD800  }
0x131: {  	[tilespmem:s6], [sflag:$0x1] =	stream.indirect.gather [hbm4b:s3+s11], $0x80, s1, s11, $0xb8;
	[tilespmem:$0xFD00] =	vst v63  }
0x132: {  	_ = 	snop  }
0x133: {  	[tilespmem:s7], [sflag:$0x1] =	stream.indirect.gather [hbm4b:s4+s11], $0x80, s21, s11, $0xb8;
	[tilespmem:$0xFD00] =	vst v63  }
0x134: {  	_ =	swait.ge [sflag:s10], $0x2800  }
0x135: {  	[sflag:s10] =	ssyncset.done $0x0  }
0x136: {  	[sflag:s10] =	ssyncadd.s32 $0xFFFFD800  }
0x137: {  	_ =	swait.ge [sflag:s10], $0x2800  }
0x138: {  	[sflag:s10] =	ssyncset.done $0x0  }
0x139: {  	s0 =	rddreg [dreg:$0x1c];
	[sflag:s10] =	ssyncadd.s32 $0xFFFFD800  }
0x13a: {  	[hbm4b:s0+s2] =	stream.linear.scatter [tilespmem:s12], [sflag:$0x2], $0x2800, $0x38;
	[tilespmem:$0xFD00] =	vst v63  }
0x13b: {  	s1 =	rddreg [dreg:$0x1d]  }
0x13c: {  	[hbm4b:s1+s2] =	stream.linear.scatter [tilespmem:s13], [sflag:$0x2], $0x2800, $0x38;
	[tilespmem:$0xFD00] =	vst v63  }
0x13d: {  	_ =	swait.ge [sflag:s5], $0x2800  }
0x13e: {  	[sflag:s5] =	ssyncset.done $0x0  }
0x13f: {  	[sflag:s5] =	ssyncadd.s32 $0xFFFFD800  }
0x140: {  	_ =	swait.ge [sflag:s5], $0x2800  }
0x141: {  	[sflag:s5] =	ssyncset.done $0x0  }
0x142: {  	[sflag:s5] =	ssyncadd.s32 $0xFFFFD800  }
0x143: {  	[tilespmem:s12], [sflag:$0x1] =	stream.indirect.gather [hbm4b:s3+s11], $0x80, s25, s11, $0xb8;
	[tilespmem:$0xFD00] =	vst v63  }
0x144: {  	_ = 	snop  }
0x145: {  	[tilespmem:s13], [sflag:$0x1] =	stream.indirect.gather [hbm4b:s4+s11], $0x80, s26, s11, $0xb8;
	[tilespmem:$0xFD00] =	vst v63  }
0x146: {  	_ =	swait.ge [sflag:s10], $0x2800  }
0x147: {  	[sflag:s10] =	ssyncset.done $0x0  }
0x148: {  	[sflag:s10] =	ssyncadd.s32 $0xFFFFD800  }
0x149: {  	_ =	swait.ge [sflag:s10], $0x2800  }
0x14a: {  	[sflag:s10] =	ssyncset.done $0x0  }
0x14b: {  	s0 =	rddreg [dreg:$0x1e];
	[sflag:s10] =	ssyncadd.s32 $0xFFFFD800  }
0x14c: {  	[hbm4b:s0+s2] =	stream.linear.scatter [tilespmem:s8], [sflag:$0x2], $0x2800, $0x38;
	[tilespmem:$0xFD00] =	vst v63  }
0x14d: {  	s1 =	rddreg [dreg:$0x1f]  }
0x14e: {  	[hbm4b:s1+s2] =	stream.linear.scatter [tilespmem:s9], [sflag:$0x2], $0x2800, $0x38;
	[tilespmem:$0xFD00] =	vst v63  }
0x14f: {  	_ =	swait.ge [sflag:s5], $0x2800  }
0x150: {  	[sflag:s5] =	ssyncset.done $0x0  }
0x151: {  	[sflag:s5] =	ssyncadd.s32 $0xFFFFD800  }
0x152: {  	_ =	swait.ge [sflag:s5], $0x2800  }
0x153: {  	[sflag:s5] =	ssyncset.done $0x0  }
0x154: {  	[sflag:s5] =	ssyncadd.s32 $0xFFFFD800  }
0x155: {  	[tilespmem:s8], [sflag:$0x1] =	stream.indirect.gather [hbm4b:s3+s11], $0x80, s23, s11, $0xb8;
	[tilespmem:$0xFD00] =	vst v63  }
0x156: {  	_ = 	snop  }
0x157: {  	[tilespmem:s9], [sflag:$0x1] =	stream.indirect.gather [hbm4b:s4+s11], $0x80, s24, s11, $0xb8;
	[tilespmem:$0xFD00] =	vst v63  }
0x158: {  	_ =	swait.ge [sflag:s10], $0x2800  }
0x159: {  	[sflag:s10] =	ssyncset.done $0x0  }
0x15a: {  	[sflag:s10] =	ssyncadd.s32 $0xFFFFD800  }
0x15b: {  	_ =	swait.ge [sflag:s10], $0x2800  }
0x15c: {  	s0 =	sld [smem:$0x7D8]  }
0x15d: {  	[sflag:s10] =	ssyncset.done $0x0  }
0x15e: {  	s1 =	sld [smem:$0x7D9];
	[sflag:s10] =	ssyncadd.s32 $0xFFFFD800  }
0x15f: {  	[hbm4b:s0+s2] =	stream.linear.scatter [tilespmem:s6], [sflag:$0x2], $0x2800, $0x38;
	[tilespmem:$0xFD00] =	vst v63  }
0x160: {  	_ = 	snop  }
0x161: {  	[hbm4b:s1+s2] =	stream.linear.scatter [tilespmem:s7], [sflag:$0x2], $0x2800, $0x38;
	[tilespmem:$0xFD00] =	vst v63  }
0x162: {  	_ =	swait.ge [sflag:s5], $0x2800  }
0x163: {  	[sflag:s5] =	ssyncset.done $0x0  }
0x164: {  	[sflag:s5] =	ssyncadd.s32 $0xFFFFD800  }
0x165: {  	_ =	swait.ge [sflag:s5], $0x2800  }
0x166: {  	[sflag:s5] =	ssyncset.done $0x0  }
0x167: {  	s1 =	simm.s32 $0x500;
	[sflag:s5] =	ssyncadd.s32 $0xFFFFD800  }
0x168: {  	[tilespmem:s6], [sflag:$0x1] =	stream.indirect.gather [hbm4b:s3+s11], $0x80, s1, s11, $0xb8;
	[tilespmem:$0xFD00] =	vst v63  }
0x169: {  	_ = 	snop  }
0x16a: {  	[tilespmem:s7], [sflag:$0x1] =	stream.indirect.gather [hbm4b:s4+s11], $0x80, s22, s11, $0xb8;
	[tilespmem:$0xFD00] =	vst v63  }
0x16b: {  	_ =	swait.ge [sflag:s10], $0x2800  }
0x16c: {  	[sflag:s10] =	ssyncset.done $0x0  }
0x16d: {  	[sflag:s10] =	ssyncadd.s32 $0xFFFFD800  }
0x16e: {  	_ =	swait.ge [sflag:s10], $0x2800  }
0x16f: {  	s0 =	sld [smem:$0x7DA]  }
0x170: {  	[sflag:s10] =	ssyncset.done $0x0  }
0x171: {  	s1 =	sld [smem:$0x7DB];
	[sflag:s10] =	ssyncadd.s32 $0xFFFFD800  }
0x172: {  	[hbm4b:s0+s2] =	stream.linear.scatter [tilespmem:s12], [sflag:$0x2], $0x2800, $0x38;
	[tilespmem:$0xFD00] =	vst v63  }
0x173: {  	_ = 	snop  }
0x174: {  	[hbm4b:s1+s2] =	stream.linear.scatter [tilespmem:s13], [sflag:$0x2], $0x2800, $0x38;
	[tilespmem:$0xFD00] =	vst v63  }
0x175: {  	_ =	swait.ge [sflag:s5], $0x2800  }
0x176: {  	[sflag:s5] =	ssyncset.done $0x0  }
0x177: {  	[sflag:s5] =	ssyncadd.s32 $0xFFFFD800  }
0x178: {  	_ =	swait.ge [sflag:s5], $0x2800  }
0x179: {  	[sflag:s5] =	ssyncset.done $0x0  }
0x17a: {  	[sflag:s5] =	ssyncadd.s32 $0xFFFFD800  }
0x17b: {  	[tilespmem:s12], [sflag:$0x1] =	stream.indirect.gather [hbm4b:s3+s11], $0x80, s19, s11, $0xb8;
	[tilespmem:$0xFD00] =	vst v63  }
0x17c: {  	_ = 	snop  }
0x17d: {  	[tilespmem:s13], [sflag:$0x1] =	stream.indirect.gather [hbm4b:s4+s11], $0x80, s20, s11, $0xb8;
	[tilespmem:$0xFD00] =	vst v63  }
0x17e: {  	_ =	swait.ge [sflag:s10], $0x2800  }
0x17f: {  	[sflag:s10] =	ssyncset.done $0x0  }
0x180: {  	[sflag:s10] =	ssyncadd.s32 $0xFFFFD800  }
0x181: {  	_ =	swait.ge [sflag:s10], $0x2800  }
0x182: {  	s0 =	sld [smem:$0x7DC]  }
0x183: {  	[sflag:s10] =	ssyncset.done $0x0  }
0x184: {  	s1 =	sld [smem:$0x7DD];
	[sflag:s10] =	ssyncadd.s32 $0xFFFFD800  }
0x185: {  	[hbm4b:s0+s2] =	stream.linear.scatter [tilespmem:s8], [sflag:$0x2], $0x2800, $0x38;
	[tilespmem:$0xFD00] =	vst v63  }
0x186: {  	_ = 	snop  }
0x187: {  	[hbm4b:s1+s2] =	stream.linear.scatter [tilespmem:s9], [sflag:$0x2], $0x2800, $0x38;
	[tilespmem:$0xFD00] =	vst v63  }
0x188: {  	_ =	swait.ge [sflag:s5], $0x2800  }
0x189: {  	[sflag:s5] =	ssyncset.done $0x0  }
0x18a: {  	[sflag:s5] =	ssyncadd.s32 $0xFFFFD800  }
0x18b: {  	_ =	swait.ge [sflag:s5], $0x2800  }
0x18c: {  	[sflag:s5] =	ssyncset.done $0x0  }
0x18d: {  	[sflag:s5] =	ssyncadd.s32 $0xFFFFD800  }
0x18e: {  	[tilespmem:s8], [sflag:$0x1] =	stream.indirect.gather [hbm4b:s3+s11], $0x80, s17, s11, $0xb8;
	[tilespmem:$0xFD00] =	vst v63  }
0x18f: {  	_ = 	snop  }
0x190: {  	[tilespmem:s9], [sflag:$0x1] =	stream.indirect.gather [hbm4b:s4+s11], $0x80, s18, s11, $0xb8;
	[tilespmem:$0xFD00] =	vst v63  }
0x191: {  	_ =	swait.ge [sflag:s10], $0x2800  }
0x192: {  	[sflag:s10] =	ssyncset.done $0x0  }
0x193: {  	[sflag:s10] =	ssyncadd.s32 $0xFFFFD800  }
0x194: {  	_ =	swait.ge [sflag:s10], $0x2800  }
0x195: {  	s0 =	sld [smem:$0x7DE]  }
0x196: {  	[sflag:s10] =	ssyncset.done $0x0  }
0x197: {  	s1 =	sld [smem:$0x7DF];
	[sflag:s10] =	ssyncadd.s32 $0xFFFFD800  }
0x198: {  	[hbm4b:s0+s2] =	stream.linear.scatter [tilespmem:s6], [sflag:$0x2], $0x2800, $0x38;
	[tilespmem:$0xFD00] =	vst v63  }
0x199: {  	_ = 	snop  }
0x19a: {  	[hbm4b:s1+s2] =	stream.linear.scatter [tilespmem:s7], [sflag:$0x2], $0x2800, $0x38;
	[tilespmem:$0xFD00] =	vst v63  }
0x19b: {  	_ =	swait.ge [sflag:s5], $0x2800  }
0x19c: {  	[sflag:s5] =	ssyncset.done $0x0  }
0x19d: {  	[sflag:s5] =	ssyncadd.s32 $0xFFFFD800  }
0x19e: {  	_ =	swait.ge [sflag:s5], $0x2800  }
0x19f: {  	[sflag:s5] =	ssyncset.done $0x0  }
0x1a0: {  	[sflag:s5] =	ssyncadd.s32 $0xFFFFD800  }
0x1a1: {  	[tilespmem:s6], [sflag:$0x1] =	stream.indirect.gather [hbm4b:s3+s11], $0x80, s15, s11, $0xb8;
	[tilespmem:$0xFD00] =	vst v63  }
0x1a2: {  	_ = 	snop  }
0x1a3: {  	[tilespmem:s7], [sflag:$0x1] =	stream.indirect.gather [hbm4b:s4+s11], $0x80, s16, s11, $0xb8;
	[tilespmem:$0xFD00] =	vst v63  }
0x1a4: {  	_ =	swait.ge [sflag:s10], $0x2800  }
0x1a5: {  	[sflag:s10] =	ssyncset.done $0x0  }
0x1a6: {  	[sflag:s10] =	ssyncadd.s32 $0xFFFFD800  }
0x1a7: {  	_ =	swait.ge [sflag:s10], $0x2800  }
0x1a8: {  	s0 =	sld [smem:$0x7E0]  }
0x1a9: {  	[sflag:s10] =	ssyncset.done $0x0  }
0x1aa: {  	s1 =	sld [smem:$0x7E1];
	[sflag:s10] =	ssyncadd.s32 $0xFFFFD800  }
0x1ab: {  	[hbm4b:s0+s2] =	stream.linear.scatter [tilespmem:s12], [sflag:$0x2], $0x2800, $0x38;
	[tilespmem:$0xFD00] =	vst v63  }
0x1ac: {  	_ = 	snop  }
0x1ad: {  	[hbm4b:s1+s2] =	stream.linear.scatter [tilespmem:s13], [sflag:$0x2], $0x2800, $0x38;
	[tilespmem:$0xFD00] =	vst v63  }
0x1ae: {  	_ =	swait.ge [sflag:s10], $0x2800  }
0x1af: {  	[sflag:s10] =	ssyncset.done $0x0  }
0x1b0: {  	[sflag:s10] =	ssyncadd.s32 $0xFFFFD800  }
0x1b1: {  	_ =	swait.ge [sflag:s10], $0x2800  }
0x1b2: {  	s0 =	sld [smem:$0x7E2]  }
0x1b3: {  	[sflag:s10] =	ssyncset.done $0x0  }
0x1b4: {  	s1 =	sld [smem:$0x7E3];
	[sflag:s10] =	ssyncadd.s32 $0xFFFFD800  }
0x1b5: {  	[hbm4b:s0+s2] =	stream.linear.scatter [tilespmem:s8], [sflag:$0x2], $0x2800, $0x38;
	[tilespmem:$0xFD00] =	vst v63  }
0x1b6: {  	_ = 	snop  }
0x1b7: {  	[hbm4b:s1+s2] =	stream.linear.scatter [tilespmem:s9], [sflag:$0x2], $0x2800, $0x38;
	[tilespmem:$0xFD00] =	vst v63  }
0x1b8: {  	_ =	swait.ge [sflag:s10], $0x2800  }
0x1b9: {  	[sflag:s10] =	ssyncset.done $0x0  }
0x1ba: {  	[sflag:s10] =	ssyncadd.s32 $0xFFFFD800  }
0x1bb: {  	_ =	swait.ge [sflag:s10], $0x2800  }
0x1bc: {  	s0 =	sld [smem:$0x7E4]  }
0x1bd: {  	[sflag:s10] =	ssyncset.done $0x0  }
0x1be: {  	s1 =	sld [smem:$0x7E5];
	[sflag:s10] =	ssyncadd.s32 $0xFFFFD800  }
0x1bf: {  	[hbm4b:s0+s2] =	stream.linear.scatter [tilespmem:s6], [sflag:$0x2], $0x2800, $0x38;
	[tilespmem:$0xFD00] =	vst v63  }
0x1c0: {  	_ = 	snop  }
0x1c1: {  	[hbm4b:s1+s2] =	stream.linear.scatter [tilespmem:s7], [sflag:$0x2], $0x2800, $0x38;
	[tilespmem:$0xFD00] =	vst v63  }
0x1c2: {  	_ =	swait.ge [sflag:s5], $0x2800  }
0x1c3: {  	[sflag:s5] =	ssyncset.done $0x0  }
0x1c4: {  	[sflag:s5] =	ssyncadd.s32 $0xFFFFD800  }
0x1c5: {  	_ =	swait.ge [sflag:s5], $0x2800  }
0x1c6: {  	[sflag:s5] =	ssyncset.done $0x0  }
0x1c7: {  	[sflag:s5] =	ssyncadd.s32 $0xFFFFD800  }
0x1c8: {  	_ =	swait.ge [sflag:s5], $0x2800  }
0x1c9: {  	[sflag:s5] =	ssyncset.done $0x0  }
0x1ca: {  	[sflag:s5] =	ssyncadd.s32 $0xFFFFD800  }
0x1cb: {  	_ =	swait.ge [sflag:s5], $0x2800  }
0x1cc: {  	[sflag:s5] =	ssyncset.done $0x0  }
0x1cd: {  	p1 =	sne.s32 s14, $0x1;
	[sflag:s5] =	ssyncadd.s32 $0xFFFFD800  }
.Ltmp1:
0x1ce: {  	_ =	swait.ge [sflag:s5], $0x2800;
	(pc) =	sbr.rel @!p1 .LBB2_3-.Ltmp1, $4  }
0x1cf: {  	[sflag:s5] =	ssyncset.done $0x0  }
0x1d0: {  	[sflag:s5] =	ssyncadd.s32 $0xFFFFD800  }
0x1d1: {  	p0 =	por $0x1, $0x1;
	_ =	swait.ge [sflag:s5], $0x2800  }
0x1d2: {  	s1 =	sadd.s32 $0xFFFFFFFF, s14;
	s0 =	rddreg [dreg:$0x4];
	[sflag:s5] =	ssyncset.done $0x0  }
.LBB2_4:
0x1d3: {  	[sflag:s5] =	ssyncadd.s32 $0xFFFFD800  }
0x1d4: {  	[tilespmem:s2], [sflag:$0x3] =	stream.strided.gather [hbm4b:s0+s28], $0x680, s29, s28, $0x38;
	[tilespmem:$0xFD00] =	vst v63  }
0x1d5: {  	_ =	swait.ge [sflag:s30], $0x680  }
0x1d6: {  	[sflag:s30] =	ssyncset.done $0x0  }
0x1d7: {  	s14 =	rddreg [dreg:$0x5];
	[sflag:s30] =	ssyncadd.s32 $0xFFFFF980  }
0x1d8: {  	[tilespmem:s31], [sflag:$0x3] =	stream.strided.gather [hbm4b:s14+s28], $0x680, s29, s28, $0x38;
	[tilespmem:$0xFD00] =	vst v63  }
0x1d9: {  	_ =	swait.ge [sflag:s30], $0x680  }
0x1da: {  	[sflag:s30] =	ssyncset.done $0x0  }
0x1db: {  	[sflag:s30] =	ssyncadd.s32 $0xFFFFF980  }
0x1dc: {  	[tilespmem:s8], [sflag:$0x1] =	stream.indirect.gather [hbm4b:s3+s11], $0x80, s2, s11, $0xb8;
	[tilespmem:$0xFD00] =	vst v63  }
0x1dd: {  	_ = 	snop  }
0x1de: {  	[tilespmem:s9], [sflag:$0x1] =	stream.indirect.gather [hbm4b:s4+s11], $0x80, s31, s11, $0xb8;
	[tilespmem:$0xFD00] =	vst v63  }
0x1df: {  	s0 =	sld [smem:$0x7E6]  }
0x1e0: {  	[tilespmem:s6], [sflag:$0x1] =	stream.indirect.gather [hbm4b:s3+s11], $0x80, s11, s11, $0xb8;
	[tilespmem:$0xFD00] =	vst v63  }
0x1e1: {  	s14 =	sld [smem:$0x7E7]  }
0x1e2: {  	[tilespmem:s7], [sflag:$0x1] =	stream.indirect.gather [hbm4b:s4+s11], $0x80, s0, s11, $0xb8;
	[tilespmem:$0xFD00] =	vst v63  }
0x1e3: {  	s0 =	sld [smem:$0x7E8]  }
0x1e4: {  	[tilespmem:s12], [sflag:$0x1] =	stream.indirect.gather [hbm4b:s3+s11], $0x80, s14, s11, $0xb8;
	[tilespmem:$0xFD00] =	vst v63  }
0x1e5: {  	_ = 	snop  }
0x1e6: {  	[tilespmem:s13], [sflag:$0x1] =	stream.indirect.gather [hbm4b:s4+s11], $0x80, s0, s11, $0xb8;
	[tilespmem:$0xFD00] =	vst v63  }
0x1e7: {  	_ =	swait.ge [sflag:s10], $0x2800  }
0x1e8: {  	[sflag:s10] =	ssyncset.done $0x0  }
0x1e9: {  	[sflag:s10] =	ssyncadd.s32 $0xFFFFD800  }
0x1ea: {  	_ =	swait.ge [sflag:s10], $0x2800  }
0x1eb: {  	[sflag:s10] =	ssyncset.done $0x0  }
0x1ec: {  	s0 =	rddreg [dreg:$0x6];
	[sflag:s10] =	ssyncadd.s32 $0xFFFFD800  }
0x1ed: {  	[hbm4b:s0+s2] =	stream.linear.scatter [tilespmem:s8], [sflag:$0x2], $0x2800, $0x38;
	[tilespmem:$0xFD00] =	vst v63  }
0x1ee: {  	s14 =	rddreg [dreg:$0x7]  }
0x1ef: {  	[hbm4b:s14+s2] =	stream.linear.scatter [tilespmem:s9], [sflag:$0x2], $0x2800, $0x38;
	[tilespmem:$0xFD00] =	vst v63  }
0x1f0: {  	_ =	swait.ge [sflag:s5], $0x2800  }
0x1f1: {  	[sflag:s5] =	ssyncset.done $0x0  }
0x1f2: {  	[sflag:s5] =	ssyncadd.s32 $0xFFFFD800  }
0x1f3: {  	_ =	swait.ge [sflag:s5], $0x2800  }
0x1f4: {  	s0 =	sld [smem:$0x7E9]  }
0x1f5: {  	[sflag:s5] =	ssyncset.done $0x0  }
0x1f6: {  	s14 =	sld [smem:$0x7EA];
	[sflag:s5] =	ssyncadd.s32 $0xFFFFD800  }
0x1f7: {  	[tilespmem:s8], [sflag:$0x1] =	stream.indirect.gather [hbm4b:s3+s11], $0x80, s0, s11, $0xb8;
	[tilespmem:$0xFD00] =	vst v63  }
0x1f8: {  	_ = 	snop  }
0x1f9: {  	[tilespmem:s9], [sflag:$0x1] =	stream.indirect.gather [hbm4b:s4+s11], $0x80, s14, s11, $0xb8;
	[tilespmem:$0xFD00] =	vst v63  }
0x1fa: {  	_ =	swait.ge [sflag:s10], $0x2800  }
0x1fb: {  	[sflag:s10] =	ssyncset.done $0x0  }
0x1fc: {  	[sflag:s10] =	ssyncadd.s32 $0xFFFFD800  }
0x1fd: {  	_ =	swait.ge [sflag:s10], $0x2800  }
0x1fe: {  	[sflag:s10] =	ssyncset.done $0x0  }
0x1ff: {  	s0 =	rddreg [dreg:$0x8];
	[sflag:s10] =	ssyncadd.s32 $0xFFFFD800  }
0x200: {  	[hbm4b:s0+s2] =	stream.linear.scatter [tilespmem:s6], [sflag:$0x2], $0x2800, $0x38;
	[tilespmem:$0xFD00] =	vst v63  }
0x201: {  	s14 =	rddreg [dreg:$0x9]  }
0x202: {  	[hbm4b:s14+s2] =	stream.linear.scatter [tilespmem:s7], [sflag:$0x2], $0x2800, $0x38;
	[tilespmem:$0xFD00] =	vst v63  }
0x203: {  	_ =	swait.ge [sflag:s5], $0x2800  }
0x204: {  	[sflag:s5] =	ssyncset.done $0x0  }
0x205: {  	[sflag:s5] =	ssyncadd.s32 $0xFFFFD800  }
0x206: {  	_ =	swait.ge [sflag:s5], $0x2800  }
0x207: {  	s0 =	sld [smem:$0x7EB]  }
0x208: {  	[sflag:s5] =	ssyncset.done $0x0  }
0x209: {  	s14 =	sld [smem:$0x7EC];
	[sflag:s5] =	ssyncadd.s32 $0xFFFFD800  }
0x20a: {  	[tilespmem:s6], [sflag:$0x1] =	stream.indirect.gather [hbm4b:s3+s11], $0x80, s0, s11, $0xb8;
	[tilespmem:$0xFD00] =	vst v63  }
0x20b: {  	_ = 	snop  }
0x20c: {  	[tilespmem:s7], [sflag:$0x1] =	stream.indirect.gather [hbm4b:s4+s11], $0x80, s14, s11, $0xb8;
	[tilespmem:$0xFD00] =	vst v63  }
0x20d: {  	_ =	swait.ge [sflag:s10], $0x2800  }
0x20e: {  	[sflag:s10] =	ssyncset.done $0x0  }
0x20f: {  	[sflag:s10] =	ssyncadd.s32 $0xFFFFD800  }
0x210: {  	_ =	swait.ge [sflag:s10], $0x2800  }
0x211: {  	[sflag:s10] =	ssyncset.done $0x0  }
0x212: {  	s0 =	rddreg [dreg:$0xa];
	[sflag:s10] =	ssyncadd.s32 $0xFFFFD800  }
0x213: {  	[hbm4b:s0+s2] =	stream.linear.scatter [tilespmem:s12], [sflag:$0x2], $0x2800, $0x38;
	[tilespmem:$0xFD00] =	vst v63  }
0x214: {  	s14 =	rddreg [dreg:$0xb]  }
0x215: {  	[hbm4b:s14+s2] =	stream.linear.scatter [tilespmem:s13], [sflag:$0x2], $0x2800, $0x38;
	[tilespmem:$0xFD00] =	vst v63  }
0x216: {  	_ =	swait.ge [sflag:s5], $0x2800  }
0x217: {  	[sflag:s5] =	ssyncset.done $0x0  }
0x218: {  	[sflag:s5] =	ssyncadd.s32 $0xFFFFD800  }
0x219: {  	_ =	swait.ge [sflag:s5], $0x2800  }
0x21a: {  	s0 =	sld [smem:$0x7ED]  }
0x21b: {  	[sflag:s5] =	ssyncset.done $0x0  }
0x21c: {  	s14 =	sld [smem:$0x7EE];
	[sflag:s5] =	ssyncadd.s32 $0xFFFFD800  }
0x21d: {  	[tilespmem:s12], [sflag:$0x1] =	stream.indirect.gather [hbm4b:s3+s11], $0x80, s0, s11, $0xb8;
	[tilespmem:$0xFD00] =	vst v63  }
0x21e: {  	_ = 	snop  }
0x21f: {  	[tilespmem:s13], [sflag:$0x1] =	stream.indirect.gather [hbm4b:s4+s11], $0x80, s14, s11, $0xb8;
	[tilespmem:$0xFD00] =	vst v63  }
0x220: {  	_ =	swait.ge [sflag:s10], $0x2800  }
0x221: {  	[sflag:s10] =	ssyncset.done $0x0  }
0x222: {  	[sflag:s10] =	ssyncadd.s32 $0xFFFFD800  }
0x223: {  	_ =	swait.ge [sflag:s10], $0x2800  }
0x224: {  	[sflag:s10] =	ssyncset.done $0x0  }
0x225: {  	s0 =	rddreg [dreg:$0xc];
	[sflag:s10] =	ssyncadd.s32 $0xFFFFD800  }
0x226: {  	[hbm4b:s0+s2] =	stream.linear.scatter [tilespmem:s8], [sflag:$0x2], $0x2800, $0x38;
	[tilespmem:$0xFD00] =	vst v63  }
0x227: {  	s14 =	rddreg [dreg:$0xd]  }
0x228: {  	[hbm4b:s14+s2] =	stream.linear.scatter [tilespmem:s9], [sflag:$0x2], $0x2800, $0x38;
	[tilespmem:$0xFD00] =	vst v63  }
0x229: {  	_ =	swait.ge [sflag:s5], $0x2800  }
0x22a: {  	[sflag:s5] =	ssyncset.done $0x0  }
0x22b: {  	[sflag:s5] =	ssyncadd.s32 $0xFFFFD800  }
0x22c: {  	_ =	swait.ge [sflag:s5], $0x2800  }
0x22d: {  	s0 =	sld [smem:$0x7EF]  }
0x22e: {  	[sflag:s5] =	ssyncset.done $0x0  }
0x22f: {  	s14 =	sld [smem:$0x7F0];
	[sflag:s5] =	ssyncadd.s32 $0xFFFFD800  }
0x230: {  	[tilespmem:s8], [sflag:$0x1] =	stream.indirect.gather [hbm4b:s3+s11], $0x80, s0, s11, $0xb8;
	[tilespmem:$0xFD00] =	vst v63  }
0x231: {  	_ = 	snop  }
0x232: {  	[tilespmem:s9], [sflag:$0x1] =	stream.indirect.gather [hbm4b:s4+s11], $0x80, s14, s11, $0xb8;
	[tilespmem:$0xFD00] =	vst v63  }
0x233: {  	_ =	swait.ge [sflag:s10], $0x2800  }
0x234: {  	[sflag:s10] =	ssyncset.done $0x0  }
0x235: {  	[sflag:s10] =	ssyncadd.s32 $0xFFFFD800  }
0x236: {  	_ =	swait.ge [sflag:s10], $0x2800  }
0x237: {  	[sflag:s10] =	ssyncset.done $0x0  }
0x238: {  	s0 =	rddreg [dreg:$0xe];
	[sflag:s10] =	ssyncadd.s32 $0xFFFFD800  }
0x239: {  	[hbm4b:s0+s2] =	stream.linear.scatter [tilespmem:s6], [sflag:$0x2], $0x2800, $0x38;
	[tilespmem:$0xFD00] =	vst v63  }
0x23a: {  	s14 =	rddreg [dreg:$0xf]  }
0x23b: {  	[hbm4b:s14+s2] =	stream.linear.scatter [tilespmem:s7], [sflag:$0x2], $0x2800, $0x38;
	[tilespmem:$0xFD00] =	vst v63  }
0x23c: {  	_ =	swait.ge [sflag:s5], $0x2800  }
0x23d: {  	[sflag:s5] =	ssyncset.done $0x0  }
0x23e: {  	[sflag:s5] =	ssyncadd.s32 $0xFFFFD800  }
0x23f: {  	_ =	swait.ge [sflag:s5], $0x2800  }
0x240: {  	s0 =	sld [smem:$0x7F1]  }
0x241: {  	[sflag:s5] =	ssyncset.done $0x0  }
0x242: {  	s14 =	sld [smem:$0x7F2];
	[sflag:s5] =	ssyncadd.s32 $0xFFFFD800  }
0x243: {  	[tilespmem:s6], [sflag:$0x1] =	stream.indirect.gather [hbm4b:s3+s11], $0x80, s0, s11, $0xb8;
	[tilespmem:$0xFD00] =	vst v63  }
0x244: {  	_ = 	snop  }
0x245: {  	[tilespmem:s7], [sflag:$0x1] =	stream.indirect.gather [hbm4b:s4+s11], $0x80, s14, s11, $0xb8;
	[tilespmem:$0xFD00] =	vst v63  }
0x246: {  	_ =	swait.ge [sflag:s10], $0x2800  }
0x247: {  	[sflag:s10] =	ssyncset.done $0x0  }
0x248: {  	[sflag:s10] =	ssyncadd.s32 $0xFFFFD800  }
0x249: {  	_ =	swait.ge [sflag:s10], $0x2800  }
0x24a: {  	[sflag:s10] =	ssyncset.done $0x0  }
0x24b: {  	s0 =	rddreg [dreg:$0x10];
	[sflag:s10] =	ssyncadd.s32 $0xFFFFD800  }
0x24c: {  	[hbm4b:s0+s2] =	stream.linear.scatter [tilespmem:s12], [sflag:$0x2], $0x2800, $0x38;
	[tilespmem:$0xFD00] =	vst v63  }
0x24d: {  	s14 =	rddreg [dreg:$0x11]  }
0x24e: {  	[hbm4b:s14+s2] =	stream.linear.scatter [tilespmem:s13], [sflag:$0x2], $0x2800, $0x38;
	[tilespmem:$0xFD00] =	vst v63  }
0x24f: {  	_ =	swait.ge [sflag:s5], $0x2800  }
0x250: {  	[sflag:s5] =	ssyncset.done $0x0  }
0x251: {  	[sflag:s5] =	ssyncadd.s32 $0xFFFFD800  }
0x252: {  	_ =	swait.ge [sflag:s5], $0x2800  }
0x253: {  	s0 =	sld [smem:$0x7F3]  }
0x254: {  	[sflag:s5] =	ssyncset.done $0x0  }
0x255: {  	s14 =	sld [smem:$0x7F4];
	[sflag:s5] =	ssyncadd.s32 $0xFFFFD800  }
0x256: {  	[tilespmem:s12], [sflag:$0x1] =	stream.indirect.gather [hbm4b:s3+s11], $0x80, s0, s11, $0xb8;
	[tilespmem:$0xFD00] =	vst v63  }
0x257: {  	_ = 	snop  }
0x258: {  	[tilespmem:s13], [sflag:$0x1] =	stream.indirect.gather [hbm4b:s4+s11], $0x80, s14, s11, $0xb8;
	[tilespmem:$0xFD00] =	vst v63  }
0x259: {  	_ =	swait.ge [sflag:s10], $0x2800  }
0x25a: {  	[sflag:s10] =	ssyncset.done $0x0  }
0x25b: {  	[sflag:s10] =	ssyncadd.s32 $0xFFFFD800  }
0x25c: {  	_ =	swait.ge [sflag:s10], $0x2800  }
0x25d: {  	[sflag:s10] =	ssyncset.done $0x0  }
0x25e: {  	s0 =	rddreg [dreg:$0x12];
	[sflag:s10] =	ssyncadd.s32 $0xFFFFD800  }
0x25f: {  	[hbm4b:s0+s2] =	stream.linear.scatter [tilespmem:s8], [sflag:$0x2], $0x2800, $0x38;
	[tilespmem:$0xFD00] =	vst v63  }
0x260: {  	s14 =	rddreg [dreg:$0x13]  }
0x261: {  	[hbm4b:s14+s2] =	stream.linear.scatter [tilespmem:s9], [sflag:$0x2], $0x2800, $0x38;
	[tilespmem:$0xFD00] =	vst v63  }
0x262: {  	_ =	swait.ge [sflag:s5], $0x2800  }
0x263: {  	[sflag:s5] =	ssyncset.done $0x0  }
0x264: {  	[sflag:s5] =	ssyncadd.s32 $0xFFFFD800  }
0x265: {  	_ =	swait.ge [sflag:s5], $0x2800  }
0x266: {  	s0 =	sld [smem:$0x7F5]  }
0x267: {  	[sflag:s5] =	ssyncset.done $0x0  }
0x268: {  	s14 =	sld [smem:$0x7F6];
	[sflag:s5] =	ssyncadd.s32 $0xFFFFD800  }
0x269: {  	[tilespmem:s8], [sflag:$0x1] =	stream.indirect.gather [hbm4b:s3+s11], $0x80, s0, s11, $0xb8;
	[tilespmem:$0xFD00] =	vst v63  }
0x26a: {  	_ = 	snop  }
0x26b: {  	[tilespmem:s9], [sflag:$0x1] =	stream.indirect.gather [hbm4b:s4+s11], $0x80, s14, s11, $0xb8;
	[tilespmem:$0xFD00] =	vst v63  }
0x26c: {  	_ =	swait.ge [sflag:s10], $0x2800  }
0x26d: {  	[sflag:s10] =	ssyncset.done $0x0  }
0x26e: {  	[sflag:s10] =	ssyncadd.s32 $0xFFFFD800  }
0x26f: {  	_ =	swait.ge [sflag:s10], $0x2800  }
0x270: {  	[sflag:s10] =	ssyncset.done $0x0  }
0x271: {  	s0 =	rddreg [dreg:$0x14];
	[sflag:s10] =	ssyncadd.s32 $0xFFFFD800  }
0x272: {  	[hbm4b:s0+s2] =	stream.linear.scatter [tilespmem:s6], [sflag:$0x2], $0x2800, $0x38;
	[tilespmem:$0xFD00] =	vst v63  }
0x273: {  	s14 =	rddreg [dreg:$0x15]  }
0x274: {  	[hbm4b:s14+s2] =	stream.linear.scatter [tilespmem:s7], [sflag:$0x2], $0x2800, $0x38;
	[tilespmem:$0xFD00] =	vst v63  }
0x275: {  	_ =	swait.ge [sflag:s5], $0x2800  }
0x276: {  	[sflag:s5] =	ssyncset.done $0x0  }
0x277: {  	[sflag:s5] =	ssyncadd.s32 $0xFFFFD800  }
0x278: {  	_ =	swait.ge [sflag:s5], $0x2800  }
0x279: {  	s0 =	sld [smem:$0x7F7]  }
0x27a: {  	[sflag:s5] =	ssyncset.done $0x0  }
0x27b: {  	s14 =	sld [smem:$0x7F8];
	[sflag:s5] =	ssyncadd.s32 $0xFFFFD800  }
0x27c: {  	[tilespmem:s6], [sflag:$0x1] =	stream.indirect.gather [hbm4b:s3+s11], $0x80, s0, s11, $0xb8;
	[tilespmem:$0xFD00] =	vst v63  }
0x27d: {  	_ = 	snop  }
0x27e: {  	[tilespmem:s7], [sflag:$0x1] =	stream.indirect.gather [hbm4b:s4+s11], $0x80, s14, s11, $0xb8;
	[tilespmem:$0xFD00] =	vst v63  }
0x27f: {  	_ =	swait.ge [sflag:s10], $0x2800  }
0x280: {  	[sflag:s10] =	ssyncset.done $0x0  }
0x281: {  	[sflag:s10] =	ssyncadd.s32 $0xFFFFD800  }
0x282: {  	_ =	swait.ge [sflag:s10], $0x2800  }
0x283: {  	[sflag:s10] =	ssyncset.done $0x0  }
0x284: {  	s0 =	rddreg [dreg:$0x16];
	[sflag:s10] =	ssyncadd.s32 $0xFFFFD800  }
0x285: {  	[hbm4b:s0+s2] =	stream.linear.scatter [tilespmem:s12], [sflag:$0x2], $0x2800, $0x38;
	[tilespmem:$0xFD00] =	vst v63  }
0x286: {  	s14 =	rddreg [dreg:$0x17]  }
0x287: {  	[hbm4b:s14+s2] =	stream.linear.scatter [tilespmem:s13], [sflag:$0x2], $0x2800, $0x38;
	[tilespmem:$0xFD00] =	vst v63  }
0x288: {  	_ =	swait.ge [sflag:s5], $0x2800  }
0x289: {  	[sflag:s5] =	ssyncset.done $0x0  }
0x28a: {  	[sflag:s5] =	ssyncadd.s32 $0xFFFFD800  }
0x28b: {  	_ =	swait.ge [sflag:s5], $0x2800  }
0x28c: {  	s0 =	sld [smem:$0x7F9]  }
0x28d: {  	[sflag:s5] =	ssyncset.done $0x0  }
0x28e: {  	s14 =	sld [smem:$0x7FA];
	[sflag:s5] =	ssyncadd.s32 $0xFFFFD800  }
0x28f: {  	[tilespmem:s12], [sflag:$0x1] =	stream.indirect.gather [hbm4b:s3+s11], $0x80, s0, s11, $0xb8;
	[tilespmem:$0xFD00] =	vst v63  }
0x290: {  	_ = 	snop  }
0x291: {  	[tilespmem:s13], [sflag:$0x1] =	stream.indirect.gather [hbm4b:s4+s11], $0x80, s14, s11, $0xb8;
	[tilespmem:$0xFD00] =	vst v63  }
0x292: {  	_ =	swait.ge [sflag:s10], $0x2800  }
0x293: {  	[sflag:s10] =	ssyncset.done $0x0  }
0x294: {  	[sflag:s10] =	ssyncadd.s32 $0xFFFFD800  }
0x295: {  	_ =	swait.ge [sflag:s10], $0x2800  }
0x296: {  	[sflag:s10] =	ssyncset.done $0x0  }
0x297: {  	s0 =	rddreg [dreg:$0x18];
	[sflag:s10] =	ssyncadd.s32 $0xFFFFD800  }
0x298: {  	[hbm4b:s0+s2] =	stream.linear.scatter [tilespmem:s8], [sflag:$0x2], $0x2800, $0x38;
	[tilespmem:$0xFD00] =	vst v63  }
0x299: {  	s14 =	rddreg [dreg:$0x19]  }
0x29a: {  	[hbm4b:s14+s2] =	stream.linear.scatter [tilespmem:s9], [sflag:$0x2], $0x2800, $0x38;
	[tilespmem:$0xFD00] =	vst v63  }
0x29b: {  	_ =	swait.ge [sflag:s5], $0x2800  }
0x29c: {  	[sflag:s5] =	ssyncset.done $0x0  }
0x29d: {  	[sflag:s5] =	ssyncadd.s32 $0xFFFFD800  }
0x29e: {  	_ =	swait.ge [sflag:s5], $0x2800  }
0x29f: {  	s0 =	sld [smem:$0x7FB]  }
0x2a0: {  	[sflag:s5] =	ssyncset.done $0x0  }
0x2a1: {  	s14 =	sld [smem:$0x7FC];
	[sflag:s5] =	ssyncadd.s32 $0xFFFFD800  }
0x2a2: {  	[tilespmem:s8], [sflag:$0x1] =	stream.indirect.gather [hbm4b:s3+s11], $0x80, s0, s11, $0xb8;
	[tilespmem:$0xFD00] =	vst v63  }
0x2a3: {  	_ = 	snop  }
0x2a4: {  	[tilespmem:s9], [sflag:$0x1] =	stream.indirect.gather [hbm4b:s4+s11], $0x80, s14, s11, $0xb8;
	[tilespmem:$0xFD00] =	vst v63  }
0x2a5: {  	_ =	swait.ge [sflag:s10], $0x2800  }
0x2a6: {  	[sflag:s10] =	ssyncset.done $0x0  }
0x2a7: {  	[sflag:s10] =	ssyncadd.s32 $0xFFFFD800  }
0x2a8: {  	_ =	swait.ge [sflag:s10], $0x2800  }
0x2a9: {  	[sflag:s10] =	ssyncset.done $0x0  }
0x2aa: {  	s0 =	rddreg [dreg:$0x1a];
	[sflag:s10] =	ssyncadd.s32 $0xFFFFD800  }
0x2ab: {  	[hbm4b:s0+s2] =	stream.linear.scatter [tilespmem:s6], [sflag:$0x2], $0x2800, $0x38;
	[tilespmem:$0xFD00] =	vst v63  }
0x2ac: {  	s14 =	rddreg [dreg:$0x1b]  }
0x2ad: {  	[hbm4b:s14+s2] =	stream.linear.scatter [tilespmem:s7], [sflag:$0x2], $0x2800, $0x38;
	[tilespmem:$0xFD00] =	vst v63  }
0x2ae: {  	_ =	swait.ge [sflag:s5], $0x2800  }
0x2af: {  	[sflag:s5] =	ssyncset.done $0x0  }
0x2b0: {  	[sflag:s5] =	ssyncadd.s32 $0xFFFFD800  }
0x2b1: {  	_ =	swait.ge [sflag:s5], $0x2800  }
0x2b2: {  	s14 =	sld [smem:$0x7FD]  }
0x2b3: {  	[sflag:s5] =	ssyncset.done $0x0  }
0x2b4: {  	[sflag:s5] =	ssyncadd.s32 $0xFFFFD800  }
0x2b5: {  	[tilespmem:s6], [sflag:$0x1] =	stream.indirect.gather [hbm4b:s3+s11], $0x80, s14, s11, $0xb8;
	[tilespmem:$0xFD00] =	vst v63  }
0x2b6: {  	_ = 	snop  }
0x2b7: {  	[tilespmem:s7], [sflag:$0x1] =	stream.indirect.gather [hbm4b:s4+s11], $0x80, s21, s11, $0xb8;
	[tilespmem:$0xFD00] =	vst v63  }
0x2b8: {  	_ =	swait.ge [sflag:s10], $0x2800  }
0x2b9: {  	[sflag:s10] =	ssyncset.done $0x0  }
0x2ba: {  	[sflag:s10] =	ssyncadd.s32 $0xFFFFD800  }
0x2bb: {  	_ =	swait.ge [sflag:s10], $0x2800  }
0x2bc: {  	[sflag:s10] =	ssyncset.done $0x0  }
0x2bd: {  	s0 =	rddreg [dreg:$0x1c];
	[sflag:s10] =	ssyncadd.s32 $0xFFFFD800  }
0x2be: {  	[hbm4b:s0+s2] =	stream.linear.scatter [tilespmem:s12], [sflag:$0x2], $0x2800, $0x38;
	[tilespmem:$0xFD00] =	vst v63  }
0x2bf: {  	s14 =	rddreg [dreg:$0x1d]  }
0x2c0: {  	[hbm4b:s14+s2] =	stream.linear.scatter [tilespmem:s13], [sflag:$0x2], $0x2800, $0x38;
	[tilespmem:$0xFD00] =	vst v63  }
0x2c1: {  	_ =	swait.ge [sflag:s5], $0x2800  }
0x2c2: {  	[sflag:s5] =	ssyncset.done $0x0  }
0x2c3: {  	[sflag:s5] =	ssyncadd.s32 $0xFFFFD800  }
0x2c4: {  	_ =	swait.ge [sflag:s5], $0x2800  }
0x2c5: {  	[sflag:s5] =	ssyncset.done $0x0  }
0x2c6: {  	[sflag:s5] =	ssyncadd.s32 $0xFFFFD800  }
0x2c7: {  	[tilespmem:s12], [sflag:$0x1] =	stream.indirect.gather [hbm4b:s3+s11], $0x80, s25, s11, $0xb8;
	[tilespmem:$0xFD00] =	vst v63  }
0x2c8: {  	_ = 	snop  }
0x2c9: {  	[tilespmem:s13], [sflag:$0x1] =	stream.indirect.gather [hbm4b:s4+s11], $0x80, s26, s11, $0xb8;
	[tilespmem:$0xFD00] =	vst v63  }
0x2ca: {  	_ =	swait.ge [sflag:s10], $0x2800  }
0x2cb: {  	[sflag:s10] =	ssyncset.done $0x0  }
0x2cc: {  	[sflag:s10] =	ssyncadd.s32 $0xFFFFD800  }
0x2cd: {  	_ =	swait.ge [sflag:s10], $0x2800  }
0x2ce: {  	[sflag:s10] =	ssyncset.done $0x0  }
0x2cf: {  	s0 =	rddreg [dreg:$0x1e];
	[sflag:s10] =	ssyncadd.s32 $0xFFFFD800  }
0x2d0: {  	[hbm4b:s0+s2] =	stream.linear.scatter [tilespmem:s8], [sflag:$0x2], $0x2800, $0x38;
	[tilespmem:$0xFD00] =	vst v63  }
0x2d1: {  	s14 =	rddreg [dreg:$0x1f]  }
0x2d2: {  	[hbm4b:s14+s2] =	stream.linear.scatter [tilespmem:s9], [sflag:$0x2], $0x2800, $0x38;
	[tilespmem:$0xFD00] =	vst v63  }
0x2d3: {  	_ =	swait.ge [sflag:s5], $0x2800  }
0x2d4: {  	[sflag:s5] =	ssyncset.done $0x0  }
0x2d5: {  	[sflag:s5] =	ssyncadd.s32 $0xFFFFD800  }
0x2d6: {  	_ =	swait.ge [sflag:s5], $0x2800  }
0x2d7: {  	[sflag:s5] =	ssyncset.done $0x0  }
0x2d8: {  	[sflag:s5] =	ssyncadd.s32 $0xFFFFD800  }
0x2d9: {  	[tilespmem:s8], [sflag:$0x1] =	stream.indirect.gather [hbm4b:s3+s11], $0x80, s23, s11, $0xb8;
	[tilespmem:$0xFD00] =	vst v63  }
0x2da: {  	_ = 	snop  }
0x2db: {  	[tilespmem:s9], [sflag:$0x1] =	stream.indirect.gather [hbm4b:s4+s11], $0x80, s24, s11, $0xb8;
	[tilespmem:$0xFD00] =	vst v63  }
0x2dc: {  	_ =	swait.ge [sflag:s10], $0x2800  }
0x2dd: {  	[sflag:s10] =	ssyncset.done $0x0  }
0x2de: {  	[sflag:s10] =	ssyncadd.s32 $0xFFFFD800  }
0x2df: {  	_ =	swait.ge [sflag:s10], $0x2800  }
0x2e0: {  	s0 =	sld [smem:$0x7D8]  }
0x2e1: {  	[sflag:s10] =	ssyncset.done $0x0  }
0x2e2: {  	s14 =	sld [smem:$0x7D9];
	[sflag:s10] =	ssyncadd.s32 $0xFFFFD800  }
0x2e3: {  	[hbm4b:s0+s2] =	stream.linear.scatter [tilespmem:s6], [sflag:$0x2], $0x2800, $0x38;
	[tilespmem:$0xFD00] =	vst v63  }
0x2e4: {  	_ = 	snop  }
0x2e5: {  	[hbm4b:s14+s2] =	stream.linear.scatter [tilespmem:s7], [sflag:$0x2], $0x2800, $0x38;
	[tilespmem:$0xFD00] =	vst v63  }
0x2e6: {  	_ =	swait.ge [sflag:s5], $0x2800  }
0x2e7: {  	[sflag:s5] =	ssyncset.done $0x0  }
0x2e8: {  	[sflag:s5] =	ssyncadd.s32 $0xFFFFD800  }
0x2e9: {  	_ =	swait.ge [sflag:s5], $0x2800  }
0x2ea: {  	[sflag:s5] =	ssyncset.done $0x0  }
0x2eb: {  	s14 =	simm.s32 $0x500;
	[sflag:s5] =	ssyncadd.s32 $0xFFFFD800  }
0x2ec: {  	[tilespmem:s6], [sflag:$0x1] =	stream.indirect.gather [hbm4b:s3+s11], $0x80, s14, s11, $0xb8;
	[tilespmem:$0xFD00] =	vst v63  }
0x2ed: {  	_ = 	snop  }
0x2ee: {  	[tilespmem:s7], [sflag:$0x1] =	stream.indirect.gather [hbm4b:s4+s11], $0x80, s22, s11, $0xb8;
	[tilespmem:$0xFD00] =	vst v63  }
0x2ef: {  	_ =	swait.ge [sflag:s10], $0x2800  }
0x2f0: {  	[sflag:s10] =	ssyncset.done $0x0  }
0x2f1: {  	[sflag:s10] =	ssyncadd.s32 $0xFFFFD800  }
0x2f2: {  	_ =	swait.ge [sflag:s10], $0x2800  }
0x2f3: {  	s0 =	sld [smem:$0x7DA]  }
0x2f4: {  	[sflag:s10] =	ssyncset.done $0x0  }
0x2f5: {  	s14 =	sld [smem:$0x7DB];
	[sflag:s10] =	ssyncadd.s32 $0xFFFFD800  }
0x2f6: {  	[hbm4b:s0+s2] =	stream.linear.scatter [tilespmem:s12], [sflag:$0x2], $0x2800, $0x38;
	[tilespmem:$0xFD00] =	vst v63  }
0x2f7: {  	_ = 	snop  }
0x2f8: {  	[hbm4b:s14+s2] =	stream.linear.scatter [tilespmem:s13], [sflag:$0x2], $0x2800, $0x38;
	[tilespmem:$0xFD00] =	vst v63  }
0x2f9: {  	_ =	swait.ge [sflag:s5], $0x2800  }
0x2fa: {  	[sflag:s5] =	ssyncset.done $0x0  }
0x2fb: {  	[sflag:s5] =	ssyncadd.s32 $0xFFFFD800  }
0x2fc: {  	_ =	swait.ge [sflag:s5], $0x2800  }
0x2fd: {  	[sflag:s5] =	ssyncset.done $0x0  }
0x2fe: {  	[sflag:s5] =	ssyncadd.s32 $0xFFFFD800  }
0x2ff: {  	[tilespmem:s12], [sflag:$0x1] =	stream.indirect.gather [hbm4b:s3+s11], $0x80, s19, s11, $0xb8;
	[tilespmem:$0xFD00] =	vst v63  }
0x300: {  	_ = 	snop  }
0x301: {  	[tilespmem:s13], [sflag:$0x1] =	stream.indirect.gather [hbm4b:s4+s11], $0x80, s20, s11, $0xb8;
	[tilespmem:$0xFD00] =	vst v63  }
0x302: {  	_ =	swait.ge [sflag:s10], $0x2800  }
0x303: {  	[sflag:s10] =	ssyncset.done $0x0  }
0x304: {  	[sflag:s10] =	ssyncadd.s32 $0xFFFFD800  }
0x305: {  	_ =	swait.ge [sflag:s10], $0x2800  }
0x306: {  	s0 =	sld [smem:$0x7DC]  }
0x307: {  	[sflag:s10] =	ssyncset.done $0x0  }
0x308: {  	s14 =	sld [smem:$0x7DD];
	[sflag:s10] =	ssyncadd.s32 $0xFFFFD800  }
0x309: {  	[hbm4b:s0+s2] =	stream.linear.scatter [tilespmem:s8], [sflag:$0x2], $0x2800, $0x38;
	[tilespmem:$0xFD00] =	vst v63  }
0x30a: {  	_ = 	snop  }
0x30b: {  	[hbm4b:s14+s2] =	stream.linear.scatter [tilespmem:s9], [sflag:$0x2], $0x2800, $0x38;
	[tilespmem:$0xFD00] =	vst v63  }
0x30c: {  	_ =	swait.ge [sflag:s5], $0x2800  }
0x30d: {  	[sflag:s5] =	ssyncset.done $0x0  }
0x30e: {  	[sflag:s5] =	ssyncadd.s32 $0xFFFFD800  }
0x30f: {  	_ =	swait.ge [sflag:s5], $0x2800  }
0x310: {  	[sflag:s5] =	ssyncset.done $0x0  }
0x311: {  	[sflag:s5] =	ssyncadd.s32 $0xFFFFD800  }
0x312: {  	[tilespmem:s8], [sflag:$0x1] =	stream.indirect.gather [hbm4b:s3+s11], $0x80, s17, s11, $0xb8;
	[tilespmem:$0xFD00] =	vst v63  }
0x313: {  	_ = 	snop  }
0x314: {  	[tilespmem:s9], [sflag:$0x1] =	stream.indirect.gather [hbm4b:s4+s11], $0x80, s18, s11, $0xb8;
	[tilespmem:$0xFD00] =	vst v63  }
0x315: {  	_ =	swait.ge [sflag:s10], $0x2800  }
0x316: {  	[sflag:s10] =	ssyncset.done $0x0  }
0x317: {  	[sflag:s10] =	ssyncadd.s32 $0xFFFFD800  }
0x318: {  	_ =	swait.ge [sflag:s10], $0x2800  }
0x319: {  	s0 =	sld [smem:$0x7DE]  }
0x31a: {  	[sflag:s10] =	ssyncset.done $0x0  }
0x31b: {  	s14 =	sld [smem:$0x7DF];
	[sflag:s10] =	ssyncadd.s32 $0xFFFFD800  }
0x31c: {  	[hbm4b:s0+s2] =	stream.linear.scatter [tilespmem:s6], [sflag:$0x2], $0x2800, $0x38;
	[tilespmem:$0xFD00] =	vst v63  }
0x31d: {  	_ = 	snop  }
0x31e: {  	[hbm4b:s14+s2] =	stream.linear.scatter [tilespmem:s7], [sflag:$0x2], $0x2800, $0x38;
	[tilespmem:$0xFD00] =	vst v63  }
0x31f: {  	_ =	swait.ge [sflag:s5], $0x2800  }
0x320: {  	[sflag:s5] =	ssyncset.done $0x0  }
0x321: {  	[sflag:s5] =	ssyncadd.s32 $0xFFFFD800  }
0x322: {  	_ =	swait.ge [sflag:s5], $0x2800  }
0x323: {  	[sflag:s5] =	ssyncset.done $0x0  }
0x324: {  	[sflag:s5] =	ssyncadd.s32 $0xFFFFD800  }
0x325: {  	[tilespmem:s6], [sflag:$0x1] =	stream.indirect.gather [hbm4b:s3+s11], $0x80, s15, s11, $0xb8;
	[tilespmem:$0xFD00] =	vst v63  }
0x326: {  	_ = 	snop  }
0x327: {  	[tilespmem:s7], [sflag:$0x1] =	stream.indirect.gather [hbm4b:s4+s11], $0x80, s16, s11, $0xb8;
	[tilespmem:$0xFD00] =	vst v63  }
0x328: {  	_ =	swait.ge [sflag:s10], $0x2800  }
0x329: {  	[sflag:s10] =	ssyncset.done $0x0  }
0x32a: {  	[sflag:s10] =	ssyncadd.s32 $0xFFFFD800  }
0x32b: {  	_ =	swait.ge [sflag:s10], $0x2800  }
0x32c: {  	s0 =	sld [smem:$0x7E0]  }
0x32d: {  	[sflag:s10] =	ssyncset.done $0x0  }
0x32e: {  	s14 =	sld [smem:$0x7E1];
	[sflag:s10] =	ssyncadd.s32 $0xFFFFD800  }
0x32f: {  	[hbm4b:s0+s2] =	stream.linear.scatter [tilespmem:s12], [sflag:$0x2], $0x2800, $0x38;
	[tilespmem:$0xFD00] =	vst v63  }
0x330: {  	_ = 	snop  }
0x331: {  	[hbm4b:s14+s2] =	stream.linear.scatter [tilespmem:s13], [sflag:$0x2], $0x2800, $0x38;
	[tilespmem:$0xFD00] =	vst v63  }
0x332: {  	_ =	swait.ge [sflag:s10], $0x2800  }
0x333: {  	[sflag:s10] =	ssyncset.done $0x0  }
0x334: {  	[sflag:s10] =	ssyncadd.s32 $0xFFFFD800  }
0x335: {  	_ =	swait.ge [sflag:s10], $0x2800  }
0x336: {  	s0 =	sld [smem:$0x7E2]  }
0x337: {  	[sflag:s10] =	ssyncset.done $0x0  }
0x338: {  	s14 =	sld [smem:$0x7E3];
	[sflag:s10] =	ssyncadd.s32 $0xFFFFD800  }
0x339: {  	[hbm4b:s0+s2] =	stream.linear.scatter [tilespmem:s8], [sflag:$0x2], $0x2800, $0x38;
	[tilespmem:$0xFD00] =	vst v63  }
0x33a: {  	_ = 	snop  }
0x33b: {  	[hbm4b:s14+s2] =	stream.linear.scatter [tilespmem:s9], [sflag:$0x2], $0x2800, $0x38;
	[tilespmem:$0xFD00] =	vst v63  }
0x33c: {  	_ =	swait.ge [sflag:s10], $0x2800  }
0x33d: {  	[sflag:s10] =	ssyncset.done $0x0  }
0x33e: {  	[sflag:s10] =	ssyncadd.s32 $0xFFFFD800  }
0x33f: {  	_ =	swait.ge [sflag:s10], $0x2800  }
0x340: {  	s0 =	sld [smem:$0x7E4]  }
0x341: {  	[sflag:s10] =	ssyncset.done $0x0  }
0x342: {  	s14 =	sld [smem:$0x7E5];
	[sflag:s10] =	ssyncadd.s32 $0xFFFFD800  }
0x343: {  	[hbm4b:s0+s2] =	stream.linear.scatter [tilespmem:s6], [sflag:$0x2], $0x2800, $0x38;
	[tilespmem:$0xFD00] =	vst v63  }
0x344: {  	_ = 	snop  }
0x345: {  	[hbm4b:s14+s2] =	stream.linear.scatter [tilespmem:s7], [sflag:$0x2], $0x2800, $0x38;
	[tilespmem:$0xFD00] =	vst v63  }
0x346: {  	_ =	swait.ge [sflag:s5], $0x2800  }
0x347: {  	[sflag:s5] =	ssyncset.done $0x0  }
0x348: {  	[sflag:s5] =	ssyncadd.s32 $0xFFFFD800  }
0x349: {  	_ =	swait.ge [sflag:s5], $0x2800  }
0x34a: {  	[sflag:s5] =	ssyncset.done $0x0  }
0x34b: {  	[sflag:s5] =	ssyncadd.s32 $0xFFFFD800  }
0x34c: {  	_ =	swait.ge [sflag:s5], $0x2800  }
0x34d: {  	[sflag:s5] =	ssyncset.done $0x0  }
0x34e: {  	[sflag:s5] =	ssyncadd.s32 $0xFFFFD800  }
0x34f: {  	_ =	swait.ge [sflag:s5], $0x2800  }
0x350: {  	[sflag:s5] =	ssyncset.done $0x0  }
0x351: {  	p1 =	sne.s32 s1, $0x1;
	[sflag:s5] =	ssyncadd.s32 $0xFFFFD800  }
.Ltmp2:
0x352: {  	_ =	swait.ge [sflag:s5], $0x2800;
	(pc) =	sbr.rel @p1 .LBB2_4-.Ltmp2, $4  }
0x353: {  	[sflag:s5] =	ssyncset.done $0x0  }
0x354: {  	[sflag:s5] =	ssyncadd.s32 $0xFFFFD800  }
0x355: {  	_ =	swait.ge [sflag:s5], $0x2800  }
0x356: {  	s1 =	sadd.s32 $0xFFFFFFFF, s1;
	s0 =	rddreg [dreg:$0x4];
	[sflag:s5] =	ssyncset.done $0x0  }
0x357: {  	s16 =	simm.s32 $0xA90  }
0x358: {  	s26 =	simm.s32 $0xAE0;
	s25 =	simm.s32 $0x460;
	s24 =	simm.s32 $0xB30  }
0x359: {  	s23 =	simm.s32 $0x4B0;
	s22 =	simm.s32 $0xB80;
	s21 =	simm.s32 $0x500  }
0x35a: {  	s20 =	simm.s32 $0xBD0;
	s19 =	simm.s32 $0x550;
	s18 =	simm.s32 $0xC20  }
0x35b: {  	s17 =	simm.s32 $0x5A0;
	s15 =	simm.s32 $0x5F0;
	s14 =	stileid.u32  }
.LBB2_6:
0x35c: {  	[sflag:s5] =	ssyncadd.s32 @p0 $0xFFFFD800  }
0x35d: {  	[tilespmem:s2], [sflag:$0x3] =	stream.strided.gather [hbm4b:s0+s28], $0x680, s29, s28, $0x38;
	[tilespmem:$0xFD00] =	vst v63  }
0x35e: {  	_ =	swait.ge [sflag:s30], $0x680  }
0x35f: {  	[sflag:s30] =	ssyncset.done $0x0  }
0x360: {  	s1 =	rddreg [dreg:$0x5];
	[sflag:s30] =	ssyncadd.s32 $0xFFFFF980  }
0x361: {  	[tilespmem:s31], [sflag:$0x3] =	stream.strided.gather [hbm4b:s1+s28], $0x680, s29, s28, $0x38;
	[tilespmem:$0xFD00] =	vst v63  }
0x362: {  	_ =	swait.ge [sflag:s30], $0x680  }
0x363: {  	[sflag:s30] =	ssyncset.done $0x0  }
0x364: {  	[sflag:s30] =	ssyncadd.s32 $0xFFFFF980  }
0x365: {  	[tilespmem:s8], [sflag:$0x1] =	stream.indirect.gather [hbm4b:s3+s11], $0x80, s2, s11, $0xb8;
	[tilespmem:$0xFD00] =	vst v63  }
0x366: {  	_ = 	snop  }
0x367: {  	[tilespmem:s9], [sflag:$0x1] =	stream.indirect.gather [hbm4b:s4+s11], $0x80, s31, s11, $0xb8;
	[tilespmem:$0xFD00] =	vst v63  }
0x368: {  	s28 =	sld [smem:$0x7E6]  }
0x369: {  	[tilespmem:s6], [sflag:$0x1] =	stream.indirect.gather [hbm4b:s3+s11], $0x80, s11, s11, $0xb8;
	[tilespmem:$0xFD00] =	vst v63  }
0x36a: {  	s1 =	sld [smem:$0x7E7]  }
0x36b: {  	[tilespmem:s7], [sflag:$0x1] =	stream.indirect.gather [hbm4b:s4+s11], $0x80, s28, s11, $0xb8;
	[tilespmem:$0xFD00] =	vst v63  }
0x36c: {  	s29 =	sld [smem:$0x7E8]  }
0x36d: {  	[tilespmem:s12], [sflag:$0x1] =	stream.indirect.gather [hbm4b:s3+s11], $0x80, s1, s11, $0xb8;
	[tilespmem:$0xFD00] =	vst v63  }
0x36e: {  	_ = 	snop  }
0x36f: {  	[tilespmem:s13], [sflag:$0x1] =	stream.indirect.gather [hbm4b:s4+s11], $0x80, s29, s11, $0xb8;
	[tilespmem:$0xFD00] =	vst v63  }
0x370: {  	_ =	swait.ge [sflag:s10], $0x2800  }
0x371: {  	[sflag:s10] =	ssyncset.done $0x0  }
0x372: {  	[sflag:s10] =	ssyncadd.s32 $0xFFFFD800  }
0x373: {  	_ =	swait.ge [sflag:s10], $0x2800  }
0x374: {  	[sflag:s10] =	ssyncset.done $0x0  }
0x375: {  	s30 =	rddreg [dreg:$0x6];
	[sflag:s10] =	ssyncadd.s32 $0xFFFFD800  }
0x376: {  	[hbm4b:s30+s2] =	stream.linear.scatter [tilespmem:s8], [sflag:$0x2], $0x2800, $0x38;
	[tilespmem:$0xFD00] =	vst v63  }
0x377: {  	s31 =	rddreg [dreg:$0x7]  }
0x378: {  	[hbm4b:s31+s2] =	stream.linear.scatter [tilespmem:s9], [sflag:$0x2], $0x2800, $0x38;
	[tilespmem:$0xFD00] =	vst v63  }
0x379: {  	_ =	swait.ge [sflag:s5], $0x2800  }
0x37a: {  	[sflag:s5] =	ssyncset.done $0x0  }
0x37b: {  	[sflag:s5] =	ssyncadd.s32 $0xFFFFD800  }
0x37c: {  	_ =	swait.ge [sflag:s5], $0x2800  }
0x37d: {  	s28 =	sld [smem:$0x7E9]  }
0x37e: {  	[sflag:s5] =	ssyncset.done $0x0  }
0x37f: {  	s29 =	sld [smem:$0x7EA];
	[sflag:s5] =	ssyncadd.s32 $0xFFFFD800  }
0x380: {  	[tilespmem:s8], [sflag:$0x1] =	stream.indirect.gather [hbm4b:s3+s11], $0x80, s28, s11, $0xb8;
	[tilespmem:$0xFD00] =	vst v63  }
0x381: {  	_ = 	snop  }
0x382: {  	[tilespmem:s9], [sflag:$0x1] =	stream.indirect.gather [hbm4b:s4+s11], $0x80, s29, s11, $0xb8;
	[tilespmem:$0xFD00] =	vst v63  }
0x383: {  	_ =	swait.ge [sflag:s10], $0x2800  }
0x384: {  	[sflag:s10] =	ssyncset.done $0x0  }
0x385: {  	[sflag:s10] =	ssyncadd.s32 $0xFFFFD800  }
0x386: {  	_ =	swait.ge [sflag:s10], $0x2800  }
0x387: {  	[sflag:s10] =	ssyncset.done $0x0  }
0x388: {  	s30 =	rddreg [dreg:$0x8];
	[sflag:s10] =	ssyncadd.s32 $0xFFFFD800  }
0x389: {  	[hbm4b:s30+s2] =	stream.linear.scatter [tilespmem:s6], [sflag:$0x2], $0x2800, $0x38;
	[tilespmem:$0xFD00] =	vst v63  }
0x38a: {  	s31 =	rddreg [dreg:$0x9]  }
0x38b: {  	[hbm4b:s31+s2] =	stream.linear.scatter [tilespmem:s7], [sflag:$0x2], $0x2800, $0x38;
	[tilespmem:$0xFD00] =	vst v63  }
0x38c: {  	_ =	swait.ge [sflag:s5], $0x2800  }
0x38d: {  	[sflag:s5] =	ssyncset.done $0x0  }
0x38e: {  	[sflag:s5] =	ssyncadd.s32 $0xFFFFD800  }
0x38f: {  	_ =	swait.ge [sflag:s5], $0x2800  }
0x390: {  	s28 =	sld [smem:$0x7EB]  }
0x391: {  	[sflag:s5] =	ssyncset.done $0x0  }
0x392: {  	s29 =	sld [smem:$0x7EC];
	[sflag:s5] =	ssyncadd.s32 $0xFFFFD800  }
0x393: {  	[tilespmem:s6], [sflag:$0x1] =	stream.indirect.gather [hbm4b:s3+s11], $0x80, s28, s11, $0xb8;
	[tilespmem:$0xFD00] =	vst v63  }
0x394: {  	_ = 	snop  }
0x395: {  	[tilespmem:s7], [sflag:$0x1] =	stream.indirect.gather [hbm4b:s4+s11], $0x80, s29, s11, $0xb8;
	[tilespmem:$0xFD00] =	vst v63  }
0x396: {  	_ =	swait.ge [sflag:s10], $0x2800  }
0x397: {  	[sflag:s10] =	ssyncset.done $0x0  }
0x398: {  	[sflag:s10] =	ssyncadd.s32 $0xFFFFD800  }
0x399: {  	_ =	swait.ge [sflag:s10], $0x2800  }
0x39a: {  	[sflag:s10] =	ssyncset.done $0x0  }
0x39b: {  	s30 =	rddreg [dreg:$0xa];
	[sflag:s10] =	ssyncadd.s32 $0xFFFFD800  }
0x39c: {  	[hbm4b:s30+s2] =	stream.linear.scatter [tilespmem:s12], [sflag:$0x2], $0x2800, $0x38;
	[tilespmem:$0xFD00] =	vst v63  }
0x39d: {  	s31 =	rddreg [dreg:$0xb]  }
0x39e: {  	[hbm4b:s31+s2] =	stream.linear.scatter [tilespmem:s13], [sflag:$0x2], $0x2800, $0x38;
	[tilespmem:$0xFD00] =	vst v63  }
0x39f: {  	_ =	swait.ge [sflag:s5], $0x2800  }
0x3a0: {  	[sflag:s5] =	ssyncset.done $0x0  }
0x3a1: {  	[sflag:s5] =	ssyncadd.s32 $0xFFFFD800  }
0x3a2: {  	_ =	swait.ge [sflag:s5], $0x2800  }
0x3a3: {  	s28 =	sld [smem:$0x7ED]  }
0x3a4: {  	[sflag:s5] =	ssyncset.done $0x0  }
0x3a5: {  	s29 =	sld [smem:$0x7EE];
	[sflag:s5] =	ssyncadd.s32 $0xFFFFD800  }
0x3a6: {  	[tilespmem:s12], [sflag:$0x1] =	stream.indirect.gather [hbm4b:s3+s11], $0x80, s28, s11, $0xb8;
	[tilespmem:$0xFD00] =	vst v63  }
0x3a7: {  	_ = 	snop  }
0x3a8: {  	[tilespmem:s13], [sflag:$0x1] =	stream.indirect.gather [hbm4b:s4+s11], $0x80, s29, s11, $0xb8;
	[tilespmem:$0xFD00] =	vst v63  }
0x3a9: {  	_ =	swait.ge [sflag:s10], $0x2800  }
0x3aa: {  	[sflag:s10] =	ssyncset.done $0x0  }
0x3ab: {  	[sflag:s10] =	ssyncadd.s32 $0xFFFFD800  }
0x3ac: {  	_ =	swait.ge [sflag:s10], $0x2800  }
0x3ad: {  	[sflag:s10] =	ssyncset.done $0x0  }
0x3ae: {  	s30 =	rddreg [dreg:$0xc];
	[sflag:s10] =	ssyncadd.s32 $0xFFFFD800  }
0x3af: {  	[hbm4b:s30+s2] =	stream.linear.scatter [tilespmem:s8], [sflag:$0x2], $0x2800, $0x38;
	[tilespmem:$0xFD00] =	vst v63  }
0x3b0: {  	s31 =	rddreg [dreg:$0xd]  }
0x3b1: {  	[hbm4b:s31+s2] =	stream.linear.scatter [tilespmem:s9], [sflag:$0x2], $0x2800, $0x38;
	[tilespmem:$0xFD00] =	vst v63  }
0x3b2: {  	_ =	swait.ge [sflag:s5], $0x2800  }
0x3b3: {  	[sflag:s5] =	ssyncset.done $0x0  }
0x3b4: {  	[sflag:s5] =	ssyncadd.s32 $0xFFFFD800  }
0x3b5: {  	_ =	swait.ge [sflag:s5], $0x2800  }
0x3b6: {  	s28 =	sld [smem:$0x7EF]  }
0x3b7: {  	[sflag:s5] =	ssyncset.done $0x0  }
0x3b8: {  	s29 =	sld [smem:$0x7F0];
	[sflag:s5] =	ssyncadd.s32 $0xFFFFD800  }
0x3b9: {  	[tilespmem:s8], [sflag:$0x1] =	stream.indirect.gather [hbm4b:s3+s11], $0x80, s28, s11, $0xb8;
	[tilespmem:$0xFD00] =	vst v63  }
0x3ba: {  	_ = 	snop  }
0x3bb: {  	[tilespmem:s9], [sflag:$0x1] =	stream.indirect.gather [hbm4b:s4+s11], $0x80, s29, s11, $0xb8;
	[tilespmem:$0xFD00] =	vst v63  }
0x3bc: {  	_ =	swait.ge [sflag:s10], $0x2800  }
0x3bd: {  	[sflag:s10] =	ssyncset.done $0x0  }
0x3be: {  	[sflag:s10] =	ssyncadd.s32 $0xFFFFD800  }
0x3bf: {  	_ =	swait.ge [sflag:s10], $0x2800  }
0x3c0: {  	[sflag:s10] =	ssyncset.done $0x0  }
0x3c1: {  	s30 =	rddreg [dreg:$0xe];
	[sflag:s10] =	ssyncadd.s32 $0xFFFFD800  }
0x3c2: {  	[hbm4b:s30+s2] =	stream.linear.scatter [tilespmem:s6], [sflag:$0x2], $0x2800, $0x38;
	[tilespmem:$0xFD00] =	vst v63  }
0x3c3: {  	s31 =	rddreg [dreg:$0xf]  }
0x3c4: {  	[hbm4b:s31+s2] =	stream.linear.scatter [tilespmem:s7], [sflag:$0x2], $0x2800, $0x38;
	[tilespmem:$0xFD00] =	vst v63  }
0x3c5: {  	_ =	swait.ge [sflag:s5], $0x2800  }
0x3c6: {  	[sflag:s5] =	ssyncset.done $0x0  }
0x3c7: {  	[sflag:s5] =	ssyncadd.s32 $0xFFFFD800  }
0x3c8: {  	_ =	swait.ge [sflag:s5], $0x2800  }
0x3c9: {  	s28 =	sld [smem:$0x7F1]  }
0x3ca: {  	[sflag:s5] =	ssyncset.done $0x0  }
0x3cb: {  	s29 =	sld [smem:$0x7F2];
	[sflag:s5] =	ssyncadd.s32 $0xFFFFD800  }
0x3cc: {  	[tilespmem:s6], [sflag:$0x1] =	stream.indirect.gather [hbm4b:s3+s11], $0x80, s28, s11, $0xb8;
	[tilespmem:$0xFD00] =	vst v63  }
0x3cd: {  	_ = 	snop  }
0x3ce: {  	[tilespmem:s7], [sflag:$0x1] =	stream.indirect.gather [hbm4b:s4+s11], $0x80, s29, s11, $0xb8;
	[tilespmem:$0xFD00] =	vst v63  }
0x3cf: {  	_ =	swait.ge [sflag:s10], $0x2800  }
0x3d0: {  	[sflag:s10] =	ssyncset.done $0x0  }
0x3d1: {  	[sflag:s10] =	ssyncadd.s32 $0xFFFFD800  }
0x3d2: {  	_ =	swait.ge [sflag:s10], $0x2800  }
0x3d3: {  	[sflag:s10] =	ssyncset.done $0x0  }
0x3d4: {  	s30 =	rddreg [dreg:$0x10];
	[sflag:s10] =	ssyncadd.s32 $0xFFFFD800  }
0x3d5: {  	[hbm4b:s30+s2] =	stream.linear.scatter [tilespmem:s12], [sflag:$0x2], $0x2800, $0x38;
	[tilespmem:$0xFD00] =	vst v63  }
0x3d6: {  	s31 =	rddreg [dreg:$0x11]  }
0x3d7: {  	[hbm4b:s31+s2] =	stream.linear.scatter [tilespmem:s13], [sflag:$0x2], $0x2800, $0x38;
	[tilespmem:$0xFD00] =	vst v63  }
0x3d8: {  	_ =	swait.ge [sflag:s5], $0x2800  }
0x3d9: {  	[sflag:s5] =	ssyncset.done $0x0  }
0x3da: {  	[sflag:s5] =	ssyncadd.s32 $0xFFFFD800  }
0x3db: {  	_ =	swait.ge [sflag:s5], $0x2800  }
0x3dc: {  	s28 =	sld [smem:$0x7F3]  }
0x3dd: {  	[sflag:s5] =	ssyncset.done $0x0  }
0x3de: {  	s29 =	sld [smem:$0x7F4];
	[sflag:s5] =	ssyncadd.s32 $0xFFFFD800  }
0x3df: {  	[tilespmem:s12], [sflag:$0x1] =	stream.indirect.gather [hbm4b:s3+s11], $0x80, s28, s11, $0xb8;
	[tilespmem:$0xFD00] =	vst v63  }
0x3e0: {  	_ = 	snop  }
0x3e1: {  	[tilespmem:s13], [sflag:$0x1] =	stream.indirect.gather [hbm4b:s4+s11], $0x80, s29, s11, $0xb8;
	[tilespmem:$0xFD00] =	vst v63  }
0x3e2: {  	_ =	swait.ge [sflag:s10], $0x2800  }
0x3e3: {  	[sflag:s10] =	ssyncset.done $0x0  }
0x3e4: {  	[sflag:s10] =	ssyncadd.s32 $0xFFFFD800  }
0x3e5: {  	_ =	swait.ge [sflag:s10], $0x2800  }
0x3e6: {  	[sflag:s10] =	ssyncset.done $0x0  }
0x3e7: {  	s30 =	rddreg [dreg:$0x12];
	[sflag:s10] =	ssyncadd.s32 $0xFFFFD800  }
0x3e8: {  	[hbm4b:s30+s2] =	stream.linear.scatter [tilespmem:s8], [sflag:$0x2], $0x2800, $0x38;
	[tilespmem:$0xFD00] =	vst v63  }
0x3e9: {  	s31 =	rddreg [dreg:$0x13]  }
0x3ea: {  	[hbm4b:s31+s2] =	stream.linear.scatter [tilespmem:s9], [sflag:$0x2], $0x2800, $0x38;
	[tilespmem:$0xFD00] =	vst v63  }
0x3eb: {  	_ =	swait.ge [sflag:s5], $0x2800  }
0x3ec: {  	[sflag:s5] =	ssyncset.done $0x0  }
0x3ed: {  	[sflag:s5] =	ssyncadd.s32 $0xFFFFD800  }
0x3ee: {  	_ =	swait.ge [sflag:s5], $0x2800  }
0x3ef: {  	s28 =	sld [smem:$0x7F5]  }
0x3f0: {  	[sflag:s5] =	ssyncset.done $0x0  }
0x3f1: {  	s29 =	sld [smem:$0x7F6];
	[sflag:s5] =	ssyncadd.s32 $0xFFFFD800  }
0x3f2: {  	[tilespmem:s8], [sflag:$0x1] =	stream.indirect.gather [hbm4b:s3+s11], $0x80, s28, s11, $0xb8;
	[tilespmem:$0xFD00] =	vst v63  }
0x3f3: {  	_ = 	snop  }
0x3f4: {  	[tilespmem:s9], [sflag:$0x1] =	stream.indirect.gather [hbm4b:s4+s11], $0x80, s29, s11, $0xb8;
	[tilespmem:$0xFD00] =	vst v63  }
0x3f5: {  	_ =	swait.ge [sflag:s10], $0x2800  }
0x3f6: {  	[sflag:s10] =	ssyncset.done $0x0  }
0x3f7: {  	[sflag:s10] =	ssyncadd.s32 $0xFFFFD800  }
0x3f8: {  	_ =	swait.ge [sflag:s10], $0x2800  }
0x3f9: {  	[sflag:s10] =	ssyncset.done $0x0  }
0x3fa: {  	s30 =	rddreg [dreg:$0x14];
	[sflag:s10] =	ssyncadd.s32 $0xFFFFD800  }
0x3fb: {  	[hbm4b:s30+s2] =	stream.linear.scatter [tilespmem:s6], [sflag:$0x2], $0x2800, $0x38;
	[tilespmem:$0xFD00] =	vst v63  }
0x3fc: {  	s31 =	rddreg [dreg:$0x15]  }
0x3fd: {  	[hbm4b:s31+s2] =	stream.linear.scatter [tilespmem:s7], [sflag:$0x2], $0x2800, $0x38;
	[tilespmem:$0xFD00] =	vst v63  }
0x3fe: {  	_ =	swait.ge [sflag:s5], $0x2800  }
0x3ff: {  	[sflag:s5] =	ssyncset.done $0x0  }
0x400: {  	[sflag:s5] =	ssyncadd.s32 $0xFFFFD800  }
0x401: {  	_ =	swait.ge [sflag:s5], $0x2800  }
0x402: {  	s28 =	sld [smem:$0x7F7]  }
0x403: {  	[sflag:s5] =	ssyncset.done $0x0  }
0x404: {  	s29 =	sld [smem:$0x7F8];
	[sflag:s5] =	ssyncadd.s32 $0xFFFFD800  }
0x405: {  	[tilespmem:s6], [sflag:$0x1] =	stream.indirect.gather [hbm4b:s3+s11], $0x80, s28, s11, $0xb8;
	[tilespmem:$0xFD00] =	vst v63  }
0x406: {  	_ = 	snop  }
0x407: {  	[tilespmem:s7], [sflag:$0x1] =	stream.indirect.gather [hbm4b:s4+s11], $0x80, s29, s11, $0xb8;
	[tilespmem:$0xFD00] =	vst v63  }
0x408: {  	_ =	swait.ge [sflag:s10], $0x2800  }
0x409: {  	[sflag:s10] =	ssyncset.done $0x0  }
0x40a: {  	[sflag:s10] =	ssyncadd.s32 $0xFFFFD800  }
0x40b: {  	_ =	swait.ge [sflag:s10], $0x2800  }
0x40c: {  	[sflag:s10] =	ssyncset.done $0x0  }
0x40d: {  	s30 =	rddreg [dreg:$0x16];
	[sflag:s10] =	ssyncadd.s32 $0xFFFFD800  }
0x40e: {  	[hbm4b:s30+s2] =	stream.linear.scatter [tilespmem:s12], [sflag:$0x2], $0x2800, $0x38;
	[tilespmem:$0xFD00] =	vst v63  }
0x40f: {  	s31 =	rddreg [dreg:$0x17]  }
0x410: {  	[hbm4b:s31+s2] =	stream.linear.scatter [tilespmem:s13], [sflag:$0x2], $0x2800, $0x38;
	[tilespmem:$0xFD00] =	vst v63  }
0x411: {  	_ =	swait.ge [sflag:s5], $0x2800  }
0x412: {  	[sflag:s5] =	ssyncset.done $0x0  }
0x413: {  	[sflag:s5] =	ssyncadd.s32 $0xFFFFD800  }
0x414: {  	_ =	swait.ge [sflag:s5], $0x2800  }
0x415: {  	s28 =	sld [smem:$0x7F9]  }
0x416: {  	[sflag:s5] =	ssyncset.done $0x0  }
0x417: {  	s29 =	sld [smem:$0x7FA];
	[sflag:s5] =	ssyncadd.s32 $0xFFFFD800  }
0x418: {  	[tilespmem:s12], [sflag:$0x1] =	stream.indirect.gather [hbm4b:s3+s11], $0x80, s28, s11, $0xb8;
	[tilespmem:$0xFD00] =	vst v63  }
0x419: {  	_ = 	snop  }
0x41a: {  	[tilespmem:s13], [sflag:$0x1] =	stream.indirect.gather [hbm4b:s4+s11], $0x80, s29, s11, $0xb8;
	[tilespmem:$0xFD00] =	vst v63  }
0x41b: {  	_ =	swait.ge [sflag:s10], $0x2800  }
0x41c: {  	[sflag:s10] =	ssyncset.done $0x0  }
0x41d: {  	[sflag:s10] =	ssyncadd.s32 $0xFFFFD800  }
0x41e: {  	_ =	swait.ge [sflag:s10], $0x2800  }
0x41f: {  	[sflag:s10] =	ssyncset.done $0x0  }
0x420: {  	s30 =	rddreg [dreg:$0x18];
	[sflag:s10] =	ssyncadd.s32 $0xFFFFD800  }
0x421: {  	[hbm4b:s30+s2] =	stream.linear.scatter [tilespmem:s8], [sflag:$0x2], $0x2800, $0x38;
	[tilespmem:$0xFD00] =	vst v63  }
0x422: {  	s31 =	rddreg [dreg:$0x19]  }
0x423: {  	[hbm4b:s31+s2] =	stream.linear.scatter [tilespmem:s9], [sflag:$0x2], $0x2800, $0x38;
	[tilespmem:$0xFD00] =	vst v63  }
0x424: {  	_ =	swait.ge [sflag:s5], $0x2800  }
0x425: {  	[sflag:s5] =	ssyncset.done $0x0  }
0x426: {  	[sflag:s5] =	ssyncadd.s32 $0xFFFFD800  }
0x427: {  	_ =	swait.ge [sflag:s5], $0x2800  }
0x428: {  	s1 =	sld [smem:$0x7FB]  }
0x429: {  	[sflag:s5] =	ssyncset.done $0x0  }
0x42a: {  	s28 =	sld [smem:$0x7FC];
	[sflag:s5] =	ssyncadd.s32 $0xFFFFD800  }
0x42b: {  	[tilespmem:s8], [sflag:$0x1] =	stream.indirect.gather [hbm4b:s3+s11], $0x80, s1, s11, $0xb8;
	[tilespmem:$0xFD00] =	vst v63  }
0x42c: {  	_ = 	snop  }
0x42d: {  	[tilespmem:s9], [sflag:$0x1] =	stream.indirect.gather [hbm4b:s4+s11], $0x80, s28, s11, $0xb8;
	[tilespmem:$0xFD00] =	vst v63  }
0x42e: {  	_ =	swait.ge [sflag:s10], $0x2800  }
0x42f: {  	[sflag:s10] =	ssyncset.done $0x0  }
0x430: {  	[sflag:s10] =	ssyncadd.s32 $0xFFFFD800  }
0x431: {  	_ =	swait.ge [sflag:s10], $0x2800  }
0x432: {  	[sflag:s10] =	ssyncset.done $0x0  }
0x433: {  	s29 =	rddreg [dreg:$0x1a];
	[sflag:s10] =	ssyncadd.s32 $0xFFFFD800  }
0x434: {  	[hbm4b:s29+s2] =	stream.linear.scatter [tilespmem:s6], [sflag:$0x2], $0x2800, $0x38;
	[tilespmem:$0xFD00] =	vst v63  }
0x435: {  	s30 =	rddreg [dreg:$0x1b]  }
0x436: {  	[hbm4b:s30+s2] =	stream.linear.scatter [tilespmem:s7], [sflag:$0x2], $0x2800, $0x38;
	[tilespmem:$0xFD00] =	vst v63  }
0x437: {  	_ =	swait.ge [sflag:s5], $0x2800  }
0x438: {  	[sflag:s5] =	ssyncset.done $0x0  }
0x439: {  	[sflag:s5] =	ssyncadd.s32 $0xFFFFD800  }
0x43a: {  	_ =	swait.ge [sflag:s5], $0x2800  }
0x43b: {  	s31 =	sld [smem:$0x7FD]  }
0x43c: {  	[sflag:s5] =	ssyncset.done $0x0  }
0x43d: {  	[sflag:s5] =	ssyncadd.s32 $0xFFFFD800  }
0x43e: {  	[tilespmem:s6], [sflag:$0x1] =	stream.indirect.gather [hbm4b:s3+s11], $0x80, s31, s11, $0xb8;
	[tilespmem:$0xFD00] =	vst v63  }
0x43f: {  	_ = 	snop  }
0x440: {  	[tilespmem:s7], [sflag:$0x1] =	stream.indirect.gather [hbm4b:s4+s11], $0x80, s16, s11, $0xb8;
	[tilespmem:$0xFD00] =	vst v63  }
0x441: {  	_ =	swait.ge [sflag:s10], $0x2800  }
0x442: {  	[sflag:s10] =	ssyncset.done $0x0  }
0x443: {  	[sflag:s10] =	ssyncadd.s32 $0xFFFFD800  }
0x444: {  	_ =	swait.ge [sflag:s10], $0x2800  }
0x445: {  	[sflag:s10] =	ssyncset.done $0x0  }
0x446: {  	s1 =	rddreg [dreg:$0x1c];
	[sflag:s10] =	ssyncadd.s32 $0xFFFFD800  }
0x447: {  	[hbm4b:s1+s2] =	stream.linear.scatter [tilespmem:s12], [sflag:$0x2], $0x2800, $0x38;
	[tilespmem:$0xFD00] =	vst v63  }
0x448: {  	s16 =	rddreg [dreg:$0x1d]  }
0x449: {  	[hbm4b:s16+s2] =	stream.linear.scatter [tilespmem:s13], [sflag:$0x2], $0x2800, $0x38;
	[tilespmem:$0xFD00] =	vst v63  }
0x44a: {  	_ =	swait.ge [sflag:s5], $0x2800  }
0x44b: {  	[sflag:s5] =	ssyncset.done $0x0  }
0x44c: {  	[sflag:s5] =	ssyncadd.s32 $0xFFFFD800  }
0x44d: {  	_ =	swait.ge [sflag:s5], $0x2800  }
0x44e: {  	[sflag:s5] =	ssyncset.done $0x0  }
0x44f: {  	[sflag:s5] =	ssyncadd.s32 $0xFFFFD800  }
0x450: {  	[tilespmem:s12], [sflag:$0x1] =	stream.indirect.gather [hbm4b:s3+s11], $0x80, s25, s11, $0xb8;
	[tilespmem:$0xFD00] =	vst v63  }
0x451: {  	_ = 	snop  }
0x452: {  	[tilespmem:s13], [sflag:$0x1] =	stream.indirect.gather [hbm4b:s4+s11], $0x80, s26, s11, $0xb8;
	[tilespmem:$0xFD00] =	vst v63  }
0x453: {  	_ =	swait.ge [sflag:s10], $0x2800  }
0x454: {  	[sflag:s10] =	ssyncset.done $0x0  }
0x455: {  	[sflag:s10] =	ssyncadd.s32 $0xFFFFD800  }
0x456: {  	_ =	swait.ge [sflag:s10], $0x2800  }
0x457: {  	[sflag:s10] =	ssyncset.done $0x0  }
0x458: {  	s28 =	rddreg [dreg:$0x1e];
	[sflag:s10] =	ssyncadd.s32 $0xFFFFD800  }
0x459: {  	[hbm4b:s28+s2] =	stream.linear.scatter [tilespmem:s8], [sflag:$0x2], $0x2800, $0x38;
	[tilespmem:$0xFD00] =	vst v63  }
0x45a: {  	s29 =	rddreg [dreg:$0x1f]  }
0x45b: {  	[hbm4b:s29+s2] =	stream.linear.scatter [tilespmem:s9], [sflag:$0x2], $0x2800, $0x38;
	[tilespmem:$0xFD00] =	vst v63  }
0x45c: {  	_ =	swait.ge [sflag:s5], $0x2800  }
0x45d: {  	[sflag:s5] =	ssyncset.done $0x0  }
0x45e: {  	[sflag:s5] =	ssyncadd.s32 $0xFFFFD800  }
0x45f: {  	_ =	swait.ge [sflag:s5], $0x2800  }
0x460: {  	[sflag:s5] =	ssyncset.done $0x0  }
0x461: {  	[sflag:s5] =	ssyncadd.s32 $0xFFFFD800  }
0x462: {  	[tilespmem:s8], [sflag:$0x1] =	stream.indirect.gather [hbm4b:s3+s11], $0x80, s23, s11, $0xb8;
	[tilespmem:$0xFD00] =	vst v63  }
0x463: {  	_ = 	snop  }
0x464: {  	[tilespmem:s9], [sflag:$0x1] =	stream.indirect.gather [hbm4b:s4+s11], $0x80, s24, s11, $0xb8;
	[tilespmem:$0xFD00] =	vst v63  }
0x465: {  	_ =	swait.ge [sflag:s10], $0x2800  }
0x466: {  	[sflag:s10] =	ssyncset.done $0x0  }
0x467: {  	[sflag:s10] =	ssyncadd.s32 $0xFFFFD800  }
0x468: {  	_ =	swait.ge [sflag:s10], $0x2800  }
0x469: {  	s30 =	sld [smem:$0x7D8]  }
0x46a: {  	[sflag:s10] =	ssyncset.done $0x0  }
0x46b: {  	s31 =	sld [smem:$0x7D9];
	[sflag:s10] =	ssyncadd.s32 $0xFFFFD800  }
0x46c: {  	[hbm4b:s30+s2] =	stream.linear.scatter [tilespmem:s6], [sflag:$0x2], $0x2800, $0x38;
	[tilespmem:$0xFD00] =	vst v63  }
0x46d: {  	_ = 	snop  }
0x46e: {  	[hbm4b:s31+s2] =	stream.linear.scatter [tilespmem:s7], [sflag:$0x2], $0x2800, $0x38;
	[tilespmem:$0xFD00] =	vst v63  }
0x46f: {  	_ =	swait.ge [sflag:s5], $0x2800  }
0x470: {  	[sflag:s5] =	ssyncset.done $0x0  }
0x471: {  	[sflag:s5] =	ssyncadd.s32 $0xFFFFD800  }
0x472: {  	_ =	swait.ge [sflag:s5], $0x2800  }
0x473: {  	[sflag:s5] =	ssyncset.done $0x0  }
0x474: {  	[sflag:s5] =	ssyncadd.s32 $0xFFFFD800  }
0x475: {  	[tilespmem:s6], [sflag:$0x1] =	stream.indirect.gather [hbm4b:s3+s11], $0x80, s21, s11, $0xb8;
	[tilespmem:$0xFD00] =	vst v63  }
0x476: {  	_ = 	snop  }
0x477: {  	[tilespmem:s7], [sflag:$0x1] =	stream.indirect.gather [hbm4b:s4+s11], $0x80, s22, s11, $0xb8;
	[tilespmem:$0xFD00] =	vst v63  }
0x478: {  	_ =	swait.ge [sflag:s10], $0x2800  }
0x479: {  	[sflag:s10] =	ssyncset.done $0x0  }
0x47a: {  	[sflag:s10] =	ssyncadd.s32 $0xFFFFD800  }
0x47b: {  	_ =	swait.ge [sflag:s10], $0x2800  }
0x47c: {  	s1 =	sld [smem:$0x7DA]  }
0x47d: {  	[sflag:s10] =	ssyncset.done $0x0  }
0x47e: {  	s16 =	sld [smem:$0x7DB];
	[sflag:s10] =	ssyncadd.s32 $0xFFFFD800  }
0x47f: {  	[hbm4b:s1+s2] =	stream.linear.scatter [tilespmem:s12], [sflag:$0x2], $0x2800, $0x38;
	[tilespmem:$0xFD00] =	vst v63  }
0x480: {  	_ = 	snop  }
0x481: {  	[hbm4b:s16+s2] =	stream.linear.scatter [tilespmem:s13], [sflag:$0x2], $0x2800, $0x38;
	[tilespmem:$0xFD00] =	vst v63  }
0x482: {  	_ =	swait.ge [sflag:s5], $0x2800  }
0x483: {  	[sflag:s5] =	ssyncset.done $0x0  }
0x484: {  	[sflag:s5] =	ssyncadd.s32 $0xFFFFD800  }
0x485: {  	_ =	swait.ge [sflag:s5], $0x2800  }
0x486: {  	[sflag:s5] =	ssyncset.done $0x0  }
0x487: {  	[sflag:s5] =	ssyncadd.s32 $0xFFFFD800  }
0x488: {  	[tilespmem:s12], [sflag:$0x1] =	stream.indirect.gather [hbm4b:s3+s11], $0x80, s19, s11, $0xb8;
	[tilespmem:$0xFD00] =	vst v63  }
0x489: {  	_ = 	snop  }
0x48a: {  	[tilespmem:s13], [sflag:$0x1] =	stream.indirect.gather [hbm4b:s4+s11], $0x80, s20, s11, $0xb8;
	[tilespmem:$0xFD00] =	vst v63  }
0x48b: {  	_ =	swait.ge [sflag:s10], $0x2800  }
0x48c: {  	[sflag:s10] =	ssyncset.done $0x0  }
0x48d: {  	[sflag:s10] =	ssyncadd.s32 $0xFFFFD800  }
0x48e: {  	_ =	swait.ge [sflag:s10], $0x2800  }
0x48f: {  	s20 =	sld [smem:$0x7DC]  }
0x490: {  	[sflag:s10] =	ssyncset.done $0x0  }
0x491: {  	s21 =	sld [smem:$0x7DD];
	[sflag:s10] =	ssyncadd.s32 $0xFFFFD800  }
0x492: {  	[hbm4b:s20+s2] =	stream.linear.scatter [tilespmem:s8], [sflag:$0x2], $0x2800, $0x38;
	[tilespmem:$0xFD00] =	vst v63  }
0x493: {  	_ = 	snop  }
0x494: {  	[hbm4b:s21+s2] =	stream.linear.scatter [tilespmem:s9], [sflag:$0x2], $0x2800, $0x38;
	[tilespmem:$0xFD00] =	vst v63  }
0x495: {  	_ =	swait.ge [sflag:s5], $0x2800  }
0x496: {  	[sflag:s5] =	ssyncset.done $0x0  }
0x497: {  	[sflag:s5] =	ssyncadd.s32 $0xFFFFD800  }
0x498: {  	_ =	swait.ge [sflag:s5], $0x2800  }
0x499: {  	[sflag:s5] =	ssyncset.done $0x0  }
0x49a: {  	[sflag:s5] =	ssyncadd.s32 $0xFFFFD800  }
0x49b: {  	[tilespmem:s8], [sflag:$0x1] =	stream.indirect.gather [hbm4b:s3+s11], $0x80, s17, s11, $0xb8;
	[tilespmem:$0xFD00] =	vst v63  }
0x49c: {  	_ = 	snop  }
0x49d: {  	[tilespmem:s9], [sflag:$0x1] =	stream.indirect.gather [hbm4b:s4+s11], $0x80, s18, s11, $0xb8;
	[tilespmem:$0xFD00] =	vst v63  }
0x49e: {  	_ =	swait.ge [sflag:s10], $0x2800  }
0x49f: {  	[sflag:s10] =	ssyncset.done $0x0  }
0x4a0: {  	[sflag:s10] =	ssyncadd.s32 $0xFFFFD800  }
0x4a1: {  	_ =	swait.ge [sflag:s10], $0x2800  }
0x4a2: {  	s22 =	sld [smem:$0x7DE]  }
0x4a3: {  	[sflag:s10] =	ssyncset.done $0x0  }
0x4a4: {  	s23 =	sld [smem:$0x7DF];
	[sflag:s10] =	ssyncadd.s32 $0xFFFFD800  }
0x4a5: {  	[hbm4b:s22+s2] =	stream.linear.scatter [tilespmem:s6], [sflag:$0x2], $0x2800, $0x38;
	[tilespmem:$0xFD00] =	vst v63  }
0x4a6: {  	_ = 	snop  }
0x4a7: {  	[hbm4b:s23+s2] =	stream.linear.scatter [tilespmem:s7], [sflag:$0x2], $0x2800, $0x38;
	[tilespmem:$0xFD00] =	vst v63  }
0x4a8: {  	_ =	swait.ge [sflag:s5], $0x2800  }
0x4a9: {  	[sflag:s5] =	ssyncset.done $0x0  }
0x4aa: {  	[sflag:s5] =	ssyncadd.s32 $0xFFFFD800  }
0x4ab: {  	_ =	swait.ge [sflag:s5], $0x2800  }
0x4ac: {  	[sflag:s5] =	ssyncset.done $0x0  }
0x4ad: {  	[sflag:s5] =	ssyncadd.s32 $0xFFFFD800  }
0x4ae: {  	[tilespmem:s6], [sflag:$0x1] =	stream.indirect.gather [hbm4b:s3+s11], $0x80, s15, s11, $0xb8;
	[tilespmem:$0xFD00] =	vst v63  }
0x4af: {  	s24 =	simm.s32 $0xC70  }
0x4b0: {  	[tilespmem:s7], [sflag:$0x1] =	stream.indirect.gather [hbm4b:s4+s11], $0x80, s24, s11, $0xb8;
	[tilespmem:$0xFD00] =	vst v63  }
0x4b1: {  	_ =	swait.ge [sflag:s10], $0x2800  }
0x4b2: {  	[sflag:s10] =	ssyncset.done $0x0  }
0x4b3: {  	[sflag:s10] =	ssyncadd.s32 $0xFFFFD800  }
0x4b4: {  	_ =	swait.ge [sflag:s10], $0x2800  }
0x4b5: {  	s25 =	sld [smem:$0x7E0]  }
0x4b6: {  	[sflag:s10] =	ssyncset.done $0x0  }
0x4b7: {  	s26 =	sld [smem:$0x7E1];
	[sflag:s10] =	ssyncadd.s32 $0xFFFFD800  }
0x4b8: {  	[hbm4b:s25+s2] =	stream.linear.scatter [tilespmem:s12], [sflag:$0x2], $0x2800, $0x38;
	[tilespmem:$0xFD00] =	vst v63  }
0x4b9: {  	_ = 	snop  }
0x4ba: {  	[hbm4b:s26+s2] =	stream.linear.scatter [tilespmem:s13], [sflag:$0x2], $0x2800, $0x38;
	[tilespmem:$0xFD00] =	vst v63  }
0x4bb: {  	_ =	swait.ge [sflag:s10], $0x2800  }
0x4bc: {  	[sflag:s10] =	ssyncset.done $0x0  }
0x4bd: {  	[sflag:s10] =	ssyncadd.s32 $0xFFFFD800  }
0x4be: {  	_ =	swait.ge [sflag:s10], $0x2800  }
0x4bf: {  	s28 =	sld [smem:$0x7E2]  }
0x4c0: {  	[sflag:s10] =	ssyncset.done $0x0  }
0x4c1: {  	s29 =	sld [smem:$0x7E3];
	[sflag:s10] =	ssyncadd.s32 $0xFFFFD800  }
0x4c2: {  	[hbm4b:s28+s2] =	stream.linear.scatter [tilespmem:s8], [sflag:$0x2], $0x2800, $0x38;
	[tilespmem:$0xFD00] =	vst v63  }
0x4c3: {  	_ = 	snop  }
0x4c4: {  	[hbm4b:s29+s2] =	stream.linear.scatter [tilespmem:s9], [sflag:$0x2], $0x2800, $0x38;
	[tilespmem:$0xFD00] =	vst v63  }
0x4c5: {  	_ =	swait.ge [sflag:s10], $0x2800  }
0x4c6: {  	[sflag:s10] =	ssyncset.done $0x0  }
0x4c7: {  	[sflag:s10] =	ssyncadd.s32 $0xFFFFD800  }
0x4c8: {  	_ =	swait.ge [sflag:s10], $0x2800  }
0x4c9: {  	s30 =	sld [smem:$0x7E4]  }
0x4ca: {  	[sflag:s10] =	ssyncset.done $0x0  }
0x4cb: {  	s31 =	sld [smem:$0x7E5];
	[sflag:s10] =	ssyncadd.s32 $0xFFFFD800  }
0x4cc: {  	[hbm4b:s30+s2] =	stream.linear.scatter [tilespmem:s6], [sflag:$0x2], $0x2800, $0x38;
	[tilespmem:$0xFD00] =	vst v63  }
0x4cd: {  	_ = 	snop  }
0x4ce: {  	[hbm4b:s31+s2] =	stream.linear.scatter [tilespmem:s7], [sflag:$0x2], $0x2800, $0x38;
	[tilespmem:$0xFD00] =	vst v63  }
0x4cf: {  	_ =	swait.ge [sflag:s5], $0x2800  }
0x4d0: {  	[sflag:s5] =	ssyncset.done $0x0  }
0x4d1: {  	[sflag:s5] =	ssyncadd.s32 $0xFFFFD800  }
0x4d2: {  	_ =	swait.ge [sflag:s5], $0x2800  }
0x4d3: {  	[sflag:s5] =	ssyncset.done $0x0  }
0x4d4: {  	[sflag:s5] =	ssyncadd.s32 $0xFFFFD800  }
0x4d5: {  	_ =	swait.ge [sflag:s5], $0x2800  }
0x4d6: {  	[sflag:s5] =	ssyncset.done $0x0  }
0x4d7: {  	[sflag:s5] =	ssyncadd.s32 $0xFFFFD800  }
0x4d8: {  	_ =	swait.ge [sflag:s5], $0x2800  }
0x4d9: {  	[sflag:s5] =	ssyncset.done $0x0  }
0x4da: {  	[sflag:s5] =	ssyncadd.s32 $0xFFFFD800  }
0x4db: {  	_ =	swait.ge [sflag:s5], $0x2800  }
0x4dc: {  	[sflag:s5] =	ssyncset.done $0x0  }
0x4dd: {  	[sflag:s5] =	ssyncadd.s32 $0xFFFFD800  }
0x4de: {  	_ =	swait.ge [sflag:s5], $0x2800  }
0x4df: {  	[sflag:s5] =	ssyncset.done $0x0  }
0x4e0: {  	[sflag:s5] =	ssyncadd.s32 $0xFFFFD800  }
0x4e1: {  	_ =	sfence.sel $0x180000  }
0x4e2: {  	[bflag:$0x0] =	sbarrier.arrive $0xFFFF  }
0x4e3: {  	_ =	strace $0x90000047  }
0x4e4: {  	[bflag:$0x2] =	sbarrier.arrive $0xFFFF  }
0x4e5: {  	p0 =	sne.s32 s14, $0x0;
	s0 =	rddreg [dreg:$0x3]  }
0x4e6: {  	s0 =	sadd.s32 @!p0 $0x100000, s0  }
0x4e7: {  	[sflag:s0] =	ssyncadd.tile.s32 @!p0 $0x1;
	_ =	shalt  }
.LBB2_1:
.Ltmp3:
0x4e8: {  	(pc) =	sbr.rel .LBB2_6-.Ltmp3, $4  }
0x4e9: {  	s16 =	simm.s32 $0xA90;
	s26 =	simm.s32 $0xAE0;
	s25 =	simm.s32 $0x460  }
0x4ea: {  	s24 =	simm.s32 $0xB30;
	s23 =	simm.s32 $0x4B0;
	s22 =	simm.s32 $0xB80  }
0x4eb: {  	s21 =	simm.s32 $0x500;
	s20 =	simm.s32 $0xBD0;
	s19 =	simm.s32 $0x550  }
0x4ec: {  	s18 =	simm.s32 $0xC20;
	s17 =	simm.s32 $0x5A0;
	s15 =	simm.s32 $0x5F0  }
.LBB2_3:
.Ltmp4:
0x4ed: {  	s16 =	simm.s32 $0xA90;
	(pc) =	sbr.rel .LBB2_6-.Ltmp4, $4  }
0x4ee: {  	s26 =	simm.s32 $0xAE0;
	s25 =	simm.s32 $0x460;
	s24 =	simm.s32 $0xB30  }
0x4ef: {  	s23 =	simm.s32 $0x4B0;
	s22 =	simm.s32 $0xB80;
	s21 =	simm.s32 $0x500  }
0x4f0: {  	s20 =	simm.s32 $0xBD0;
	s19 =	simm.s32 $0x550;
	s18 =	simm.s32 $0xC20  }
0x4f1: {  	s17 =	simm.s32 $0x5A0;
	s15 =	simm.s32 $0x5F0;
	s14 =	stileid.u32  }
.Lfunc_end2:
_tile_overlayer_lowered:
.L_overlay_start_2:
0x4f2: {  	(tag) =	ssettag $0x2  }
0x4f3: {  	s0 =	rddreg [dreg:$0x0];
	s2 =	stileid.u32  }
0x4f4: {  	s1 =	rddreg [dreg:$0x1];
	p0 =	sne.s32 s2, $0x0  }
0x4f5: {  	s3 =	rddreg [dreg:$0x2];
	[bflag:$0x3] =	sbarrier.arrive $0xFFFF;
	s2 =	simm.s32 @!p0 $0x1C03  }
0x4f6: {  	[timem:s3], [sflag:s2] =	dma.local @!p0 [hbm:s0], s1  }
0x4f7: {  	s0 =	simm.s32 @!p0 $0x3  }
0x4f8: {  	_ =	swait.ge @!p0 [sflag:s0], s1  }
0x4f9: {  	s1 =	ssub.s32 @!p0 $0x0, s1;
	[sflag:s0] =	ssyncset.done @!p0 $0x0  }
0x4fa: {  	[sflag:s0] =	ssyncadd.s32 @!p0 s1  }
0x4fb: {  	[bflag:$0x3] =	sbarrier.arrive $0xFFFF  }
0x4fc: {  	_ =	shalt  }

</sc_bundles>
